<compile_context>
chip_gen: v7x
topology: tpu7x:2x2x1
jax: 0.10.2.dev20260603
libtpu: 0.0.44.dev20260713+nightly
codegen_flags: <defaults>
</compile_context>

<pallas_src>
import jax
import jax.numpy as jnp
from jax import lax
from jax.experimental import pallas as pl
from jax.experimental.pallas import tpu as pltpu
from jax.experimental.pallas import tpu_sc as plsc

_NUM_CORES = 2
_NUM_SUBCORES = 16
_NUM_WORKERS = _NUM_CORES * _NUM_SUBCORES
_LANES = 128
_BPW = 128


def kernel(classes_idx, weights):
    batch, hist = classes_idx.shape
    vocab, embed_dim = weights.shape
    rows_per_line = _LANES // embed_dim

    table = weights.reshape(vocab // rows_per_line, _LANES)
    idx_t = classes_idx.T

    num_groups = (hist + 1) // 2
    num_pairs = (num_groups + 1) // 2

    mesh = plsc.VectorSubcoreMesh(core_axis_name="c", subcore_axis_name="s")

    @pl.kernel(
        out_type=jax.ShapeDtypeStruct((hist, embed_dim, batch), weights.dtype),
        mesh=mesh,
        compiler_params=pltpu.CompilerParams(needs_layout_passes=False),
        scratch_types=[
            pltpu.VMEM((hist, _BPW), jnp.int32),
            pltpu.VMEM((hist, _BPW), jnp.int32),
            pltpu.VMEM((2 * _BPW, _LANES), weights.dtype),
            pltpu.VMEM((2 * _BPW, _LANES), weights.dtype),
            pltpu.VMEM((2, embed_dim, _BPW), weights.dtype),
            pltpu.VMEM((2, embed_dim, _BPW), weights.dtype),
            pltpu.SemaphoreType.DMA,
            pltpu.SemaphoreType.DMA,
            pltpu.SemaphoreType.DMA,
        ],
    )
    def gather_kernel(table_hbm, idx_hbm, out_hbm, idx_v, q_v, slab0, slab1,
                      outt0, outt1, gsem, wsem0, wsem1):
        wid = lax.axis_index("s") * _NUM_CORES + lax.axis_index("c")
        b0 = wid * _BPW

        pltpu.sync_copy(idx_hbm.at[:, pl.ds(b0, _BPW)], idx_v)

        iota16 = lax.iota(jnp.int32, 16)
        zero16 = jnp.zeros((16,), jnp.int32)
        perms = [(iota16 + j) & 15 for j in range(16)]

        @pl.loop(0, hist)
        def _(h):
            for m in range(_BPW // 16):
                q_v.at[h, pl.ds(16 * m, 16)][...] = (
                    idx_v.at[h, pl.ds(16 * m, 16)][...] >> 2)

        def fire_group(slab, g):
            for t in range(2):
                pltpu.async_copy(table_hbm.at[q_v.at[2 * g + t]],
                                 slab.at[pl.ds(t * _BPW, _BPW)], gsem)

        def drain_group(slab):
            for t in range(2):
                pltpu.make_async_copy(
                    table_hbm.at[pl.ds(0, _BPW)],
                    slab.at[pl.ds(t * _BPW, _BPW)], gsem).wait()

        def transpose(slab, outt, g):
            @pl.loop(0, _BPW // 16)
            def _(kb):
                for t in range(2):
                    rows = t * _BPW + 16 * kb + iota16
                    orows = 16 * kb + iota16
                    r32 = (idx_v.at[2 * g + t, pl.ds(16 * kb, 16)][...]
                           & (rows_per_line - 1)) * embed_dim
                    tvec = jnp.full((16,), t, jnp.int32)
                    for cg in range(0, embed_dim, 16):
                        for j in range(16):
                            v = plsc.load_gather(
                                slab, [rows, r32 + cg + perms[j]])
                            plsc.store_scatter(
                                outt, [tvec, cg + perms[j], orows], v)

        def fire_wb(outt, g, wsem):
            pltpu.async_copy(
                outt, out_hbm.at[pl.ds(2 * g, 2), :, pl.ds(b0, _BPW)], wsem)

        def wait_wb(outt, wsem):
            pltpu.make_async_copy(
                outt, out_hbm.at[pl.ds(0, 2), :, pl.ds(b0, _BPW)], wsem).wait()

        fire_group(slab0, 0)
        fire_group(slab1, 1)

        @pl.loop(0, num_pairs)
        def _(p):
            g0 = 2 * p
            g1 = g0 + 1

            drain_group(slab0)

            @pl.when(p > 0)
            def _():
                wait_wb(outt0, wsem0)

            transpose(slab0, outt0, g0)
            fire_wb(outt0, g0, wsem0)

            @pl.when(g0 + 2 < num_groups)
            def _():
                fire_group(slab0, g0 + 2)

            @pl.when(g1 < num_groups)
            def _():
                drain_group(slab1)

                @pl.when(p > 0)
                def _():
                    wait_wb(outt1, wsem1)

                transpose(slab1, outt1, g1)
                fire_wb(outt1, g1, wsem1)

                @pl.when(g1 + 2 < num_groups)
                def _():
                    fire_group(slab1, g1 + 2)

        wait_wb(outt0, wsem0)
        wait_wb(outt1, wsem1)

    out = gather_kernel(table, idx_t)
    return jnp.transpose(out, (2, 0, 1))

# --- scband reference (transcript-rebuilt; emitter-appended) ---
"""Pipeline reference for scband-transcript-embedding-77429670412801 (READ-ONLY COPY).

The authoritative reference and input builder live on the scoring server;
editing this copy changes nothing except your own understanding.
"""

import jax, jax.numpy as jnp
import numpy as np

VOCAB = 100000
EMBED_DIM = 32
BATCH = 4096
HIST = 50

def setup_inputs(seed: int = 0) -> dict:
    key = jax.random.key(seed)
    k1, k2 = jax.random.split(key)
    # LabelEncoder fit on classes = arange(VOCAB) is the identity mapping,
    # so pre-encoded integer indices are used directly.
    classes_idx = jax.random.randint(k1, (BATCH, HIST), 0, VOCAB, dtype=jnp.int64) if jax.config.jax_enable_x64 else jax.random.randint(k1, (BATCH, HIST), 0, VOCAB, dtype=jnp.int32)
    weights = jax.random.normal(k2, (VOCAB, EMBED_DIM), dtype=jnp.float32)
    return {"classes_idx": classes_idx, "weights": weights}

def reference(classes_idx, weights):
    # TranscriptEmbedding.embed:
    #   indices = LongTensor(self._encoder.transform(classes))  # identity for arange classes
    #   return F.embedding(indices, self._weights)
    return jnp.take(weights, classes_idx, axis=0)

if __name__ == "__main__":
    import jax
    _d = setup_inputs()
    print(jax.jit(kernel)(*tuple(_d.values())))

</pallas_src>

<mosaic_0001>
#map = affine_map<(d0, d1) -> (0, 0)>
#map1 = affine_map<(d0, d1) -> (0, 0, 0)>
module attributes {stable_mosaic.version = 14 : i64} {
  func.func @gather_kernel(%arg0: i32, %arg1: i32, %arg2: memref<25000x128xf32, #tpu.memory_space<hbm>>, %arg3: memref<50x4096xi32, #tpu.memory_space<hbm>>, %arg4: memref<50x32x4096xf32, #tpu.memory_space<hbm>>, %arg5: memref<50x128xi32, #tpu.memory_space<vmem>>, %arg6: memref<50x128xi32, #tpu.memory_space<vmem>>, %arg7: memref<256x128xf32, #tpu.memory_space<vmem>>, %arg8: memref<256x128xf32, #tpu.memory_space<vmem>>, %arg9: memref<2x32x128xf32, #tpu.memory_space<vmem>>, %arg10: memref<2x32x128xf32, #tpu.memory_space<vmem>>, %arg11: memref<!tpu.dma_semaphore, #tpu.memory_space<semaphore_mem>>, %arg12: memref<!tpu.dma_semaphore, #tpu.memory_space<semaphore_mem>>, %arg13: memref<!tpu.dma_semaphore, #tpu.memory_space<semaphore_mem>>) attributes {dimension_semantics = [#tpu.dimension_semantics<core_parallel>, #tpu.dimension_semantics<subcore_parallel>], iteration_bounds = array<i64: 2, 16>, scalar_prefetch = 0 : i64, scratch_operands = 9 : i64, tpu.core_type = #tpu.core_type<sc_vector_subcore>, window_params = [{transform_indices = #map}, {transform_indices = #map}, {transform_indices = #map1}]} {
    %mul3A = arith.constant 2 : i32
    %mul3A_0 = arith.muli %arg1, %mul3A : i32
    %add3A = arith.addi %mul3A_0, %arg0 : i32
    %mul3A_1 = arith.constant 128 : i32
    %mul3A_2 = arith.muli %add3A, %mul3A_1 : i32
    "tpu.region"() ({
      %run_scoped3A = tpu.sem_alloc : memref<!tpu.dma_semaphore, #tpu.memory_space<semaphore_mem>>
      %dma_start3A_158 = arith.constant 0 : i32
      %dma_start3A_159 = tpu.memref_slice %arg3[%dma_start3A_158, %mul3A_2] : memref<50x4096xi32, #tpu.memory_space<hbm>> -> memref<50x128xi32, #tpu.memory_space<hbm>>
      %dma_start3A_160 = arith.constant 0 : i32
      %dma_start3A_161 = tpu.memref_slice %arg3[%dma_start3A_160, %mul3A_2] : memref<50x4096xi32, #tpu.memory_space<hbm>> -> memref<50x128xi32, #tpu.memory_space<hbm>>
      tpu.enqueue_dma source(%dma_start3A_161 : memref<50x128xi32, #tpu.memory_space<hbm>>) target(%arg5 : memref<50x128xi32, #tpu.memory_space<vmem>>) target_semaphore(%run_scoped3A : memref<!tpu.dma_semaphore, #tpu.memory_space<semaphore_mem>>)
      %dma_wait3A_162 = arith.constant 0 : i32
      %dma_wait3A_163 = tpu.memref_slice %arg3[%dma_wait3A_162, %mul3A_2] : memref<50x4096xi32, #tpu.memory_space<hbm>> -> memref<50x128xi32, #tpu.memory_space<hbm>>
      %dma_wait3A_164 = arith.constant 0 : i32
      %dma_wait3A_165 = tpu.memref_slice %arg3[%dma_wait3A_164, %mul3A_2] : memref<50x4096xi32, #tpu.memory_space<hbm>> -> memref<50x128xi32, #tpu.memory_space<hbm>>
      tpu.wait_dma2 semaphore(%run_scoped3A : memref<!tpu.dma_semaphore, #tpu.memory_space<semaphore_mem>>) src(%dma_wait3A_165 : memref<50x128xi32, #tpu.memory_space<hbm>>) dst(%arg5 : memref<50x128xi32, #tpu.memory_space<vmem>>)
      tpu.yield
    }) : () -> ()
    %iota3A = tpu.iota {dimensions = array<i32: 0>} : vector<16xi32>
    %broadcast_in_dim3A = arith.constant 0 : i32
    %broadcast_in_dim3A_3 = vector.broadcast %broadcast_in_dim3A : i32 to vector<16xi32>
    %add3A_4 = arith.constant 0 : i32
    %add3A_5 = vector.broadcast %add3A_4 : i32 to vector<16xi32>
    %add3A_6 = arith.addi %iota3A, %add3A_5 : vector<16xi32>
    %and3A = arith.constant 15 : i32
    %and3A_7 = vector.broadcast %and3A : i32 to vector<16xi32>
    %and3A_8 = arith.andi %add3A_6, %and3A_7 : vector<16xi32>
    %add3A_9 = arith.constant 1 : i32
    %add3A_10 = vector.broadcast %add3A_9 : i32 to vector<16xi32>
    %add3A_11 = arith.addi %iota3A, %add3A_10 : vector<16xi32>
    %and3A_12 = arith.constant 15 : i32
    %and3A_13 = vector.broadcast %and3A_12 : i32 to vector<16xi32>
    %and3A_14 = arith.andi %add3A_11, %and3A_13 : vector<16xi32>
    %add3A_15 = arith.constant 2 : i32
    %add3A_16 = vector.broadcast %add3A_15 : i32 to vector<16xi32>
    %add3A_17 = arith.addi %iota3A, %add3A_16 : vector<16xi32>
    %and3A_18 = arith.constant 15 : i32
    %and3A_19 = vector.broadcast %and3A_18 : i32 to vector<16xi32>
    %and3A_20 = arith.andi %add3A_17, %and3A_19 : vector<16xi32>
    %add3A_21 = arith.constant 3 : i32
    %add3A_22 = vector.broadcast %add3A_21 : i32 to vector<16xi32>
    %add3A_23 = arith.addi %iota3A, %add3A_22 : vector<16xi32>
    %and3A_24 = arith.constant 15 : i32
    %and3A_25 = vector.broadcast %and3A_24 : i32 to vector<16xi32>
    %and3A_26 = arith.andi %add3A_23, %and3A_25 : vector<16xi32>
    %add3A_27 = arith.constant 4 : i32
    %add3A_28 = vector.broadcast %add3A_27 : i32 to vector<16xi32>
    %add3A_29 = arith.addi %iota3A, %add3A_28 : vector<16xi32>
    %and3A_30 = arith.constant 15 : i32
    %and3A_31 = vector.broadcast %and3A_30 : i32 to vector<16xi32>
    %and3A_32 = arith.andi %add3A_29, %and3A_31 : vector<16xi32>
    %add3A_33 = arith.constant 5 : i32
    %add3A_34 = vector.broadcast %add3A_33 : i32 to vector<16xi32>
    %add3A_35 = arith.addi %iota3A, %add3A_34 : vector<16xi32>
    %and3A_36 = arith.constant 15 : i32
    %and3A_37 = vector.broadcast %and3A_36 : i32 to vector<16xi32>
    %and3A_38 = arith.andi %add3A_35, %and3A_37 : vector<16xi32>
    %add3A_39 = arith.constant 6 : i32
    %add3A_40 = vector.broadcast %add3A_39 : i32 to vector<16xi32>
    %add3A_41 = arith.addi %iota3A, %add3A_40 : vector<16xi32>
    %and3A_42 = arith.constant 15 : i32
    %and3A_43 = vector.broadcast %and3A_42 : i32 to vector<16xi32>
    %and3A_44 = arith.andi %add3A_41, %and3A_43 : vector<16xi32>
    %add3A_45 = arith.constant 7 : i32
    %add3A_46 = vector.broadcast %add3A_45 : i32 to vector<16xi32>
    %add3A_47 = arith.addi %iota3A, %add3A_46 : vector<16xi32>
    %and3A_48 = arith.constant 15 : i32
    %and3A_49 = vector.broadcast %and3A_48 : i32 to vector<16xi32>
    %and3A_50 = arith.andi %add3A_47, %and3A_49 : vector<16xi32>
    %add3A_51 = arith.constant 8 : i32
    %add3A_52 = vector.broadcast %add3A_51 : i32 to vector<16xi32>
    %add3A_53 = arith.addi %iota3A, %add3A_52 : vector<16xi32>
    %and3A_54 = arith.constant 15 : i32
    %and3A_55 = vector.broadcast %and3A_54 : i32 to vector<16xi32>
    %and3A_56 = arith.andi %add3A_53, %and3A_55 : vector<16xi32>
    %add3A_57 = arith.constant 9 : i32
    %add3A_58 = vector.broadcast %add3A_57 : i32 to vector<16xi32>
    %add3A_59 = arith.addi %iota3A, %add3A_58 : vector<16xi32>
    %and3A_60 = arith.constant 15 : i32
    %and3A_61 = vector.broadcast %and3A_60 : i32 to vector<16xi32>
    %and3A_62 = arith.andi %add3A_59, %and3A_61 : vector<16xi32>
    %add3A_63 = arith.constant 10 : i32
    %add3A_64 = vector.broadcast %add3A_63 : i32 to vector<16xi32>
    %add3A_65 = arith.addi %iota3A, %add3A_64 : vector<16xi32>
    %and3A_66 = arith.constant 15 : i32
    %and3A_67 = vector.broadcast %and3A_66 : i32 to vector<16xi32>
    %and3A_68 = arith.andi %add3A_65, %and3A_67 : vector<16xi32>
    %add3A_69 = arith.constant 11 : i32
    %add3A_70 = vector.broadcast %add3A_69 : i32 to vector<16xi32>
    %add3A_71 = arith.addi %iota3A, %add3A_70 : vector<16xi32>
    %and3A_72 = arith.constant 15 : i32
    %and3A_73 = vector.broadcast %and3A_72 : i32 to vector<16xi32>
    %and3A_74 = arith.andi %add3A_71, %and3A_73 : vector<16xi32>
    %add3A_75 = arith.constant 12 : i32
    %add3A_76 = vector.broadcast %add3A_75 : i32 to vector<16xi32>
    %add3A_77 = arith.addi %iota3A, %add3A_76 : vector<16xi32>
    %and3A_78 = arith.constant 15 : i32
    %and3A_79 = vector.broadcast %and3A_78 : i32 to vector<16xi32>
    %and3A_80 = arith.andi %add3A_77, %and3A_79 : vector<16xi32>
    %add3A_81 = arith.constant 13 : i32
    %add3A_82 = vector.broadcast %add3A_81 : i32 to vector<16xi32>
    %add3A_83 = arith.addi %iota3A, %add3A_82 : vector<16xi32>
    %and3A_84 = arith.constant 15 : i32
    %and3A_85 = vector.broadcast %and3A_84 : i32 to vector<16xi32>
    %and3A_86 = arith.andi %add3A_83, %and3A_85 : vector<16xi32>
    %add3A_87 = arith.constant 14 : i32
    %add3A_88 = vector.broadcast %add3A_87 : i32 to vector<16xi32>
    %add3A_89 = arith.addi %iota3A, %add3A_88 : vector<16xi32>
    %and3A_90 = arith.constant 15 : i32
    %and3A_91 = vector.broadcast %and3A_90 : i32 to vector<16xi32>
    %and3A_92 = arith.andi %add3A_89, %and3A_91 : vector<16xi32>
    %add3A_93 = arith.constant 15 : i32
    %add3A_94 = vector.broadcast %add3A_93 : i32 to vector<16xi32>
    %add3A_95 = arith.addi %iota3A, %add3A_94 : vector<16xi32>
    %and3A_96 = arith.constant 15 : i32
    %and3A_97 = vector.broadcast %and3A_96 : i32 to vector<16xi32>
    %and3A_98 = arith.andi %add3A_95, %and3A_97 : vector<16xi32>
    %scan3A = arith.constant 0 : i32
    %scan3A_99 = arith.constant 50 : i32
    %scan3A_100 = arith.addi %scan3A, %scan3A_99 : i32
    %scan3A_101 = arith.constant 1 : i32
    scf.for %scan3A_158 = %scan3A to %scan3A_100 step %scan3A_101  : i32 {
      %mul3A_159 = arith.constant 1 : i32
      %mul3A_160 = arith.muli %scan3A_158, %mul3A_159 : i32
      %add3A_161 = arith.constant 0 : i32
      %add3A_162 = arith.addi %add3A_161, %mul3A_160 : i32
      %get3A = arith.index_cast %add3A_162 : i32 to index
      %get3A_163 = arith.constant 0 : index
      %get3A_164 = tpu.vector_load %arg5[%get3A, %get3A_163] {strides = array<i32>} : memref<50x128xi32, #tpu.memory_space<vmem>>, vector<16xi32>,
      %shift_right_arithmetic3A = arith.constant 2 : i32
      %shift_right_arithmetic3A_165 = vector.broadcast %shift_right_arithmetic3A : i32 to vector<16xi32>
      %shift_right_arithmetic3A_166 = arith.shrsi %get3A_164, %shift_right_arithmetic3A_165 : vector<16xi32>
      %swap3A = arith.index_cast %add3A_162 : i32 to index
      %swap3A_167 = arith.constant 0 : index
      %swap3A_168 = tpu.vector_load %arg6[%swap3A, %swap3A_167] {strides = array<i32>} : memref<50x128xi32, #tpu.memory_space<vmem>>, vector<16xi32>,
      tpu.vector_store %arg6[%swap3A, %swap3A_167], %shift_right_arithmetic3A_166 {strides = array<i32>} : memref<50x128xi32, #tpu.memory_space<vmem>>, vector<16xi32>,
      %get3A_169 = arith.index_cast %add3A_162 : i32 to index
      %get3A_170 = arith.constant 16 : index
      %get3A_171 = tpu.vector_load %arg5[%get3A_169, %get3A_170] {strides = array<i32>} : memref<50x128xi32, #tpu.memory_space<vmem>>, vector<16xi32>,
      %shift_right_arithmetic3A_172 = arith.constant 2 : i32
      %shift_right_arithmetic3A_173 = vector.broadcast %shift_right_arithmetic3A_172 : i32 to vector<16xi32>
      %shift_right_arithmetic3A_174 = arith.shrsi %get3A_171, %shift_right_arithmetic3A_173 : vector<16xi32>
      %swap3A_175 = arith.index_cast %add3A_162 : i32 to index
      %swap3A_176 = arith.constant 16 : index
      %swap3A_177 = tpu.vector_load %arg6[%swap3A_175, %swap3A_176] {strides = array<i32>} : memref<50x128xi32, #tpu.memory_space<vmem>>, vector<16xi32>,
      tpu.vector_store %arg6[%swap3A_175, %swap3A_176], %shift_right_arithmetic3A_174 {strides = array<i32>} : memref<50x128xi32, #tpu.memory_space<vmem>>, vector<16xi32>,
      %get3A_178 = arith.index_cast %add3A_162 : i32 to index
      %get3A_179 = arith.constant 32 : index
      %get3A_180 = tpu.vector_load %arg5[%get3A_178, %get3A_179] {strides = array<i32>} : memref<50x128xi32, #tpu.memory_space<vmem>>, vector<16xi32>,
      %shift_right_arithmetic3A_181 = arith.constant 2 : i32
      %shift_right_arithmetic3A_182 = vector.broadcast %shift_right_arithmetic3A_181 : i32 to vector<16xi32>
      %shift_right_arithmetic3A_183 = arith.shrsi %get3A_180, %shift_right_arithmetic3A_182 : vector<16xi32>
      %swap3A_184 = arith.index_cast %add3A_162 : i32 to index
      %swap3A_185 = arith.constant 32 : index
      %swap3A_186 = tpu.vector_load %arg6[%swap3A_184, %swap3A_185] {strides = array<i32>} : memref<50x128xi32, #tpu.memory_space<vmem>>, vector<16xi32>,
      tpu.vector_store %arg6[%swap3A_184, %swap3A_185], %shift_right_arithmetic3A_183 {strides = array<i32>} : memref<50x128xi32, #tpu.memory_space<vmem>>, vector<16xi32>,
      %get3A_187 = arith.index_cast %add3A_162 : i32 to index
      %get3A_188 = arith.constant 48 : index
      %get3A_189 = tpu.vector_load %arg5[%get3A_187, %get3A_188] {strides = array<i32>} : memref<50x128xi32, #tpu.memory_space<vmem>>, vector<16xi32>,
      %shift_right_arithmetic3A_190 = arith.constant 2 : i32
      %shift_right_arithmetic3A_191 = vector.broadcast %shift_right_arithmetic3A_190 : i32 to vector<16xi32>
      %shift_right_arithmetic3A_192 = arith.shrsi %get3A_189, %shift_right_arithmetic3A_191 : vector<16xi32>
      %swap3A_193 = arith.index_cast %add3A_162 : i32 to index
      %swap3A_194 = arith.constant 48 : index
      %swap3A_195 = tpu.vector_load %arg6[%swap3A_193, %swap3A_194] {strides = array<i32>} : memref<50x128xi32, #tpu.memory_space<vmem>>, vector<16xi32>,
      tpu.vector_store %arg6[%swap3A_193, %swap3A_194], %shift_right_arithmetic3A_192 {strides = array<i32>} : memref<50x128xi32, #tpu.memory_space<vmem>>, vector<16xi32>,
      %get3A_196 = arith.index_cast %add3A_162 : i32 to index
      %get3A_197 = arith.constant 64 : index
      %get3A_198 = tpu.vector_load %arg5[%get3A_196, %get3A_197] {strides = array<i32>} : memref<50x128xi32, #tpu.memory_space<vmem>>, vector<16xi32>,
      %shift_right_arithmetic3A_199 = arith.constant 2 : i32
      %shift_right_arithmetic3A_200 = vector.broadcast %shift_right_arithmetic3A_199 : i32 to vector<16xi32>
      %shift_right_arithmetic3A_201 = arith.shrsi %get3A_198, %shift_right_arithmetic3A_200 : vector<16xi32>
      %swap3A_202 = arith.index_cast %add3A_162 : i32 to index
      %swap3A_203 = arith.constant 64 : index
      %swap3A_204 = tpu.vector_load %arg6[%swap3A_202, %swap3A_203] {strides = array<i32>} : memref<50x128xi32, #tpu.memory_space<vmem>>, vector<16xi32>,
      tpu.vector_store %arg6[%swap3A_202, %swap3A_203], %shift_right_arithmetic3A_201 {strides = array<i32>} : memref<50x128xi32, #tpu.memory_space<vmem>>, vector<16xi32>,
      %get3A_205 = arith.index_cast %add3A_162 : i32 to index
      %get3A_206 = arith.constant 80 : index
      %get3A_207 = tpu.vector_load %arg5[%get3A_205, %get3A_206] {strides = array<i32>} : memref<50x128xi32, #tpu.memory_space<vmem>>, vector<16xi32>,
      %shift_right_arithmetic3A_208 = arith.constant 2 : i32
      %shift_right_arithmetic3A_209 = vector.broadcast %shift_right_arithmetic3A_208 : i32 to vector<16xi32>
      %shift_right_arithmetic3A_210 = arith.shrsi %get3A_207, %shift_right_arithmetic3A_209 : vector<16xi32>
      %swap3A_211 = arith.index_cast %add3A_162 : i32 to index
      %swap3A_212 = arith.constant 80 : index
      %swap3A_213 = tpu.vector_load %arg6[%swap3A_211, %swap3A_212] {strides = array<i32>} : memref<50x128xi32, #tpu.memory_space<vmem>>, vector<16xi32>,
      tpu.vector_store %arg6[%swap3A_211, %swap3A_212], %shift_right_arithmetic3A_210 {strides = array<i32>} : memref<50x128xi32, #tpu.memory_space<vmem>>, vector<16xi32>,
      %get3A_214 = arith.index_cast %add3A_162 : i32 to index
      %get3A_215 = arith.constant 96 : index
      %get3A_216 = tpu.vector_load %arg5[%get3A_214, %get3A_215] {strides = array<i32>} : memref<50x128xi32, #tpu.memory_space<vmem>>, vector<16xi32>,
      %shift_right_arithmetic3A_217 = arith.constant 2 : i32
      %shift_right_arithmetic3A_218 = vector.broadcast %shift_right_arithmetic3A_217 : i32 to vector<16xi32>
      %shift_right_arithmetic3A_219 = arith.shrsi %get3A_216, %shift_right_arithmetic3A_218 : vector<16xi32>
      %swap3A_220 = arith.index_cast %add3A_162 : i32 to index
      %swap3A_221 = arith.constant 96 : index
      %swap3A_222 = tpu.vector_load %arg6[%swap3A_220, %swap3A_221] {strides = array<i32>} : memref<50x128xi32, #tpu.memory_space<vmem>>, vector<16xi32>,
      tpu.vector_store %arg6[%swap3A_220, %swap3A_221], %shift_right_arithmetic3A_219 {strides = array<i32>} : memref<50x128xi32, #tpu.memory_space<vmem>>, vector<16xi32>,
      %get3A_223 = arith.index_cast %add3A_162 : i32 to index
      %get3A_224 = arith.constant 112 : index
      %get3A_225 = tpu.vector_load %arg5[%get3A_223, %get3A_224] {strides = array<i32>} : memref<50x128xi32, #tpu.memory_space<vmem>>, vector<16xi32>,
      %shift_right_arithmetic3A_226 = arith.constant 2 : i32
      %shift_right_arithmetic3A_227 = vector.broadcast %shift_right_arithmetic3A_226 : i32 to vector<16xi32>
      %shift_right_arithmetic3A_228 = arith.shrsi %get3A_225, %shift_right_arithmetic3A_227 : vector<16xi32>
      %swap3A_229 = arith.index_cast %add3A_162 : i32 to index
      %swap3A_230 = arith.constant 112 : index
      %swap3A_231 = tpu.vector_load %arg6[%swap3A_229, %swap3A_230] {strides = array<i32>} : memref<50x128xi32, #tpu.memory_space<vmem>>, vector<16xi32>,
      tpu.vector_store %arg6[%swap3A_229, %swap3A_230], %shift_right_arithmetic3A_228 {strides = array<i32>} : memref<50x128xi32, #tpu.memory_space<vmem>>, vector<16xi32>,
    }
    %scan3A_102 = arith.constant 50 : i32
    %dma_start3A = arith.constant 0 : i32
    %dma_start3A_103 = arith.constant 0 : i32
    %dma_start3A_104 = arith.constant 0 : i32
    %dma_start3A_105 = tpu.memref_slice %arg7[%dma_start3A_103, %dma_start3A_104] : memref<256x128xf32, #tpu.memory_space<vmem>> -> memref<128x128xf32, #tpu.memory_space<vmem>>
    %dma_start3A_106 = arith.constant 0 : i32
    %dma_start3A_107 = tpu.memref_slice %arg6[%dma_start3A, %dma_start3A_106] : memref<50x128xi32, #tpu.memory_space<vmem>> -> memref<1x128xi32, #tpu.memory_space<vmem>>
    %dma_start3A_108 = tpu.memref_squeeze %dma_start3A_107 : memref<1x128xi32, #tpu.memory_space<vmem>> -> memref<128xi32, #tpu.memory_space<vmem>>
    %dma_start3A_109 = arith.constant 0 : i32
    %dma_start3A_110 = arith.constant 0 : i32
    %dma_start3A_111 = tpu.memref_slice %arg2[%dma_start3A_109, %dma_start3A_110] : memref<25000x128xf32, #tpu.memory_space<hbm>> -> memref<25000x128xf32, #tpu.memory_space<hbm>>
    tpu.enqueue_indirect_dma source(%dma_start3A_111 : memref<25000x128xf32, #tpu.memory_space<hbm>>) target(%dma_start3A_105 : memref<128x128xf32, #tpu.memory_space<vmem>>) offsets(%dma_start3A_108 : memref<128xi32, #tpu.memory_space<vmem>>) semaphore(%arg11 : memref<!tpu.dma_semaphore, #tpu.memory_space<semaphore_mem>>)
    %dma_start3A_112 = arith.constant 1 : i32
    %dma_start3A_113 = arith.constant 128 : i32
    %dma_start3A_114 = arith.constant 0 : i32
    %dma_start3A_115 = tpu.memref_slice %arg7[%dma_start3A_113, %dma_start3A_114] : memref<256x128xf32, #tpu.memory_space<vmem>> -> memref<128x128xf32, #tpu.memory_space<vmem>>
    %dma_start3A_116 = arith.constant 0 : i32
    %dma_start3A_117 = tpu.memref_slice %arg6[%dma_start3A_112, %dma_start3A_116] : memref<50x128xi32, #tpu.memory_space<vmem>> -> memref<1x128xi32, #tpu.memory_space<vmem>>
    %dma_start3A_118 = tpu.memref_squeeze %dma_start3A_117 : memref<1x128xi32, #tpu.memory_space<vmem>> -> memref<128xi32, #tpu.memory_space<vmem>>
    %dma_start3A_119 = arith.constant 0 : i32
    %dma_start3A_120 = arith.constant 0 : i32
    %dma_start3A_121 = tpu.memref_slice %arg2[%dma_start3A_119, %dma_start3A_120] : memref<25000x128xf32, #tpu.memory_space<hbm>> -> memref<25000x128xf32, #tpu.memory_space<hbm>>
    tpu.enqueue_indirect_dma source(%dma_start3A_121 : memref<25000x128xf32, #tpu.memory_space<hbm>>) target(%dma_start3A_115 : memref<128x128xf32, #tpu.memory_space<vmem>>) offsets(%dma_start3A_118 : memref<128xi32, #tpu.memory_space<vmem>>) semaphore(%arg11 : memref<!tpu.dma_semaphore, #tpu.memory_space<semaphore_mem>>)
    %dma_start3A_122 = arith.constant 2 : i32
    %dma_start3A_123 = arith.constant 0 : i32
    %dma_start3A_124 = arith.constant 0 : i32
    %dma_start3A_125 = tpu.memref_slice %arg8[%dma_start3A_123, %dma_start3A_124] : memref<256x128xf32, #tpu.memory_space<vmem>> -> memref<128x128xf32, #tpu.memory_space<vmem>>
    %dma_start3A_126 = arith.constant 0 : i32
    %dma_start3A_127 = tpu.memref_slice %arg6[%dma_start3A_122, %dma_start3A_126] : memref<50x128xi32, #tpu.memory_space<vmem>> -> memref<1x128xi32, #tpu.memory_space<vmem>>
    %dma_start3A_128 = tpu.memref_squeeze %dma_start3A_127 : memref<1x128xi32, #tpu.memory_space<vmem>> -> memref<128xi32, #tpu.memory_space<vmem>>
    %dma_start3A_129 = arith.constant 0 : i32
    %dma_start3A_130 = arith.constant 0 : i32
    %dma_start3A_131 = tpu.memref_slice %arg2[%dma_start3A_129, %dma_start3A_130] : memref<25000x128xf32, #tpu.memory_space<hbm>> -> memref<25000x128xf32, #tpu.memory_space<hbm>>
    tpu.enqueue_indirect_dma source(%dma_start3A_131 : memref<25000x128xf32, #tpu.memory_space<hbm>>) target(%dma_start3A_125 : memref<128x128xf32, #tpu.memory_space<vmem>>) offsets(%dma_start3A_128 : memref<128xi32, #tpu.memory_space<vmem>>) semaphore(%arg11 : memref<!tpu.dma_semaphore, #tpu.memory_space<semaphore_mem>>)
    %dma_start3A_132 = arith.constant 3 : i32
    %dma_start3A_133 = arith.constant 128 : i32
    %dma_start3A_134 = arith.constant 0 : i32
    %dma_start3A_135 = tpu.memref_slice %arg8[%dma_start3A_133, %dma_start3A_134] : memref<256x128xf32, #tpu.memory_space<vmem>> -> memref<128x128xf32, #tpu.memory_space<vmem>>
    %dma_start3A_136 = arith.constant 0 : i32
    %dma_start3A_137 = tpu.memref_slice %arg6[%dma_start3A_132, %dma_start3A_136] : memref<50x128xi32, #tpu.memory_space<vmem>> -> memref<1x128xi32, #tpu.memory_space<vmem>>
    %dma_start3A_138 = tpu.memref_squeeze %dma_start3A_137 : memref<1x128xi32, #tpu.memory_space<vmem>> -> memref<128xi32, #tpu.memory_space<vmem>>
    %dma_start3A_139 = arith.constant 0 : i32
    %dma_start3A_140 = arith.constant 0 : i32
    %dma_start3A_141 = tpu.memref_slice %arg2[%dma_start3A_139, %dma_start3A_140] : memref<25000x128xf32, #tpu.memory_space<hbm>> -> memref<25000x128xf32, #tpu.memory_space<hbm>>
    tpu.enqueue_indirect_dma source(%dma_start3A_141 : memref<25000x128xf32, #tpu.memory_space<hbm>>) target(%dma_start3A_135 : memref<128x128xf32, #tpu.memory_space<vmem>>) offsets(%dma_start3A_138 : memref<128xi32, #tpu.memory_space<vmem>>) semaphore(%arg11 : memref<!tpu.dma_semaphore, #tpu.memory_space<semaphore_mem>>)
    %scan3A_142 = arith.constant 0 : i32
    %scan3A_143 = arith.constant 13 : i32
    %scan3A_144 = arith.addi %scan3A_142, %scan3A_143 : i32
    %scan3A_145 = arith.constant 1 : i32
    scf.for %scan3A_158 = %scan3A_142 to %scan3A_144 step %scan3A_145  : i32 {
      %mul3A_159 = arith.constant 1 : i32
      %mul3A_160 = arith.muli %scan3A_158, %mul3A_159 : i32
      %add3A_161 = arith.constant 0 : i32
      %add3A_162 = arith.addi %add3A_161, %mul3A_160 : i32
      %mul3A_163 = arith.constant 2 : i32
      %mul3A_164 = arith.muli %mul3A_163, %add3A_162 : i32
      %add3A_165 = arith.constant 1 : i32
      %add3A_166 = arith.addi %mul3A_164, %add3A_165 : i32
      %dma_wait3A_167 = arith.constant 0 : i32
      %dma_wait3A_168 = arith.constant 0 : i32
      %dma_wait3A_169 = tpu.memref_slice %arg7[%dma_wait3A_167, %dma_wait3A_168] : memref<256x128xf32, #tpu.memory_space<vmem>> -> memref<128x128xf32, #tpu.memory_space<vmem>>
      %dma_wait3A_170 = arith.constant 0 : i32
      %dma_wait3A_171 = arith.constant 0 : i32
      %dma_wait3A_172 = tpu.memref_slice %arg2[%dma_wait3A_170, %dma_wait3A_171] : memref<25000x128xf32, #tpu.memory_space<hbm>> -> memref<128x128xf32, #tpu.memory_space<hbm>>
      %dma_wait3A_173 = arith.constant 0 : i32
      %dma_wait3A_174 = arith.constant 0 : i32
      %dma_wait3A_175 = tpu.memref_slice %arg7[%dma_wait3A_173, %dma_wait3A_174] : memref<256x128xf32, #tpu.memory_space<vmem>> -> memref<128x128xf32, #tpu.memory_space<vmem>>
      %dma_wait3A_176 = arith.constant 0 : i32
      %dma_wait3A_177 = arith.constant 0 : i32
      %dma_wait3A_178 = tpu.memref_slice %arg2[%dma_wait3A_176, %dma_wait3A_177] : memref<25000x128xf32, #tpu.memory_space<hbm>> -> memref<128x128xf32, #tpu.memory_space<hbm>>
      tpu.wait_dma2 semaphore(%arg11 : memref<!tpu.dma_semaphore, #tpu.memory_space<semaphore_mem>>) src(%dma_wait3A_178 : memref<128x128xf32, #tpu.memory_space<hbm>>) dst(%dma_wait3A_175 : memref<128x128xf32, #tpu.memory_space<vmem>>)
      %dma_wait3A_179 = arith.constant 128 : i32
      %dma_wait3A_180 = arith.constant 0 : i32
      %dma_wait3A_181 = tpu.memref_slice %arg7[%dma_wait3A_179, %dma_wait3A_180] : memref<256x128xf32, #tpu.memory_space<vmem>> -> memref<128x128xf32, #tpu.memory_space<vmem>>
      %dma_wait3A_182 = arith.constant 0 : i32
      %dma_wait3A_183 = arith.constant 0 : i32
      %dma_wait3A_184 = tpu.memref_slice %arg2[%dma_wait3A_182, %dma_wait3A_183] : memref<25000x128xf32, #tpu.memory_space<hbm>> -> memref<128x128xf32, #tpu.memory_space<hbm>>
      %dma_wait3A_185 = arith.constant 128 : i32
      %dma_wait3A_186 = arith.constant 0 : i32
      %dma_wait3A_187 = tpu.memref_slice %arg7[%dma_wait3A_185, %dma_wait3A_186] : memref<256x128xf32, #tpu.memory_space<vmem>> -> memref<128x128xf32, #tpu.memory_space<vmem>>
      %dma_wait3A_188 = arith.constant 0 : i32
      %dma_wait3A_189 = arith.constant 0 : i32
      %dma_wait3A_190 = tpu.memref_slice %arg2[%dma_wait3A_188, %dma_wait3A_189] : memref<25000x128xf32, #tpu.memory_space<hbm>> -> memref<128x128xf32, #tpu.memory_space<hbm>>
      tpu.wait_dma2 semaphore(%arg11 : memref<!tpu.dma_semaphore, #tpu.memory_space<semaphore_mem>>) src(%dma_wait3A_190 : memref<128x128xf32, #tpu.memory_space<hbm>>) dst(%dma_wait3A_187 : memref<128x128xf32, #tpu.memory_space<vmem>>)
      %gt3A = arith.constant 0 : i32
      %gt3A_191 = arith.cmpi sgt, %add3A_162, %gt3A : i32
      %convert_element_type3A = arith.extui %gt3A_191 : i1 to i32
      %cond3A = arith.constant 0 : i32
      %cond3A_192 = arith.cmpi ne, %convert_element_type3A, %cond3A : i32
      scf.if %cond3A_192 {
        %dma_wait3A_215 = arith.constant 0 : i32
        %dma_wait3A_216 = arith.constant 0 : i32
        %dma_wait3A_217 = tpu.memref_slice %arg4[%dma_wait3A_215, %dma_wait3A_216, %mul3A_2] : memref<50x32x4096xf32, #tpu.memory_space<hbm>> -> memref<2x32x128xf32, #tpu.memory_space<hbm>>
        %dma_wait3A_218 = arith.constant 0 : i32
        %dma_wait3A_219 = arith.constant 0 : i32
        %dma_wait3A_220 = tpu.memref_slice %arg4[%dma_wait3A_218, %dma_wait3A_219, %mul3A_2] : memref<50x32x4096xf32, #tpu.memory_space<hbm>> -> memref<2x32x128xf32, #tpu.memory_space<hbm>>
        tpu.wait_dma2 semaphore(%arg12 : memref<!tpu.dma_semaphore, #tpu.memory_space<semaphore_mem>>) src(%arg9 : memref<2x32x128xf32, #tpu.memory_space<vmem>>) dst(%dma_wait3A_220 : memref<2x32x128xf32, #tpu.memory_space<hbm>>)
      } else {
      }
      %scan3A_193 = arith.constant 0 : i32
      %scan3A_194 = arith.constant 8 : i32
      %scan3A_195 = arith.addi %scan3A_193, %scan3A_194 : i32
      %scan3A_196 = arith.constant 1 : i32
      scf.for %scan3A_215 = %scan3A_193 to %scan3A_195 step %scan3A_196  : i32 {
        %mul3A_216 = arith.constant 1 : i32
        %mul3A_217 = arith.muli %scan3A_215, %mul3A_216 : i32
        %add3A_218 = arith.constant 0 : i32
        %add3A_219 = arith.addi %add3A_218, %mul3A_217 : i32
        %mul3A_220 = arith.constant 16 : i32
        %mul3A_221 = arith.muli %mul3A_220, %add3A_219 : i32
        %add3A_222 = arith.constant 0 : i32
        %add3A_223 = arith.addi %add3A_222, %mul3A_221 : i32
        %add3A_224 = vector.broadcast %add3A_223 : i32 to vector<16xi32>
        %add3A_225 = arith.addi %add3A_224, %iota3A : vector<16xi32>
        %mul3A_226 = arith.constant 16 : i32
        %mul3A_227 = arith.muli %mul3A_226, %add3A_219 : i32
        %add3A_228 = vector.broadcast %mul3A_227 : i32 to vector<16xi32>
        %add3A_229 = arith.addi %add3A_228, %iota3A : vector<16xi32>
        %mul3A_230 = arith.constant 2 : i32
        %mul3A_231 = arith.muli %mul3A_230, %mul3A_164 : i32
        %add3A_232 = arith.constant 0 : i32
        %add3A_233 = arith.addi %mul3A_231, %add3A_232 : i32
        %mul3A_234 = arith.constant 16 : i32
        %mul3A_235 = arith.muli %mul3A_234, %add3A_219 : i32
        %get3A = arith.index_cast %add3A_233 : i32 to index
        %get3A_236 = arith.index_cast %mul3A_235 : i32 to index
        %get3A_237 = tpu.vector_load %arg5[%get3A, %get3A_236] {strides = array<i32>} : memref<50x128xi32, #tpu.memory_space<vmem>>, vector<16xi32>,
        %and3A_238 = arith.constant 3 : i32
        %and3A_239 = vector.broadcast %and3A_238 : i32 to vector<16xi32>
        %and3A_240 = arith.andi %get3A_237, %and3A_239 : vector<16xi32>
        %mul3A_241 = arith.constant 32 : i32
        %mul3A_242 = vector.broadcast %mul3A_241 : i32 to vector<16xi32>
        %mul3A_243 = arith.muli %and3A_240, %mul3A_242 : vector<16xi32>
        %broadcast_in_dim3A_244 = arith.constant 0 : i32
        %broadcast_in_dim3A_245 = vector.broadcast %broadcast_in_dim3A_244 : i32 to vector<16xi32>
        %add3A_246 = arith.constant 0 : i32
        %add3A_247 = vector.broadcast %add3A_246 : i32 to vector<16xi32>
        %add3A_248 = arith.addi %mul3A_243, %add3A_247 : vector<16xi32>
        %add3A_249 = arith.addi %add3A_248, %and3A_8 : vector<16xi32>
        %gather3A = tpu.vector_load_idx %arg7[%add3A_225, %add3A_249] : memref<256x128xf32, #tpu.memory_space<vmem>>[vector<16xi32>, vector<16xi32>], vector<16xf32>,
        %add3A_250 = arith.constant 0 : i32
        %add3A_251 = vector.broadcast %add3A_250 : i32 to vector<16xi32>
        %add3A_252 = arith.addi %add3A_251, %and3A_8 : vector<16xi32>
        tpu.vector_store_idx %arg9[%broadcast_in_dim3A_245, %add3A_252, %add3A_229], %gather3A : memref<2x32x128xf32, #tpu.memory_space<vmem>>[vector<16xi32>, vector<16xi32>, vector<16xi32>], vector<16xf32>,
        %add3A_253 = arith.constant 0 : i32
        %add3A_254 = vector.broadcast %add3A_253 : i32 to vector<16xi32>
        %add3A_255 = arith.addi %mul3A_243, %add3A_254 : vector<16xi32>
        %add3A_256 = arith.addi %add3A_255, %and3A_14 : vector<16xi32>
        %gather3A_257 = tpu.vector_load_idx %arg7[%add3A_225, %add3A_256] : memref<256x128xf32, #tpu.memory_space<vmem>>[vector<16xi32>, vector<16xi32>], vector<16xf32>,
        %add3A_258 = arith.constant 0 : i32
        %add3A_259 = vector.broadcast %add3A_258 : i32 to vector<16xi32>
        %add3A_260 = arith.addi %add3A_259, %and3A_14 : vector<16xi32>
        tpu.vector_store_idx %arg9[%broadcast_in_dim3A_245, %add3A_260, %add3A_229], %gather3A_257 : memref<2x32x128xf32, #tpu.memory_space<vmem>>[vector<16xi32>, vector<16xi32>, vector<16xi32>], vector<16xf32>,
        %add3A_261 = arith.constant 0 : i32
        %add3A_262 = vector.broadcast %add3A_261 : i32 to vector<16xi32>
        %add3A_263 = arith.addi %mul3A_243, %add3A_262 : vector<16xi32>
        %add3A_264 = arith.addi %add3A_263, %and3A_20 : vector<16xi32>
        %gather3A_265 = tpu.vector_load_idx %arg7[%add3A_225, %add3A_264] : memref<256x128xf32, #tpu.memory_space<vmem>>[vector<16xi32>, vector<16xi32>], vector<16xf32>,
        %add3A_266 = arith.constant 0 : i32
        %add3A_267 = vector.broadcast %add3A_266 : i32 to vector<16xi32>
        %add3A_268 = arith.addi %add3A_267, %and3A_20 : vector<16xi32>
        tpu.vector_store_idx %arg9[%broadcast_in_dim3A_245, %add3A_268, %add3A_229], %gather3A_265 : memref<2x32x128xf32, #tpu.memory_space<vmem>>[vector<16xi32>, vector<16xi32>, vector<16xi32>], vector<16xf32>,
        %add3A_269 = arith.constant 0 : i32
        %add3A_270 = vector.broadcast %add3A_269 : i32 to vector<16xi32>
        %add3A_271 = arith.addi %mul3A_243, %add3A_270 : vector<16xi32>
        %add3A_272 = arith.addi %add3A_271, %and3A_26 : vector<16xi32>
        %gather3A_273 = tpu.vector_load_idx %arg7[%add3A_225, %add3A_272] : memref<256x128xf32, #tpu.memory_space<vmem>>[vector<16xi32>, vector<16xi32>], vector<16xf32>,
        %add3A_274 = arith.constant 0 : i32
        %add3A_275 = vector.broadcast %add3A_274 : i32 to vector<16xi32>
        %add3A_276 = arith.addi %add3A_275, %and3A_26 : vector<16xi32>
        tpu.vector_store_idx %arg9[%broadcast_in_dim3A_245, %add3A_276, %add3A_229], %gather3A_273 : memref<2x32x128xf32, #tpu.memory_space<vmem>>[vector<16xi32>, vector<16xi32>, vector<16xi32>], vector<16xf32>,
        %add3A_277 = arith.constant 0 : i32
        %add3A_278 = vector.broadcast %add3A_277 : i32 to vector<16xi32>
        %add3A_279 = arith.addi %mul3A_243, %add3A_278 : vector<16xi32>
        %add3A_280 = arith.addi %add3A_279, %and3A_32 : vector<16xi32>
        %gather3A_281 = tpu.vector_load_idx %arg7[%add3A_225, %add3A_280] : memref<256x128xf32, #tpu.memory_space<vmem>>[vector<16xi32>, vector<16xi32>], vector<16xf32>,
        %add3A_282 = arith.constant 0 : i32
        %add3A_283 = vector.broadcast %add3A_282 : i32 to vector<16xi32>
        %add3A_284 = arith.addi %add3A_283, %and3A_32 : vector<16xi32>
        tpu.vector_store_idx %arg9[%broadcast_in_dim3A_245, %add3A_284, %add3A_229], %gather3A_281 : memref<2x32x128xf32, #tpu.memory_space<vmem>>[vector<16xi32>, vector<16xi32>, vector<16xi32>], vector<16xf32>,
        %add3A_285 = arith.constant 0 : i32
        %add3A_286 = vector.broadcast %add3A_285 : i32 to vector<16xi32>
        %add3A_287 = arith.addi %mul3A_243, %add3A_286 : vector<16xi32>
        %add3A_288 = arith.addi %add3A_287, %and3A_38 : vector<16xi32>
        %gather3A_289 = tpu.vector_load_idx %arg7[%add3A_225, %add3A_288] : memref<256x128xf32, #tpu.memory_space<vmem>>[vector<16xi32>, vector<16xi32>], vector<16xf32>,
        %add3A_290 = arith.constant 0 : i32
        %add3A_291 = vector.broadcast %add3A_290 : i32 to vector<16xi32>
        %add3A_292 = arith.addi %add3A_291, %and3A_38 : vector<16xi32>
        tpu.vector_store_idx %arg9[%broadcast_in_dim3A_245, %add3A_292, %add3A_229], %gather3A_289 : memref<2x32x128xf32, #tpu.memory_space<vmem>>[vector<16xi32>, vector<16xi32>, vector<16xi32>], vector<16xf32>,
        %add3A_293 = arith.constant 0 : i32
        %add3A_294 = vector.broadcast %add3A_293 : i32 to vector<16xi32>
        %add3A_295 = arith.addi %mul3A_243, %add3A_294 : vector<16xi32>
        %add3A_296 = arith.addi %add3A_295, %and3A_44 : vector<16xi32>
        %gather3A_297 = tpu.vector_load_idx %arg7[%add3A_225, %add3A_296] : memref<256x128xf32, #tpu.memory_space<vmem>>[vector<16xi32>, vector<16xi32>], vector<16xf32>,
        %add3A_298 = arith.constant 0 : i32
        %add3A_299 = vector.broadcast %add3A_298 : i32 to vector<16xi32>
        %add3A_300 = arith.addi %add3A_299, %and3A_44 : vector<16xi32>
        tpu.vector_store_idx %arg9[%broadcast_in_dim3A_245, %add3A_300, %add3A_229], %gather3A_297 : memref<2x32x128xf32, #tpu.memory_space<vmem>>[vector<16xi32>, vector<16xi32>, vector<16xi32>], vector<16xf32>,
        %add3A_301 = arith.constant 0 : i32
        %add3A_302 = vector.broadcast %add3A_301 : i32 to vector<16xi32>
        %add3A_303 = arith.addi %mul3A_243, %add3A_302 : vector<16xi32>
        %add3A_304 = arith.addi %add3A_303, %and3A_50 : vector<16xi32>
        %gather3A_305 = tpu.vector_load_idx %arg7[%add3A_225, %add3A_304] : memref<256x128xf32, #tpu.memory_space<vmem>>[vector<16xi32>, vector<16xi32>], vector<16xf32>,
        %add3A_306 = arith.constant 0 : i32
        %add3A_307 = vector.broadcast %add3A_306 : i32 to vector<16xi32>
        %add3A_308 = arith.addi %add3A_307, %and3A_50 : vector<16xi32>
        tpu.vector_store_idx %arg9[%broadcast_in_dim3A_245, %add3A_308, %add3A_229], %gather3A_305 : memref<2x32x128xf32, #tpu.memory_space<vmem>>[vector<16xi32>, vector<16xi32>, vector<16xi32>], vector<16xf32>,
        %add3A_309 = arith.constant 0 : i32
        %add3A_310 = vector.broadcast %add3A_309 : i32 to vector<16xi32>
        %add3A_311 = arith.addi %mul3A_243, %add3A_310 : vector<16xi32>
        %add3A_312 = arith.addi %add3A_311, %and3A_56 : vector<16xi32>
        %gather3A_313 = tpu.vector_load_idx %arg7[%add3A_225, %add3A_312] : memref<256x128xf32, #tpu.memory_space<vmem>>[vector<16xi32>, vector<16xi32>], vector<16xf32>,
        %add3A_314 = arith.constant 0 : i32
        %add3A_315 = vector.broadcast %add3A_314 : i32 to vector<16xi32>
        %add3A_316 = arith.addi %add3A_315, %and3A_56 : vector<16xi32>
        tpu.vector_store_idx %arg9[%broadcast_in_dim3A_245, %add3A_316, %add3A_229], %gather3A_313 : memref<2x32x128xf32, #tpu.memory_space<vmem>>[vector<16xi32>, vector<16xi32>, vector<16xi32>], vector<16xf32>,
        %add3A_317 = arith.constant 0 : i32
        %add3A_318 = vector.broadcast %add3A_317 : i32 to vector<16xi32>
        %add3A_319 = arith.addi %mul3A_243, %add3A_318 : vector<16xi32>
        %add3A_320 = arith.addi %add3A_319, %and3A_62 : vector<16xi32>
        %gather3A_321 = tpu.vector_load_idx %arg7[%add3A_225, %add3A_320] : memref<256x128xf32, #tpu.memory_space<vmem>>[vector<16xi32>, vector<16xi32>], vector<16xf32>,
        %add3A_322 = arith.constant 0 : i32
        %add3A_323 = vector.broadcast %add3A_322 : i32 to vector<16xi32>
        %add3A_324 = arith.addi %add3A_323, %and3A_62 : vector<16xi32>
        tpu.vector_store_idx %arg9[%broadcast_in_dim3A_245, %add3A_324, %add3A_229], %gather3A_321 : memref<2x32x128xf32, #tpu.memory_space<vmem>>[vector<16xi32>, vector<16xi32>, vector<16xi32>], vector<16xf32>,
        %add3A_325 = arith.constant 0 : i32
        %add3A_326 = vector.broadcast %add3A_325 : i32 to vector<16xi32>
        %add3A_327 = arith.addi %mul3A_243, %add3A_326 : vector<16xi32>
        %add3A_328 = arith.addi %add3A_327, %and3A_68 : vector<16xi32>
        %gather3A_329 = tpu.vector_load_idx %arg7[%add3A_225, %add3A_328] : memref<256x128xf32, #tpu.memory_space<vmem>>[vector<16xi32>, vector<16xi32>], vector<16xf32>,
        %add3A_330 = arith.constant 0 : i32
        %add3A_331 = vector.broadcast %add3A_330 : i32 to vector<16xi32>
        %add3A_332 = arith.addi %add3A_331, %and3A_68 : vector<16xi32>
        tpu.vector_store_idx %arg9[%broadcast_in_dim3A_245, %add3A_332, %add3A_229], %gather3A_329 : memref<2x32x128xf32, #tpu.memory_space<vmem>>[vector<16xi32>, vector<16xi32>, vector<16xi32>], vector<16xf32>,
        %add3A_333 = arith.constant 0 : i32
        %add3A_334 = vector.broadcast %add3A_333 : i32 to vector<16xi32>
        %add3A_335 = arith.addi %mul3A_243, %add3A_334 : vector<16xi32>
        %add3A_336 = arith.addi %add3A_335, %and3A_74 : vector<16xi32>
        %gather3A_337 = tpu.vector_load_idx %arg7[%add3A_225, %add3A_336] : memref<256x128xf32, #tpu.memory_space<vmem>>[vector<16xi32>, vector<16xi32>], vector<16xf32>,
        %add3A_338 = arith.constant 0 : i32
        %add3A_339 = vector.broadcast %add3A_338 : i32 to vector<16xi32>
        %add3A_340 = arith.addi %add3A_339, %and3A_74 : vector<16xi32>
        tpu.vector_store_idx %arg9[%broadcast_in_dim3A_245, %add3A_340, %add3A_229], %gather3A_337 : memref<2x32x128xf32, #tpu.memory_space<vmem>>[vector<16xi32>, vector<16xi32>, vector<16xi32>], vector<16xf32>,
        %add3A_341 = arith.constant 0 : i32
        %add3A_342 = vector.broadcast %add3A_341 : i32 to vector<16xi32>
        %add3A_343 = arith.addi %mul3A_243, %add3A_342 : vector<16xi32>
        %add3A_344 = arith.addi %add3A_343, %and3A_80 : vector<16xi32>
        %gather3A_345 = tpu.vector_load_idx %arg7[%add3A_225, %add3A_344] : memref<256x128xf32, #tpu.memory_space<vmem>>[vector<16xi32>, vector<16xi32>], vector<16xf32>,
        %add3A_346 = arith.constant 0 : i32
        %add3A_347 = vector.broadcast %add3A_346 : i32 to vector<16xi32>
        %add3A_348 = arith.addi %add3A_347, %and3A_80 : vector<16xi32>
        tpu.vector_store_idx %arg9[%broadcast_in_dim3A_245, %add3A_348, %add3A_229], %gather3A_345 : memref<2x32x128xf32, #tpu.memory_space<vmem>>[vector<16xi32>, vector<16xi32>, vector<16xi32>], vector<16xf32>,
        %add3A_349 = arith.constant 0 : i32
        %add3A_350 = vector.broadcast %add3A_349 : i32 to vector<16xi32>
        %add3A_351 = arith.addi %mul3A_243, %add3A_350 : vector<16xi32>
        %add3A_352 = arith.addi %add3A_351, %and3A_86 : vector<16xi32>
        %gather3A_353 = tpu.vector_load_idx %arg7[%add3A_225, %add3A_352] : memref<256x128xf32, #tpu.memory_space<vmem>>[vector<16xi32>, vector<16xi32>], vector<16xf32>,
        %add3A_354 = arith.constant 0 : i32
        %add3A_355 = vector.broadcast %add3A_354 : i32 to vector<16xi32>
        %add3A_356 = arith.addi %add3A_355, %and3A_86 : vector<16xi32>
        tpu.vector_store_idx %arg9[%broadcast_in_dim3A_245, %add3A_356, %add3A_229], %gather3A_353 : memref<2x32x128xf32, #tpu.memory_space<vmem>>[vector<16xi32>, vector<16xi32>, vector<16xi32>], vector<16xf32>,
        %add3A_357 = arith.constant 0 : i32
        %add3A_358 = vector.broadcast %add3A_357 : i32 to vector<16xi32>
        %add3A_359 = arith.addi %mul3A_243, %add3A_358 : vector<16xi32>
        %add3A_360 = arith.addi %add3A_359, %and3A_92 : vector<16xi32>
        %gather3A_361 = tpu.vector_load_idx %arg7[%add3A_225, %add3A_360] : memref<256x128xf32, #tpu.memory_space<vmem>>[vector<16xi32>, vector<16xi32>], vector<16xf32>,
        %add3A_362 = arith.constant 0 : i32
        %add3A_363 = vector.broadcast %add3A_362 : i32 to vector<16xi32>
        %add3A_364 = arith.addi %add3A_363, %and3A_92 : vector<16xi32>
        tpu.vector_store_idx %arg9[%broadcast_in_dim3A_245, %add3A_364, %add3A_229], %gather3A_361 : memref<2x32x128xf32, #tpu.memory_space<vmem>>[vector<16xi32>, vector<16xi32>, vector<16xi32>], vector<16xf32>,
        %add3A_365 = arith.constant 0 : i32
        %add3A_366 = vector.broadcast %add3A_365 : i32 to vector<16xi32>
        %add3A_367 = arith.addi %mul3A_243, %add3A_366 : vector<16xi32>
        %add3A_368 = arith.addi %add3A_367, %and3A_98 : vector<16xi32>
        %gather3A_369 = tpu.vector_load_idx %arg7[%add3A_225, %add3A_368] : memref<256x128xf32, #tpu.memory_space<vmem>>[vector<16xi32>, vector<16xi32>], vector<16xf32>,
        %add3A_370 = arith.constant 0 : i32
        %add3A_371 = vector.broadcast %add3A_370 : i32 to vector<16xi32>
        %add3A_372 = arith.addi %add3A_371, %and3A_98 : vector<16xi32>
        tpu.vector_store_idx %arg9[%broadcast_in_dim3A_245, %add3A_372, %add3A_229], %gather3A_369 : memref<2x32x128xf32, #tpu.memory_space<vmem>>[vector<16xi32>, vector<16xi32>, vector<16xi32>], vector<16xf32>,
        %add3A_373 = arith.constant 16 : i32
        %add3A_374 = vector.broadcast %add3A_373 : i32 to vector<16xi32>
        %add3A_375 = arith.addi %mul3A_243, %add3A_374 : vector<16xi32>
        %add3A_376 = arith.addi %add3A_375, %and3A_8 : vector<16xi32>
        %gather3A_377 = tpu.vector_load_idx %arg7[%add3A_225, %add3A_376] : memref<256x128xf32, #tpu.memory_space<vmem>>[vector<16xi32>, vector<16xi32>], vector<16xf32>,
        %add3A_378 = arith.constant 16 : i32
        %add3A_379 = vector.broadcast %add3A_378 : i32 to vector<16xi32>
        %add3A_380 = arith.addi %add3A_379, %and3A_8 : vector<16xi32>
        tpu.vector_store_idx %arg9[%broadcast_in_dim3A_245, %add3A_380, %add3A_229], %gather3A_377 : memref<2x32x128xf32, #tpu.memory_space<vmem>>[vector<16xi32>, vector<16xi32>, vector<16xi32>], vector<16xf32>,
        %add3A_381 = arith.constant 16 : i32
        %add3A_382 = vector.broadcast %add3A_381 : i32 to vector<16xi32>
        %add3A_383 = arith.addi %mul3A_243, %add3A_382 : vector<16xi32>
        %add3A_384 = arith.addi %add3A_383, %and3A_14 : vector<16xi32>
        %gather3A_385 = tpu.vector_load_idx %arg7[%add3A_225, %add3A_384] : memref<256x128xf32, #tpu.memory_space<vmem>>[vector<16xi32>, vector<16xi32>], vector<16xf32>,
        %add3A_386 = arith.constant 16 : i32
        %add3A_387 = vector.broadcast %add3A_386 : i32 to vector<16xi32>
        %add3A_388 = arith.addi %add3A_387, %and3A_14 : vector<16xi32>
        tpu.vector_store_idx %arg9[%broadcast_in_dim3A_245, %add3A_388, %add3A_229], %gather3A_385 : memref<2x32x128xf32, #tpu.memory_space<vmem>>[vector<16xi32>, vector<16xi32>, vector<16xi32>], vector<16xf32>,
        %add3A_389 = arith.constant 16 : i32
        %add3A_390 = vector.broadcast %add3A_389 : i32 to vector<16xi32>
        %add3A_391 = arith.addi %mul3A_243, %add3A_390 : vector<16xi32>
        %add3A_392 = arith.addi %add3A_391, %and3A_20 : vector<16xi32>
        %gather3A_393 = tpu.vector_load_idx %arg7[%add3A_225, %add3A_392] : memref<256x128xf32, #tpu.memory_space<vmem>>[vector<16xi32>, vector<16xi32>], vector<16xf32>,
        %add3A_394 = arith.constant 16 : i32
        %add3A_395 = vector.broadcast %add3A_394 : i32 to vector<16xi32>
        %add3A_396 = arith.addi %add3A_395, %and3A_20 : vector<16xi32>
        tpu.vector_store_idx %arg9[%broadcast_in_dim3A_245, %add3A_396, %add3A_229], %gather3A_393 : memref<2x32x128xf32, #tpu.memory_space<vmem>>[vector<16xi32>, vector<16xi32>, vector<16xi32>], vector<16xf32>,
        %add3A_397 = arith.constant 16 : i32
        %add3A_398 = vector.broadcast %add3A_397 : i32 to vector<16xi32>
        %add3A_399 = arith.addi %mul3A_243, %add3A_398 : vector<16xi32>
        %add3A_400 = arith.addi %add3A_399, %and3A_26 : vector<16xi32>
        %gather3A_401 = tpu.vector_load_idx %arg7[%add3A_225, %add3A_400] : memref<256x128xf32, #tpu.memory_space<vmem>>[vector<16xi32>, vector<16xi32>], vector<16xf32>,
        %add3A_402 = arith.constant 16 : i32
        %add3A_403 = vector.broadcast %add3A_402 : i32 to vector<16xi32>
        %add3A_404 = arith.addi %add3A_403, %and3A_26 : vector<16xi32>
        tpu.vector_store_idx %arg9[%broadcast_in_dim3A_245, %add3A_404, %add3A_229], %gather3A_401 : memref<2x32x128xf32, #tpu.memory_space<vmem>>[vector<16xi32>, vector<16xi32>, vector<16xi32>], vector<16xf32>,
        %add3A_405 = arith.constant 16 : i32
        %add3A_406 = vector.broadcast %add3A_405 : i32 to vector<16xi32>
        %add3A_407 = arith.addi %mul3A_243, %add3A_406 : vector<16xi32>
        %add3A_408 = arith.addi %add3A_407, %and3A_32 : vector<16xi32>
        %gather3A_409 = tpu.vector_load_idx %arg7[%add3A_225, %add3A_408] : memref<256x128xf32, #tpu.memory_space<vmem>>[vector<16xi32>, vector<16xi32>], vector<16xf32>,
        %add3A_410 = arith.constant 16 : i32
        %add3A_411 = vector.broadcast %add3A_410 : i32 to vector<16xi32>
        %add3A_412 = arith.addi %add3A_411, %and3A_32 : vector<16xi32>
        tpu.vector_store_idx %arg9[%broadcast_in_dim3A_245, %add3A_412, %add3A_229], %gather3A_409 : memref<2x32x128xf32, #tpu.memory_space<vmem>>[vector<16xi32>, vector<16xi32>, vector<16xi32>], vector<16xf32>,
        %add3A_413 = arith.constant 16 : i32
        %add3A_414 = vector.broadcast %add3A_413 : i32 to vector<16xi32>
        %add3A_415 = arith.addi %mul3A_243, %add3A_414 : vector<16xi32>
        %add3A_416 = arith.addi %add3A_415, %and3A_38 : vector<16xi32>
        %gather3A_417 = tpu.vector_load_idx %arg7[%add3A_225, %add3A_416] : memref<256x128xf32, #tpu.memory_space<vmem>>[vector<16xi32>, vector<16xi32>], vector<16xf32>,
        %add3A_418 = arith.constant 16 : i32
        %add3A_419 = vector.broadcast %add3A_418 : i32 to vector<16xi32>
        %add3A_420 = arith.addi %add3A_419, %and3A_38 : vector<16xi32>
        tpu.vector_store_idx %arg9[%broadcast_in_dim3A_245, %add3A_420, %add3A_229], %gather3A_417 : memref<2x32x128xf32, #tpu.memory_space<vmem>>[vector<16xi32>, vector<16xi32>, vector<16xi32>], vector<16xf32>,
        %add3A_421 = arith.constant 16 : i32
        %add3A_422 = vector.broadcast %add3A_421 : i32 to vector<16xi32>
        %add3A_423 = arith.addi %mul3A_243, %add3A_422 : vector<16xi32>
        %add3A_424 = arith.addi %add3A_423, %and3A_44 : vector<16xi32>
        %gather3A_425 = tpu.vector_load_idx %arg7[%add3A_225, %add3A_424] : memref<256x128xf32, #tpu.memory_space<vmem>>[vector<16xi32>, vector<16xi32>], vector<16xf32>,
        %add3A_426 = arith.constant 16 : i32
        %add3A_427 = vector.broadcast %add3A_426 : i32 to vector<16xi32>
        %add3A_428 = arith.addi %add3A_427, %and3A_44 : vector<16xi32>
        tpu.vector_store_idx %arg9[%broadcast_in_dim3A_245, %add3A_428, %add3A_229], %gather3A_425 : memref<2x32x128xf32, #tpu.memory_space<vmem>>[vector<16xi32>, vector<16xi32>, vector<16xi32>], vector<16xf32>,
        %add3A_429 = arith.constant 16 : i32
        %add3A_430 = vector.broadcast %add3A_429 : i32 to vector<16xi32>
        %add3A_431 = arith.addi %mul3A_243, %add3A_430 : vector<16xi32>
        %add3A_432 = arith.addi %add3A_431, %and3A_50 : vector<16xi32>
        %gather3A_433 = tpu.vector_load_idx %arg7[%add3A_225, %add3A_432] : memref<256x128xf32, #tpu.memory_space<vmem>>[vector<16xi32>, vector<16xi32>], vector<16xf32>,
        %add3A_434 = arith.constant 16 : i32
        %add3A_435 = vector.broadcast %add3A_434 : i32 to vector<16xi32>
        %add3A_436 = arith.addi %add3A_435, %and3A_50 : vector<16xi32>
        tpu.vector_store_idx %arg9[%broadcast_in_dim3A_245, %add3A_436, %add3A_229], %gather3A_433 : memref<2x32x128xf32, #tpu.memory_space<vmem>>[vector<16xi32>, vector<16xi32>, vector<16xi32>], vector<16xf32>,
        %add3A_437 = arith.constant 16 : i32
        %add3A_438 = vector.broadcast %add3A_437 : i32 to vector<16xi32>
        %add3A_439 = arith.addi %mul3A_243, %add3A_438 : vector<16xi32>
        %add3A_440 = arith.addi %add3A_439, %and3A_56 : vector<16xi32>
        %gather3A_441 = tpu.vector_load_idx %arg7[%add3A_225, %add3A_440] : memref<256x128xf32, #tpu.memory_space<vmem>>[vector<16xi32>, vector<16xi32>], vector<16xf32>,
        %add3A_442 = arith.constant 16 : i32
        %add3A_443 = vector.broadcast %add3A_442 : i32 to vector<16xi32>
        %add3A_444 = arith.addi %add3A_443, %and3A_56 : vector<16xi32>
        tpu.vector_store_idx %arg9[%broadcast_in_dim3A_245, %add3A_444, %add3A_229], %gather3A_441 : memref<2x32x128xf32, #tpu.memory_space<vmem>>[vector<16xi32>, vector<16xi32>, vector<16xi32>], vector<16xf32>,
        %add3A_445 = arith.constant 16 : i32
        %add3A_446 = vector.broadcast %add3A_445 : i32 to vector<16xi32>
        %add3A_447 = arith.addi %mul3A_243, %add3A_446 : vector<16xi32>
        %add3A_448 = arith.addi %add3A_447, %and3A_62 : vector<16xi32>
        %gather3A_449 = tpu.vector_load_idx %arg7[%add3A_225, %add3A_448] : memref<256x128xf32, #tpu.memory_space<vmem>>[vector<16xi32>, vector<16xi32>], vector<16xf32>,
        %add3A_450 = arith.constant 16 : i32
        %add3A_451 = vector.broadcast %add3A_450 : i32 to vector<16xi32>
        %add3A_452 = arith.addi %add3A_451, %and3A_62 : vector<16xi32>
        tpu.vector_store_idx %arg9[%broadcast_in_dim3A_245, %add3A_452, %add3A_229], %gather3A_449 : memref<2x32x128xf32, #tpu.memory_space<vmem>>[vector<16xi32>, vector<16xi32>, vector<16xi32>], vector<16xf32>,
        %add3A_453 = arith.constant 16 : i32
        %add3A_454 = vector.broadcast %add3A_453 : i32 to vector<16xi32>
        %add3A_455 = arith.addi %mul3A_243, %add3A_454 : vector<16xi32>
        %add3A_456 = arith.addi %add3A_455, %and3A_68 : vector<16xi32>
        %gather3A_457 = tpu.vector_load_idx %arg7[%add3A_225, %add3A_456] : memref<256x128xf32, #tpu.memory_space<vmem>>[vector<16xi32>, vector<16xi32>], vector<16xf32>,
        %add3A_458 = arith.constant 16 : i32
        %add3A_459 = vector.broadcast %add3A_458 : i32 to vector<16xi32>
        %add3A_460 = arith.addi %add3A_459, %and3A_68 : vector<16xi32>
        tpu.vector_store_idx %arg9[%broadcast_in_dim3A_245, %add3A_460, %add3A_229], %gather3A_457 : memref<2x32x128xf32, #tpu.memory_space<vmem>>[vector<16xi32>, vector<16xi32>, vector<16xi32>], vector<16xf32>,
        %add3A_461 = arith.constant 16 : i32
        %add3A_462 = vector.broadcast %add3A_461 : i32 to vector<16xi32>
        %add3A_463 = arith.addi %mul3A_243, %add3A_462 : vector<16xi32>
        %add3A_464 = arith.addi %add3A_463, %and3A_74 : vector<16xi32>
        %gather3A_465 = tpu.vector_load_idx %arg7[%add3A_225, %add3A_464] : memref<256x128xf32, #tpu.memory_space<vmem>>[vector<16xi32>, vector<16xi32>], vector<16xf32>,
        %add3A_466 = arith.constant 16 : i32
        %add3A_467 = vector.broadcast %add3A_466 : i32 to vector<16xi32>
        %add3A_468 = arith.addi %add3A_467, %and3A_74 : vector<16xi32>
        tpu.vector_store_idx %arg9[%broadcast_in_dim3A_245, %add3A_468, %add3A_229], %gather3A_465 : memref<2x32x128xf32, #tpu.memory_space<vmem>>[vector<16xi32>, vector<16xi32>, vector<16xi32>], vector<16xf32>,
        %add3A_469 = arith.constant 16 : i32
        %add3A_470 = vector.broadcast %add3A_469 : i32 to vector<16xi32>
        %add3A_471 = arith.addi %mul3A_243, %add3A_470 : vector<16xi32>
        %add3A_472 = arith.addi %add3A_471, %and3A_80 : vector<16xi32>
        %gather3A_473 = tpu.vector_load_idx %arg7[%add3A_225, %add3A_472] : memref<256x128xf32, #tpu.memory_space<vmem>>[vector<16xi32>, vector<16xi32>], vector<16xf32>,
        %add3A_474 = arith.constant 16 : i32
        %add3A_475 = vector.broadcast %add3A_474 : i32 to vector<16xi32>
        %add3A_476 = arith.addi %add3A_475, %and3A_80 : vector<16xi32>
        tpu.vector_store_idx %arg9[%broadcast_in_dim3A_245, %add3A_476, %add3A_229], %gather3A_473 : memref<2x32x128xf32, #tpu.memory_space<vmem>>[vector<16xi32>, vector<16xi32>, vector<16xi32>], vector<16xf32>,
        %add3A_477 = arith.constant 16 : i32
        %add3A_478 = vector.broadcast %add3A_477 : i32 to vector<16xi32>
        %add3A_479 = arith.addi %mul3A_243, %add3A_478 : vector<16xi32>
        %add3A_480 = arith.addi %add3A_479, %and3A_86 : vector<16xi32>
        %gather3A_481 = tpu.vector_load_idx %arg7[%add3A_225, %add3A_480] : memref<256x128xf32, #tpu.memory_space<vmem>>[vector<16xi32>, vector<16xi32>], vector<16xf32>,
        %add3A_482 = arith.constant 16 : i32
        %add3A_483 = vector.broadcast %add3A_482 : i32 to vector<16xi32>
        %add3A_484 = arith.addi %add3A_483, %and3A_86 : vector<16xi32>
        tpu.vector_store_idx %arg9[%broadcast_in_dim3A_245, %add3A_484, %add3A_229], %gather3A_481 : memref<2x32x128xf32, #tpu.memory_space<vmem>>[vector<16xi32>, vector<16xi32>, vector<16xi32>], vector<16xf32>,
        %add3A_485 = arith.constant 16 : i32
        %add3A_486 = vector.broadcast %add3A_485 : i32 to vector<16xi32>
        %add3A_487 = arith.addi %mul3A_243, %add3A_486 : vector<16xi32>
        %add3A_488 = arith.addi %add3A_487, %and3A_92 : vector<16xi32>
        %gather3A_489 = tpu.vector_load_idx %arg7[%add3A_225, %add3A_488] : memref<256x128xf32, #tpu.memory_space<vmem>>[vector<16xi32>, vector<16xi32>], vector<16xf32>,
        %add3A_490 = arith.constant 16 : i32
        %add3A_491 = vector.broadcast %add3A_490 : i32 to vector<16xi32>
        %add3A_492 = arith.addi %add3A_491, %and3A_92 : vector<16xi32>
        tpu.vector_store_idx %arg9[%broadcast_in_dim3A_245, %add3A_492, %add3A_229], %gather3A_489 : memref<2x32x128xf32, #tpu.memory_space<vmem>>[vector<16xi32>, vector<16xi32>, vector<16xi32>], vector<16xf32>,
        %add3A_493 = arith.constant 16 : i32
        %add3A_494 = vector.broadcast %add3A_493 : i32 to vector<16xi32>
        %add3A_495 = arith.addi %mul3A_243, %add3A_494 : vector<16xi32>
        %add3A_496 = arith.addi %add3A_495, %and3A_98 : vector<16xi32>
        %gather3A_497 = tpu.vector_load_idx %arg7[%add3A_225, %add3A_496] : memref<256x128xf32, #tpu.memory_space<vmem>>[vector<16xi32>, vector<16xi32>], vector<16xf32>,
        %add3A_498 = arith.constant 16 : i32
        %add3A_499 = vector.broadcast %add3A_498 : i32 to vector<16xi32>
        %add3A_500 = arith.addi %add3A_499, %and3A_98 : vector<16xi32>
        tpu.vector_store_idx %arg9[%broadcast_in_dim3A_245, %add3A_500, %add3A_229], %gather3A_497 : memref<2x32x128xf32, #tpu.memory_space<vmem>>[vector<16xi32>, vector<16xi32>, vector<16xi32>], vector<16xf32>,
        %mul3A_501 = arith.constant 16 : i32
        %mul3A_502 = arith.muli %mul3A_501, %add3A_219 : i32
        %add3A_503 = arith.constant 128 : i32
        %add3A_504 = arith.addi %add3A_503, %mul3A_502 : i32
        %add3A_505 = vector.broadcast %add3A_504 : i32 to vector<16xi32>
        %add3A_506 = arith.addi %add3A_505, %iota3A : vector<16xi32>
        %mul3A_507 = arith.constant 16 : i32
        %mul3A_508 = arith.muli %mul3A_507, %add3A_219 : i32
        %add3A_509 = vector.broadcast %mul3A_508 : i32 to vector<16xi32>
        %add3A_510 = arith.addi %add3A_509, %iota3A : vector<16xi32>
        %mul3A_511 = arith.constant 2 : i32
        %mul3A_512 = arith.muli %mul3A_511, %mul3A_164 : i32
        %add3A_513 = arith.constant 1 : i32
        %add3A_514 = arith.addi %mul3A_512, %add3A_513 : i32
        %mul3A_515 = arith.constant 16 : i32
        %mul3A_516 = arith.muli %mul3A_515, %add3A_219 : i32
        %get3A_517 = arith.index_cast %add3A_514 : i32 to index
        %get3A_518 = arith.index_cast %mul3A_516 : i32 to index
        %get3A_519 = tpu.vector_load %arg5[%get3A_517, %get3A_518] {strides = array<i32>} : memref<50x128xi32, #tpu.memory_space<vmem>>, vector<16xi32>,
        %and3A_520 = arith.constant 3 : i32
        %and3A_521 = vector.broadcast %and3A_520 : i32 to vector<16xi32>
        %and3A_522 = arith.andi %get3A_519, %and3A_521 : vector<16xi32>
        %mul3A_523 = arith.constant 32 : i32
        %mul3A_524 = vector.broadcast %mul3A_523 : i32 to vector<16xi32>
        %mul3A_525 = arith.muli %and3A_522, %mul3A_524 : vector<16xi32>
        %broadcast_in_dim3A_526 = arith.constant 1 : i32
        %broadcast_in_dim3A_527 = vector.broadcast %broadcast_in_dim3A_526 : i32 to vector<16xi32>
        %add3A_528 = arith.constant 0 : i32
        %add3A_529 = vector.broadcast %add3A_528 : i32 to vector<16xi32>
        %add3A_530 = arith.addi %mul3A_525, %add3A_529 : vector<16xi32>
        %add3A_531 = arith.addi %add3A_530, %and3A_8 : vector<16xi32>
        %gather3A_532 = tpu.vector_load_idx %arg7[%add3A_506, %add3A_531] : memref<256x128xf32, #tpu.memory_space<vmem>>[vector<16xi32>, vector<16xi32>], vector<16xf32>,
        %add3A_533 = arith.constant 0 : i32
        %add3A_534 = vector.broadcast %add3A_533 : i32 to vector<16xi32>
        %add3A_535 = arith.addi %add3A_534, %and3A_8 : vector<16xi32>
        tpu.vector_store_idx %arg9[%broadcast_in_dim3A_527, %add3A_535, %add3A_510], %gather3A_532 : memref<2x32x128xf32, #tpu.memory_space<vmem>>[vector<16xi32>, vector<16xi32>, vector<16xi32>], vector<16xf32>,
        %add3A_536 = arith.constant 0 : i32
        %add3A_537 = vector.broadcast %add3A_536 : i32 to vector<16xi32>
        %add3A_538 = arith.addi %mul3A_525, %add3A_537 : vector<16xi32>
        %add3A_539 = arith.addi %add3A_538, %and3A_14 : vector<16xi32>
        %gather3A_540 = tpu.vector_load_idx %arg7[%add3A_506, %add3A_539] : memref<256x128xf32, #tpu.memory_space<vmem>>[vector<16xi32>, vector<16xi32>], vector<16xf32>,
        %add3A_541 = arith.constant 0 : i32
        %add3A_542 = vector.broadcast %add3A_541 : i32 to vector<16xi32>
        %add3A_543 = arith.addi %add3A_542, %and3A_14 : vector<16xi32>
        tpu.vector_store_idx %arg9[%broadcast_in_dim3A_527, %add3A_543, %add3A_510], %gather3A_540 : memref<2x32x128xf32, #tpu.memory_space<vmem>>[vector<16xi32>, vector<16xi32>, vector<16xi32>], vector<16xf32>,
        %add3A_544 = arith.constant 0 : i32
        %add3A_545 = vector.broadcast %add3A_544 : i32 to vector<16xi32>
        %add3A_546 = arith.addi %mul3A_525, %add3A_545 : vector<16xi32>
        %add3A_547 = arith.addi %add3A_546, %and3A_20 : vector<16xi32>
        %gather3A_548 = tpu.vector_load_idx %arg7[%add3A_506, %add3A_547] : memref<256x128xf32, #tpu.memory_space<vmem>>[vector<16xi32>, vector<16xi32>], vector<16xf32>,
        %add3A_549 = arith.constant 0 : i32
        %add3A_550 = vector.broadcast %add3A_549 : i32 to vector<16xi32>
        %add3A_551 = arith.addi %add3A_550, %and3A_20 : vector<16xi32>
        tpu.vector_store_idx %arg9[%broadcast_in_dim3A_527, %add3A_551, %add3A_510], %gather3A_548 : memref<2x32x128xf32, #tpu.memory_space<vmem>>[vector<16xi32>, vector<16xi32>, vector<16xi32>], vector<16xf32>,
        %add3A_552 = arith.constant 0 : i32
        %add3A_553 = vector.broadcast %add3A_552 : i32 to vector<16xi32>
        %add3A_554 = arith.addi %mul3A_525, %add3A_553 : vector<16xi32>
        %add3A_555 = arith.addi %add3A_554, %and3A_26 : vector<16xi32>
        %gather3A_556 = tpu.vector_load_idx %arg7[%add3A_506, %add3A_555] : memref<256x128xf32, #tpu.memory_space<vmem>>[vector<16xi32>, vector<16xi32>], vector<16xf32>,
        %add3A_557 = arith.constant 0 : i32
        %add3A_558 = vector.broadcast %add3A_557 : i32 to vector<16xi32>
        %add3A_559 = arith.addi %add3A_558, %and3A_26 : vector<16xi32>
        tpu.vector_store_idx %arg9[%broadcast_in_dim3A_527, %add3A_559, %add3A_510], %gather3A_556 : memref<2x32x128xf32, #tpu.memory_space<vmem>>[vector<16xi32>, vector<16xi32>, vector<16xi32>], vector<16xf32>,
        %add3A_560 = arith.constant 0 : i32
        %add3A_561 = vector.broadcast %add3A_560 : i32 to vector<16xi32>
        %add3A_562 = arith.addi %mul3A_525, %add3A_561 : vector<16xi32>
        %add3A_563 = arith.addi %add3A_562, %and3A_32 : vector<16xi32>
        %gather3A_564 = tpu.vector_load_idx %arg7[%add3A_506, %add3A_563] : memref<256x128xf32, #tpu.memory_space<vmem>>[vector<16xi32>, vector<16xi32>], vector<16xf32>,
        %add3A_565 = arith.constant 0 : i32
        %add3A_566 = vector.broadcast %add3A_565 : i32 to vector<16xi32>
        %add3A_567 = arith.addi %add3A_566, %and3A_32 : vector<16xi32>
        tpu.vector_store_idx %arg9[%broadcast_in_dim3A_527, %add3A_567, %add3A_510], %gather3A_564 : memref<2x32x128xf32, #tpu.memory_space<vmem>>[vector<16xi32>, vector<16xi32>, vector<16xi32>], vector<16xf32>,
        %add3A_568 = arith.constant 0 : i32
        %add3A_569 = vector.broadcast %add3A_568 : i32 to vector<16xi32>
        %add3A_570 = arith.addi %mul3A_525, %add3A_569 : vector<16xi32>
        %add3A_571 = arith.addi %add3A_570, %and3A_38 : vector<16xi32>
        %gather3A_572 = tpu.vector_load_idx %arg7[%add3A_506, %add3A_571] : memref<256x128xf32, #tpu.memory_space<vmem>>[vector<16xi32>, vector<16xi32>], vector<16xf32>,
        %add3A_573 = arith.constant 0 : i32
        %add3A_574 = vector.broadcast %add3A_573 : i32 to vector<16xi32>
        %add3A_575 = arith.addi %add3A_574, %and3A_38 : vector<16xi32>
        tpu.vector_store_idx %arg9[%broadcast_in_dim3A_527, %add3A_575, %add3A_510], %gather3A_572 : memref<2x32x128xf32, #tpu.memory_space<vmem>>[vector<16xi32>, vector<16xi32>, vector<16xi32>], vector<16xf32>,
        %add3A_576 = arith.constant 0 : i32
        %add3A_577 = vector.broadcast %add3A_576 : i32 to vector<16xi32>
        %add3A_578 = arith.addi %mul3A_525, %add3A_577 : vector<16xi32>
        %add3A_579 = arith.addi %add3A_578, %and3A_44 : vector<16xi32>
        %gather3A_580 = tpu.vector_load_idx %arg7[%add3A_506, %add3A_579] : memref<256x128xf32, #tpu.memory_space<vmem>>[vector<16xi32>, vector<16xi32>], vector<16xf32>,
        %add3A_581 = arith.constant 0 : i32
        %add3A_582 = vector.broadcast %add3A_581 : i32 to vector<16xi32>
        %add3A_583 = arith.addi %add3A_582, %and3A_44 : vector<16xi32>
        tpu.vector_store_idx %arg9[%broadcast_in_dim3A_527, %add3A_583, %add3A_510], %gather3A_580 : memref<2x32x128xf32, #tpu.memory_space<vmem>>[vector<16xi32>, vector<16xi32>, vector<16xi32>], vector<16xf32>,
        %add3A_584 = arith.constant 0 : i32
        %add3A_585 = vector.broadcast %add3A_584 : i32 to vector<16xi32>
        %add3A_586 = arith.addi %mul3A_525, %add3A_585 : vector<16xi32>
        %add3A_587 = arith.addi %add3A_586, %and3A_50 : vector<16xi32>
        %gather3A_588 = tpu.vector_load_idx %arg7[%add3A_506, %add3A_587] : memref<256x128xf32, #tpu.memory_space<vmem>>[vector<16xi32>, vector<16xi32>], vector<16xf32>,
        %add3A_589 = arith.constant 0 : i32
        %add3A_590 = vector.broadcast %add3A_589 : i32 to vector<16xi32>
        %add3A_591 = arith.addi %add3A_590, %and3A_50 : vector<16xi32>
        tpu.vector_store_idx %arg9[%broadcast_in_dim3A_527, %add3A_591, %add3A_510], %gather3A_588 : memref<2x32x128xf32, #tpu.memory_space<vmem>>[vector<16xi32>, vector<16xi32>, vector<16xi32>], vector<16xf32>,
        %add3A_592 = arith.constant 0 : i32
        %add3A_593 = vector.broadcast %add3A_592 : i32 to vector<16xi32>
        %add3A_594 = arith.addi %mul3A_525, %add3A_593 : vector<16xi32>
        %add3A_595 = arith.addi %add3A_594, %and3A_56 : vector<16xi32>
        %gather3A_596 = tpu.vector_load_idx %arg7[%add3A_506, %add3A_595] : memref<256x128xf32, #tpu.memory_space<vmem>>[vector<16xi32>, vector<16xi32>], vector<16xf32>,
        %add3A_597 = arith.constant 0 : i32
        %add3A_598 = vector.broadcast %add3A_597 : i32 to vector<16xi32>
        %add3A_599 = arith.addi %add3A_598, %and3A_56 : vector<16xi32>
        tpu.vector_store_idx %arg9[%broadcast_in_dim3A_527, %add3A_599, %add3A_510], %gather3A_596 : memref<2x32x128xf32, #tpu.memory_space<vmem>>[vector<16xi32>, vector<16xi32>, vector<16xi32>], vector<16xf32>,
        %add3A_600 = arith.constant 0 : i32
        %add3A_601 = vector.broadcast %add3A_600 : i32 to vector<16xi32>
        %add3A_602 = arith.addi %mul3A_525, %add3A_601 : vector<16xi32>
        %add3A_603 = arith.addi %add3A_602, %and3A_62 : vector<16xi32>
        %gather3A_604 = tpu.vector_load_idx %arg7[%add3A_506, %add3A_603] : memref<256x128xf32, #tpu.memory_space<vmem>>[vector<16xi32>, vector<16xi32>], vector<16xf32>,
        %add3A_605 = arith.constant 0 : i32
        %add3A_606 = vector.broadcast %add3A_605 : i32 to vector<16xi32>
        %add3A_607 = arith.addi %add3A_606, %and3A_62 : vector<16xi32>
        tpu.vector_store_idx %arg9[%broadcast_in_dim3A_527, %add3A_607, %add3A_510], %gather3A_604 : memref<2x32x128xf32, #tpu.memory_space<vmem>>[vector<16xi32>, vector<16xi32>, vector<16xi32>], vector<16xf32>,
        %add3A_608 = arith.constant 0 : i32
        %add3A_609 = vector.broadcast %add3A_608 : i32 to vector<16xi32>
        %add3A_610 = arith.addi %mul3A_525, %add3A_609 : vector<16xi32>
        %add3A_611 = arith.addi %add3A_610, %and3A_68 : vector<16xi32>
        %gather3A_612 = tpu.vector_load_idx %arg7[%add3A_506, %add3A_611] : memref<256x128xf32, #tpu.memory_space<vmem>>[vector<16xi32>, vector<16xi32>], vector<16xf32>,
        %add3A_613 = arith.constant 0 : i32
        %add3A_614 = vector.broadcast %add3A_613 : i32 to vector<16xi32>
        %add3A_615 = arith.addi %add3A_614, %and3A_68 : vector<16xi32>
        tpu.vector_store_idx %arg9[%broadcast_in_dim3A_527, %add3A_615, %add3A_510], %gather3A_612 : memref<2x32x128xf32, #tpu.memory_space<vmem>>[vector<16xi32>, vector<16xi32>, vector<16xi32>], vector<16xf32>,
        %add3A_616 = arith.constant 0 : i32
        %add3A_617 = vector.broadcast %add3A_616 : i32 to vector<16xi32>
        %add3A_618 = arith.addi %mul3A_525, %add3A_617 : vector<16xi32>
        %add3A_619 = arith.addi %add3A_618, %and3A_74 : vector<16xi32>
        %gather3A_620 = tpu.vector_load_idx %arg7[%add3A_506, %add3A_619] : memref<256x128xf32, #tpu.memory_space<vmem>>[vector<16xi32>, vector<16xi32>], vector<16xf32>,
        %add3A_621 = arith.constant 0 : i32
        %add3A_622 = vector.broadcast %add3A_621 : i32 to vector<16xi32>
        %add3A_623 = arith.addi %add3A_622, %and3A_74 : vector<16xi32>
        tpu.vector_store_idx %arg9[%broadcast_in_dim3A_527, %add3A_623, %add3A_510], %gather3A_620 : memref<2x32x128xf32, #tpu.memory_space<vmem>>[vector<16xi32>, vector<16xi32>, vector<16xi32>], vector<16xf32>,
        %add3A_624 = arith.constant 0 : i32
        %add3A_625 = vector.broadcast %add3A_624 : i32 to vector<16xi32>
        %add3A_626 = arith.addi %mul3A_525, %add3A_625 : vector<16xi32>
        %add3A_627 = arith.addi %add3A_626, %and3A_80 : vector<16xi32>
        %gather3A_628 = tpu.vector_load_idx %arg7[%add3A_506, %add3A_627] : memref<256x128xf32, #tpu.memory_space<vmem>>[vector<16xi32>, vector<16xi32>], vector<16xf32>,
        %add3A_629 = arith.constant 0 : i32
        %add3A_630 = vector.broadcast %add3A_629 : i32 to vector<16xi32>
        %add3A_631 = arith.addi %add3A_630, %and3A_80 : vector<16xi32>
        tpu.vector_store_idx %arg9[%broadcast_in_dim3A_527, %add3A_631, %add3A_510], %gather3A_628 : memref<2x32x128xf32, #tpu.memory_space<vmem>>[vector<16xi32>, vector<16xi32>, vector<16xi32>], vector<16xf32>,
        %add3A_632 = arith.constant 0 : i32
        %add3A_633 = vector.broadcast %add3A_632 : i32 to vector<16xi32>
        %add3A_634 = arith.addi %mul3A_525, %add3A_633 : vector<16xi32>
        %add3A_635 = arith.addi %add3A_634, %and3A_86 : vector<16xi32>
        %gather3A_636 = tpu.vector_load_idx %arg7[%add3A_506, %add3A_635] : memref<256x128xf32, #tpu.memory_space<vmem>>[vector<16xi32>, vector<16xi32>], vector<16xf32>,
        %add3A_637 = arith.constant 0 : i32
        %add3A_638 = vector.broadcast %add3A_637 : i32 to vector<16xi32>
        %add3A_639 = arith.addi %add3A_638, %and3A_86 : vector<16xi32>
        tpu.vector_store_idx %arg9[%broadcast_in_dim3A_527, %add3A_639, %add3A_510], %gather3A_636 : memref<2x32x128xf32, #tpu.memory_space<vmem>>[vector<16xi32>, vector<16xi32>, vector<16xi32>], vector<16xf32>,
        %add3A_640 = arith.constant 0 : i32
        %add3A_641 = vector.broadcast %add3A_640 : i32 to vector<16xi32>
        %add3A_642 = arith.addi %mul3A_525, %add3A_641 : vector<16xi32>
        %add3A_643 = arith.addi %add3A_642, %and3A_92 : vector<16xi32>
        %gather3A_644 = tpu.vector_load_idx %arg7[%add3A_506, %add3A_643] : memref<256x128xf32, #tpu.memory_space<vmem>>[vector<16xi32>, vector<16xi32>], vector<16xf32>,
        %add3A_645 = arith.constant 0 : i32
        %add3A_646 = vector.broadcast %add3A_645 : i32 to vector<16xi32>
        %add3A_647 = arith.addi %add3A_646, %and3A_92 : vector<16xi32>
        tpu.vector_store_idx %arg9[%broadcast_in_dim3A_527, %add3A_647, %add3A_510], %gather3A_644 : memref<2x32x128xf32, #tpu.memory_space<vmem>>[vector<16xi32>, vector<16xi32>, vector<16xi32>], vector<16xf32>,
        %add3A_648 = arith.constant 0 : i32
        %add3A_649 = vector.broadcast %add3A_648 : i32 to vector<16xi32>
        %add3A_650 = arith.addi %mul3A_525, %add3A_649 : vector<16xi32>
        %add3A_651 = arith.addi %add3A_650, %and3A_98 : vector<16xi32>
        %gather3A_652 = tpu.vector_load_idx %arg7[%add3A_506, %add3A_651] : memref<256x128xf32, #tpu.memory_space<vmem>>[vector<16xi32>, vector<16xi32>], vector<16xf32>,
        %add3A_653 = arith.constant 0 : i32
        %add3A_654 = vector.broadcast %add3A_653 : i32 to vector<16xi32>
        %add3A_655 = arith.addi %add3A_654, %and3A_98 : vector<16xi32>
        tpu.vector_store_idx %arg9[%broadcast_in_dim3A_527, %add3A_655, %add3A_510], %gather3A_652 : memref<2x32x128xf32, #tpu.memory_space<vmem>>[vector<16xi32>, vector<16xi32>, vector<16xi32>], vector<16xf32>,
        %add3A_656 = arith.constant 16 : i32
        %add3A_657 = vector.broadcast %add3A_656 : i32 to vector<16xi32>
        %add3A_658 = arith.addi %mul3A_525, %add3A_657 : vector<16xi32>
        %add3A_659 = arith.addi %add3A_658, %and3A_8 : vector<16xi32>
        %gather3A_660 = tpu.vector_load_idx %arg7[%add3A_506, %add3A_659] : memref<256x128xf32, #tpu.memory_space<vmem>>[vector<16xi32>, vector<16xi32>], vector<16xf32>,
        %add3A_661 = arith.constant 16 : i32
        %add3A_662 = vector.broadcast %add3A_661 : i32 to vector<16xi32>
        %add3A_663 = arith.addi %add3A_662, %and3A_8 : vector<16xi32>
        tpu.vector_store_idx %arg9[%broadcast_in_dim3A_527, %add3A_663, %add3A_510], %gather3A_660 : memref<2x32x128xf32, #tpu.memory_space<vmem>>[vector<16xi32>, vector<16xi32>, vector<16xi32>], vector<16xf32>,
        %add3A_664 = arith.constant 16 : i32
        %add3A_665 = vector.broadcast %add3A_664 : i32 to vector<16xi32>
        %add3A_666 = arith.addi %mul3A_525, %add3A_665 : vector<16xi32>
        %add3A_667 = arith.addi %add3A_666, %and3A_14 : vector<16xi32>
        %gather3A_668 = tpu.vector_load_idx %arg7[%add3A_506, %add3A_667] : memref<256x128xf32, #tpu.memory_space<vmem>>[vector<16xi32>, vector<16xi32>], vector<16xf32>,
        %add3A_669 = arith.constant 16 : i32
        %add3A_670 = vector.broadcast %add3A_669 : i32 to vector<16xi32>
        %add3A_671 = arith.addi %add3A_670, %and3A_14 : vector<16xi32>
        tpu.vector_store_idx %arg9[%broadcast_in_dim3A_527, %add3A_671, %add3A_510], %gather3A_668 : memref<2x32x128xf32, #tpu.memory_space<vmem>>[vector<16xi32>, vector<16xi32>, vector<16xi32>], vector<16xf32>,
        %add3A_672 = arith.constant 16 : i32
        %add3A_673 = vector.broadcast %add3A_672 : i32 to vector<16xi32>
        %add3A_674 = arith.addi %mul3A_525, %add3A_673 : vector<16xi32>
        %add3A_675 = arith.addi %add3A_674, %and3A_20 : vector<16xi32>
        %gather3A_676 = tpu.vector_load_idx %arg7[%add3A_506, %add3A_675] : memref<256x128xf32, #tpu.memory_space<vmem>>[vector<16xi32>, vector<16xi32>], vector<16xf32>,
        %add3A_677 = arith.constant 16 : i32
        %add3A_678 = vector.broadcast %add3A_677 : i32 to vector<16xi32>
        %add3A_679 = arith.addi %add3A_678, %and3A_20 : vector<16xi32>
        tpu.vector_store_idx %arg9[%broadcast_in_dim3A_527, %add3A_679, %add3A_510], %gather3A_676 : memref<2x32x128xf32, #tpu.memory_space<vmem>>[vector<16xi32>, vector<16xi32>, vector<16xi32>], vector<16xf32>,
        %add3A_680 = arith.constant 16 : i32
        %add3A_681 = vector.broadcast %add3A_680 : i32 to vector<16xi32>
        %add3A_682 = arith.addi %mul3A_525, %add3A_681 : vector<16xi32>
        %add3A_683 = arith.addi %add3A_682, %and3A_26 : vector<16xi32>
        %gather3A_684 = tpu.vector_load_idx %arg7[%add3A_506, %add3A_683] : memref<256x128xf32, #tpu.memory_space<vmem>>[vector<16xi32>, vector<16xi32>], vector<16xf32>,
        %add3A_685 = arith.constant 16 : i32
        %add3A_686 = vector.broadcast %add3A_685 : i32 to vector<16xi32>
        %add3A_687 = arith.addi %add3A_686, %and3A_26 : vector<16xi32>
        tpu.vector_store_idx %arg9[%broadcast_in_dim3A_527, %add3A_687, %add3A_510], %gather3A_684 : memref<2x32x128xf32, #tpu.memory_space<vmem>>[vector<16xi32>, vector<16xi32>, vector<16xi32>], vector<16xf32>,
        %add3A_688 = arith.constant 16 : i32
        %add3A_689 = vector.broadcast %add3A_688 : i32 to vector<16xi32>
        %add3A_690 = arith.addi %mul3A_525, %add3A_689 : vector<16xi32>
        %add3A_691 = arith.addi %add3A_690, %and3A_32 : vector<16xi32>
        %gather3A_692 = tpu.vector_load_idx %arg7[%add3A_506, %add3A_691] : memref<256x128xf32, #tpu.memory_space<vmem>>[vector<16xi32>, vector<16xi32>], vector<16xf32>,
        %add3A_693 = arith.constant 16 : i32
        %add3A_694 = vector.broadcast %add3A_693 : i32 to vector<16xi32>
        %add3A_695 = arith.addi %add3A_694, %and3A_32 : vector<16xi32>
        tpu.vector_store_idx %arg9[%broadcast_in_dim3A_527, %add3A_695, %add3A_510], %gather3A_692 : memref<2x32x128xf32, #tpu.memory_space<vmem>>[vector<16xi32>, vector<16xi32>, vector<16xi32>], vector<16xf32>,
        %add3A_696 = arith.constant 16 : i32
        %add3A_697 = vector.broadcast %add3A_696 : i32 to vector<16xi32>
        %add3A_698 = arith.addi %mul3A_525, %add3A_697 : vector<16xi32>
        %add3A_699 = arith.addi %add3A_698, %and3A_38 : vector<16xi32>
        %gather3A_700 = tpu.vector_load_idx %arg7[%add3A_506, %add3A_699] : memref<256x128xf32, #tpu.memory_space<vmem>>[vector<16xi32>, vector<16xi32>], vector<16xf32>,
        %add3A_701 = arith.constant 16 : i32
        %add3A_702 = vector.broadcast %add3A_701 : i32 to vector<16xi32>
        %add3A_703 = arith.addi %add3A_702, %and3A_38 : vector<16xi32>
        tpu.vector_store_idx %arg9[%broadcast_in_dim3A_527, %add3A_703, %add3A_510], %gather3A_700 : memref<2x32x128xf32, #tpu.memory_space<vmem>>[vector<16xi32>, vector<16xi32>, vector<16xi32>], vector<16xf32>,
        %add3A_704 = arith.constant 16 : i32
        %add3A_705 = vector.broadcast %add3A_704 : i32 to vector<16xi32>
        %add3A_706 = arith.addi %mul3A_525, %add3A_705 : vector<16xi32>
        %add3A_707 = arith.addi %add3A_706, %and3A_44 : vector<16xi32>
        %gather3A_708 = tpu.vector_load_idx %arg7[%add3A_506, %add3A_707] : memref<256x128xf32, #tpu.memory_space<vmem>>[vector<16xi32>, vector<16xi32>], vector<16xf32>,
        %add3A_709 = arith.constant 16 : i32
        %add3A_710 = vector.broadcast %add3A_709 : i32 to vector<16xi32>
        %add3A_711 = arith.addi %add3A_710, %and3A_44 : vector<16xi32>
        tpu.vector_store_idx %arg9[%broadcast_in_dim3A_527, %add3A_711, %add3A_510], %gather3A_708 : memref<2x32x128xf32, #tpu.memory_space<vmem>>[vector<16xi32>, vector<16xi32>, vector<16xi32>], vector<16xf32>,
        %add3A_712 = arith.constant 16 : i32
        %add3A_713 = vector.broadcast %add3A_712 : i32 to vector<16xi32>
        %add3A_714 = arith.addi %mul3A_525, %add3A_713 : vector<16xi32>
        %add3A_715 = arith.addi %add3A_714, %and3A_50 : vector<16xi32>
        %gather3A_716 = tpu.vector_load_idx %arg7[%add3A_506, %add3A_715] : memref<256x128xf32, #tpu.memory_space<vmem>>[vector<16xi32>, vector<16xi32>], vector<16xf32>,
        %add3A_717 = arith.constant 16 : i32
        %add3A_718 = vector.broadcast %add3A_717 : i32 to vector<16xi32>
        %add3A_719 = arith.addi %add3A_718, %and3A_50 : vector<16xi32>
        tpu.vector_store_idx %arg9[%broadcast_in_dim3A_527, %add3A_719, %add3A_510], %gather3A_716 : memref<2x32x128xf32, #tpu.memory_space<vmem>>[vector<16xi32>, vector<16xi32>, vector<16xi32>], vector<16xf32>,
        %add3A_720 = arith.constant 16 : i32
        %add3A_721 = vector.broadcast %add3A_720 : i32 to vector<16xi32>
        %add3A_722 = arith.addi %mul3A_525, %add3A_721 : vector<16xi32>
        %add3A_723 = arith.addi %add3A_722, %and3A_56 : vector<16xi32>
        %gather3A_724 = tpu.vector_load_idx %arg7[%add3A_506, %add3A_723] : memref<256x128xf32, #tpu.memory_space<vmem>>[vector<16xi32>, vector<16xi32>], vector<16xf32>,
        %add3A_725 = arith.constant 16 : i32
        %add3A_726 = vector.broadcast %add3A_725 : i32 to vector<16xi32>
        %add3A_727 = arith.addi %add3A_726, %and3A_56 : vector<16xi32>
        tpu.vector_store_idx %arg9[%broadcast_in_dim3A_527, %add3A_727, %add3A_510], %gather3A_724 : memref<2x32x128xf32, #tpu.memory_space<vmem>>[vector<16xi32>, vector<16xi32>, vector<16xi32>], vector<16xf32>,
        %add3A_728 = arith.constant 16 : i32
        %add3A_729 = vector.broadcast %add3A_728 : i32 to vector<16xi32>
        %add3A_730 = arith.addi %mul3A_525, %add3A_729 : vector<16xi32>
        %add3A_731 = arith.addi %add3A_730, %and3A_62 : vector<16xi32>
        %gather3A_732 = tpu.vector_load_idx %arg7[%add3A_506, %add3A_731] : memref<256x128xf32, #tpu.memory_space<vmem>>[vector<16xi32>, vector<16xi32>], vector<16xf32>,
        %add3A_733 = arith.constant 16 : i32
        %add3A_734 = vector.broadcast %add3A_733 : i32 to vector<16xi32>
        %add3A_735 = arith.addi %add3A_734, %and3A_62 : vector<16xi32>
        tpu.vector_store_idx %arg9[%broadcast_in_dim3A_527, %add3A_735, %add3A_510], %gather3A_732 : memref<2x32x128xf32, #tpu.memory_space<vmem>>[vector<16xi32>, vector<16xi32>, vector<16xi32>], vector<16xf32>,
        %add3A_736 = arith.constant 16 : i32
        %add3A_737 = vector.broadcast %add3A_736 : i32 to vector<16xi32>
        %add3A_738 = arith.addi %mul3A_525, %add3A_737 : vector<16xi32>
        %add3A_739 = arith.addi %add3A_738, %and3A_68 : vector<16xi32>
        %gather3A_740 = tpu.vector_load_idx %arg7[%add3A_506, %add3A_739] : memref<256x128xf32, #tpu.memory_space<vmem>>[vector<16xi32>, vector<16xi32>], vector<16xf32>,
        %add3A_741 = arith.constant 16 : i32
        %add3A_742 = vector.broadcast %add3A_741 : i32 to vector<16xi32>
        %add3A_743 = arith.addi %add3A_742, %and3A_68 : vector<16xi32>
        tpu.vector_store_idx %arg9[%broadcast_in_dim3A_527, %add3A_743, %add3A_510], %gather3A_740 : memref<2x32x128xf32, #tpu.memory_space<vmem>>[vector<16xi32>, vector<16xi32>, vector<16xi32>], vector<16xf32>,
        %add3A_744 = arith.constant 16 : i32
        %add3A_745 = vector.broadcast %add3A_744 : i32 to vector<16xi32>
        %add3A_746 = arith.addi %mul3A_525, %add3A_745 : vector<16xi32>
        %add3A_747 = arith.addi %add3A_746, %and3A_74 : vector<16xi32>
        %gather3A_748 = tpu.vector_load_idx %arg7[%add3A_506, %add3A_747] : memref<256x128xf32, #tpu.memory_space<vmem>>[vector<16xi32>, vector<16xi32>], vector<16xf32>,
        %add3A_749 = arith.constant 16 : i32
        %add3A_750 = vector.broadcast %add3A_749 : i32 to vector<16xi32>
        %add3A_751 = arith.addi %add3A_750, %and3A_74 : vector<16xi32>
        tpu.vector_store_idx %arg9[%broadcast_in_dim3A_527, %add3A_751, %add3A_510], %gather3A_748 : memref<2x32x128xf32, #tpu.memory_space<vmem>>[vector<16xi32>, vector<16xi32>, vector<16xi32>], vector<16xf32>,
        %add3A_752 = arith.constant 16 : i32
        %add3A_753 = vector.broadcast %add3A_752 : i32 to vector<16xi32>
        %add3A_754 = arith.addi %mul3A_525, %add3A_753 : vector<16xi32>
        %add3A_755 = arith.addi %add3A_754, %and3A_80 : vector<16xi32>
        %gather3A_756 = tpu.vector_load_idx %arg7[%add3A_506, %add3A_755] : memref<256x128xf32, #tpu.memory_space<vmem>>[vector<16xi32>, vector<16xi32>], vector<16xf32>,
        %add3A_757 = arith.constant 16 : i32
        %add3A_758 = vector.broadcast %add3A_757 : i32 to vector<16xi32>
        %add3A_759 = arith.addi %add3A_758, %and3A_80 : vector<16xi32>
        tpu.vector_store_idx %arg9[%broadcast_in_dim3A_527, %add3A_759, %add3A_510], %gather3A_756 : memref<2x32x128xf32, #tpu.memory_space<vmem>>[vector<16xi32>, vector<16xi32>, vector<16xi32>], vector<16xf32>,
        %add3A_760 = arith.constant 16 : i32
        %add3A_761 = vector.broadcast %add3A_760 : i32 to vector<16xi32>
        %add3A_762 = arith.addi %mul3A_525, %add3A_761 : vector<16xi32>
        %add3A_763 = arith.addi %add3A_762, %and3A_86 : vector<16xi32>
        %gather3A_764 = tpu.vector_load_idx %arg7[%add3A_506, %add3A_763] : memref<256x128xf32, #tpu.memory_space<vmem>>[vector<16xi32>, vector<16xi32>], vector<16xf32>,
        %add3A_765 = arith.constant 16 : i32
        %add3A_766 = vector.broadcast %add3A_765 : i32 to vector<16xi32>
        %add3A_767 = arith.addi %add3A_766, %and3A_86 : vector<16xi32>
        tpu.vector_store_idx %arg9[%broadcast_in_dim3A_527, %add3A_767, %add3A_510], %gather3A_764 : memref<2x32x128xf32, #tpu.memory_space<vmem>>[vector<16xi32>, vector<16xi32>, vector<16xi32>], vector<16xf32>,
        %add3A_768 = arith.constant 16 : i32
        %add3A_769 = vector.broadcast %add3A_768 : i32 to vector<16xi32>
        %add3A_770 = arith.addi %mul3A_525, %add3A_769 : vector<16xi32>
        %add3A_771 = arith.addi %add3A_770, %and3A_92 : vector<16xi32>
        %gather3A_772 = tpu.vector_load_idx %arg7[%add3A_506, %add3A_771] : memref<256x128xf32, #tpu.memory_space<vmem>>[vector<16xi32>, vector<16xi32>], vector<16xf32>,
        %add3A_773 = arith.constant 16 : i32
        %add3A_774 = vector.broadcast %add3A_773 : i32 to vector<16xi32>
        %add3A_775 = arith.addi %add3A_774, %and3A_92 : vector<16xi32>
        tpu.vector_store_idx %arg9[%broadcast_in_dim3A_527, %add3A_775, %add3A_510], %gather3A_772 : memref<2x32x128xf32, #tpu.memory_space<vmem>>[vector<16xi32>, vector<16xi32>, vector<16xi32>], vector<16xf32>,
        %add3A_776 = arith.constant 16 : i32
        %add3A_777 = vector.broadcast %add3A_776 : i32 to vector<16xi32>
        %add3A_778 = arith.addi %mul3A_525, %add3A_777 : vector<16xi32>
        %add3A_779 = arith.addi %add3A_778, %and3A_98 : vector<16xi32>
        %gather3A_780 = tpu.vector_load_idx %arg7[%add3A_506, %add3A_779] : memref<256x128xf32, #tpu.memory_space<vmem>>[vector<16xi32>, vector<16xi32>], vector<16xf32>,
        %add3A_781 = arith.constant 16 : i32
        %add3A_782 = vector.broadcast %add3A_781 : i32 to vector<16xi32>
        %add3A_783 = arith.addi %add3A_782, %and3A_98 : vector<16xi32>
        tpu.vector_store_idx %arg9[%broadcast_in_dim3A_527, %add3A_783, %add3A_510], %gather3A_780 : memref<2x32x128xf32, #tpu.memory_space<vmem>>[vector<16xi32>, vector<16xi32>, vector<16xi32>], vector<16xf32>,
      }
      %scan3A_197 = arith.constant 8 : i32
      %mul3A_198 = arith.constant 2 : i32
      %mul3A_199 = arith.muli %mul3A_198, %mul3A_164 : i32
      %dma_start3A_200 = arith.constant 0 : i32
      %dma_start3A_201 = tpu.memref_slice %arg4[%mul3A_199, %dma_start3A_200, %mul3A_2] : memref<50x32x4096xf32, #tpu.memory_space<hbm>> -> memref<2x32x128xf32, #tpu.memory_space<hbm>>
      %dma_start3A_202 = arith.constant 0 : i32
      %dma_start3A_203 = tpu.memref_slice %arg4[%mul3A_199, %dma_start3A_202, %mul3A_2] : memref<50x32x4096xf32, #tpu.memory_space<hbm>> -> memref<2x32x128xf32, #tpu.memory_space<hbm>>
      tpu.enqueue_dma source(%arg9 : memref<2x32x128xf32, #tpu.memory_space<vmem>>) target(%dma_start3A_203 : memref<2x32x128xf32, #tpu.memory_space<hbm>>) target_semaphore(%arg12 : memref<!tpu.dma_semaphore, #tpu.memory_space<semaphore_mem>>)
      %add3A_204 = arith.constant 2 : i32
      %add3A_205 = arith.addi %mul3A_164, %add3A_204 : i32
      %lt3A = arith.constant 25 : i32
      %lt3A_206 = arith.cmpi slt, %add3A_205, %lt3A : i32
      %convert_element_type3A_207 = arith.extui %lt3A_206 : i1 to i32
      %cond3A_208 = arith.constant 0 : i32
      %cond3A_209 = arith.cmpi ne, %convert_element_type3A_207, %cond3A_208 : i32
      scf.if %cond3A_209 {
        %add3A_215 = arith.constant 2 : i32
        %add3A_216 = arith.addi %mul3A_164, %add3A_215 : i32
        %mul3A_217 = arith.constant 2 : i32
        %mul3A_218 = arith.muli %mul3A_217, %add3A_216 : i32
        %add3A_219 = arith.constant 0 : i32
        %add3A_220 = arith.addi %mul3A_218, %add3A_219 : i32
        %dma_start3A_221 = arith.constant 0 : i32
        %dma_start3A_222 = arith.constant 0 : i32
        %dma_start3A_223 = tpu.memref_slice %arg7[%dma_start3A_221, %dma_start3A_222] : memref<256x128xf32, #tpu.memory_space<vmem>> -> memref<128x128xf32, #tpu.memory_space<vmem>>
        %dma_start3A_224 = arith.constant 0 : i32
        %dma_start3A_225 = tpu.memref_slice %arg6[%add3A_220, %dma_start3A_224] : memref<50x128xi32, #tpu.memory_space<vmem>> -> memref<1x128xi32, #tpu.memory_space<vmem>>
        %dma_start3A_226 = tpu.memref_squeeze %dma_start3A_225 : memref<1x128xi32, #tpu.memory_space<vmem>> -> memref<128xi32, #tpu.memory_space<vmem>>
        %dma_start3A_227 = arith.constant 0 : i32
        %dma_start3A_228 = arith.constant 0 : i32
        %dma_start3A_229 = tpu.memref_slice %arg2[%dma_start3A_227, %dma_start3A_228] : memref<25000x128xf32, #tpu.memory_space<hbm>> -> memref<25000x128xf32, #tpu.memory_space<hbm>>
        tpu.enqueue_indirect_dma source(%dma_start3A_229 : memref<25000x128xf32, #tpu.memory_space<hbm>>) target(%dma_start3A_223 : memref<128x128xf32, #tpu.memory_space<vmem>>) offsets(%dma_start3A_226 : memref<128xi32, #tpu.memory_space<vmem>>) semaphore(%arg11 : memref<!tpu.dma_semaphore, #tpu.memory_space<semaphore_mem>>)
        %mul3A_230 = arith.constant 2 : i32
        %mul3A_231 = arith.muli %mul3A_230, %add3A_216 : i32
        %add3A_232 = arith.constant 1 : i32
        %add3A_233 = arith.addi %mul3A_231, %add3A_232 : i32
        %dma_start3A_234 = arith.constant 128 : i32
        %dma_start3A_235 = arith.constant 0 : i32
        %dma_start3A_236 = tpu.memref_slice %arg7[%dma_start3A_234, %dma_start3A_235] : memref<256x128xf32, #tpu.memory_space<vmem>> -> memref<128x128xf32, #tpu.memory_space<vmem>>
        %dma_start3A_237 = arith.constant 0 : i32
        %dma_start3A_238 = tpu.memref_slice %arg6[%add3A_233, %dma_start3A_237] : memref<50x128xi32, #tpu.memory_space<vmem>> -> memref<1x128xi32, #tpu.memory_space<vmem>>
        %dma_start3A_239 = tpu.memref_squeeze %dma_start3A_238 : memref<1x128xi32, #tpu.memory_space<vmem>> -> memref<128xi32, #tpu.memory_space<vmem>>
        %dma_start3A_240 = arith.constant 0 : i32
        %dma_start3A_241 = arith.constant 0 : i32
        %dma_start3A_242 = tpu.memref_slice %arg2[%dma_start3A_240, %dma_start3A_241] : memref<25000x128xf32, #tpu.memory_space<hbm>> -> memref<25000x128xf32, #tpu.memory_space<hbm>>
        tpu.enqueue_indirect_dma source(%dma_start3A_242 : memref<25000x128xf32, #tpu.memory_space<hbm>>) target(%dma_start3A_236 : memref<128x128xf32, #tpu.memory_space<vmem>>) offsets(%dma_start3A_239 : memref<128xi32, #tpu.memory_space<vmem>>) semaphore(%arg11 : memref<!tpu.dma_semaphore, #tpu.memory_space<semaphore_mem>>)
      } else {
      }
      %lt3A_210 = arith.constant 25 : i32
      %lt3A_211 = arith.cmpi slt, %add3A_166, %lt3A_210 : i32
      %convert_element_type3A_212 = arith.extui %lt3A_211 : i1 to i32
      %cond3A_213 = arith.constant 0 : i32
      %cond3A_214 = arith.cmpi ne, %convert_element_type3A_212, %cond3A_213 : i32
      scf.if %cond3A_214 {
        %dma_wait3A_215 = arith.constant 0 : i32
        %dma_wait3A_216 = arith.constant 0 : i32
        %dma_wait3A_217 = tpu.memref_slice %arg8[%dma_wait3A_215, %dma_wait3A_216] : memref<256x128xf32, #tpu.memory_space<vmem>> -> memref<128x128xf32, #tpu.memory_space<vmem>>
        %dma_wait3A_218 = arith.constant 0 : i32
        %dma_wait3A_219 = arith.constant 0 : i32
        %dma_wait3A_220 = tpu.memref_slice %arg2[%dma_wait3A_218, %dma_wait3A_219] : memref<25000x128xf32, #tpu.memory_space<hbm>> -> memref<128x128xf32, #tpu.memory_space<hbm>>
        %dma_wait3A_221 = arith.constant 0 : i32
        %dma_wait3A_222 = arith.constant 0 : i32
        %dma_wait3A_223 = tpu.memref_slice %arg8[%dma_wait3A_221, %dma_wait3A_222] : memref<256x128xf32, #tpu.memory_space<vmem>> -> memref<128x128xf32, #tpu.memory_space<vmem>>
        %dma_wait3A_224 = arith.constant 0 : i32
        %dma_wait3A_225 = arith.constant 0 : i32
        %dma_wait3A_226 = tpu.memref_slice %arg2[%dma_wait3A_224, %dma_wait3A_225] : memref<25000x128xf32, #tpu.memory_space<hbm>> -> memref<128x128xf32, #tpu.memory_space<hbm>>
        tpu.wait_dma2 semaphore(%arg11 : memref<!tpu.dma_semaphore, #tpu.memory_space<semaphore_mem>>) src(%dma_wait3A_226 : memref<128x128xf32, #tpu.memory_space<hbm>>) dst(%dma_wait3A_223 : memref<128x128xf32, #tpu.memory_space<vmem>>)
        %dma_wait3A_227 = arith.constant 128 : i32
        %dma_wait3A_228 = arith.constant 0 : i32
        %dma_wait3A_229 = tpu.memref_slice %arg8[%dma_wait3A_227, %dma_wait3A_228] : memref<256x128xf32, #tpu.memory_space<vmem>> -> memref<128x128xf32, #tpu.memory_space<vmem>>
        %dma_wait3A_230 = arith.constant 0 : i32
        %dma_wait3A_231 = arith.constant 0 : i32
        %dma_wait3A_232 = tpu.memref_slice %arg2[%dma_wait3A_230, %dma_wait3A_231] : memref<25000x128xf32, #tpu.memory_space<hbm>> -> memref<128x128xf32, #tpu.memory_space<hbm>>
        %dma_wait3A_233 = arith.constant 128 : i32
        %dma_wait3A_234 = arith.constant 0 : i32
        %dma_wait3A_235 = tpu.memref_slice %arg8[%dma_wait3A_233, %dma_wait3A_234] : memref<256x128xf32, #tpu.memory_space<vmem>> -> memref<128x128xf32, #tpu.memory_space<vmem>>
        %dma_wait3A_236 = arith.constant 0 : i32
        %dma_wait3A_237 = arith.constant 0 : i32
        %dma_wait3A_238 = tpu.memref_slice %arg2[%dma_wait3A_236, %dma_wait3A_237] : memref<25000x128xf32, #tpu.memory_space<hbm>> -> memref<128x128xf32, #tpu.memory_space<hbm>>
        tpu.wait_dma2 semaphore(%arg11 : memref<!tpu.dma_semaphore, #tpu.memory_space<semaphore_mem>>) src(%dma_wait3A_238 : memref<128x128xf32, #tpu.memory_space<hbm>>) dst(%dma_wait3A_235 : memref<128x128xf32, #tpu.memory_space<vmem>>)
        %gt3A_239 = arith.constant 0 : i32
        %gt3A_240 = arith.cmpi sgt, %add3A_162, %gt3A_239 : i32
        %convert_element_type3A_241 = arith.extui %gt3A_240 : i1 to i32
        %cond3A_242 = arith.constant 0 : i32
        %cond3A_243 = arith.cmpi ne, %convert_element_type3A_241, %cond3A_242 : i32
        scf.if %cond3A_243 {
          %dma_wait3A_262 = arith.constant 0 : i32
          %dma_wait3A_263 = arith.constant 0 : i32
          %dma_wait3A_264 = tpu.memref_slice %arg4[%dma_wait3A_262, %dma_wait3A_263, %mul3A_2] : memref<50x32x4096xf32, #tpu.memory_space<hbm>> -> memref<2x32x128xf32, #tpu.memory_space<hbm>>
          %dma_wait3A_265 = arith.constant 0 : i32
          %dma_wait3A_266 = arith.constant 0 : i32
          %dma_wait3A_267 = tpu.memref_slice %arg4[%dma_wait3A_265, %dma_wait3A_266, %mul3A_2] : memref<50x32x4096xf32, #tpu.memory_space<hbm>> -> memref<2x32x128xf32, #tpu.memory_space<hbm>>
          tpu.wait_dma2 semaphore(%arg13 : memref<!tpu.dma_semaphore, #tpu.memory_space<semaphore_mem>>) src(%arg10 : memref<2x32x128xf32, #tpu.memory_space<vmem>>) dst(%dma_wait3A_267 : memref<2x32x128xf32, #tpu.memory_space<hbm>>)
        } else {
        }
        %scan3A_244 = arith.constant 0 : i32
        %scan3A_245 = arith.constant 8 : i32
        %scan3A_246 = arith.addi %scan3A_244, %scan3A_245 : i32
        %scan3A_247 = arith.constant 1 : i32
        scf.for %scan3A_262 = %scan3A_244 to %scan3A_246 step %scan3A_247  : i32 {
          %mul3A_263 = arith.constant 1 : i32
          %mul3A_264 = arith.muli %scan3A_262, %mul3A_263 : i32
          %add3A_265 = arith.constant 0 : i32
          %add3A_266 = arith.addi %add3A_265, %mul3A_264 : i32
          %mul3A_267 = arith.constant 16 : i32
          %mul3A_268 = arith.muli %mul3A_267, %add3A_266 : i32
          %add3A_269 = arith.constant 0 : i32
          %add3A_270 = arith.addi %add3A_269, %mul3A_268 : i32
          %add3A_271 = vector.broadcast %add3A_270 : i32 to vector<16xi32>
          %add3A_272 = arith.addi %add3A_271, %iota3A : vector<16xi32>
          %mul3A_273 = arith.constant 16 : i32
          %mul3A_274 = arith.muli %mul3A_273, %add3A_266 : i32
          %add3A_275 = vector.broadcast %mul3A_274 : i32 to vector<16xi32>
          %add3A_276 = arith.addi %add3A_275, %iota3A : vector<16xi32>
          %mul3A_277 = arith.constant 2 : i32
          %mul3A_278 = arith.muli %mul3A_277, %add3A_166 : i32
          %add3A_279 = arith.constant 0 : i32
          %add3A_280 = arith.addi %mul3A_278, %add3A_279 : i32
          %mul3A_281 = arith.constant 16 : i32
          %mul3A_282 = arith.muli %mul3A_281, %add3A_266 : i32
          %get3A = arith.index_cast %add3A_280 : i32 to index
          %get3A_283 = arith.index_cast %mul3A_282 : i32 to index
          %get3A_284 = tpu.vector_load %arg5[%get3A, %get3A_283] {strides = array<i32>} : memref<50x128xi32, #tpu.memory_space<vmem>>, vector<16xi32>,
          %and3A_285 = arith.constant 3 : i32
          %and3A_286 = vector.broadcast %and3A_285 : i32 to vector<16xi32>
          %and3A_287 = arith.andi %get3A_284, %and3A_286 : vector<16xi32>
          %mul3A_288 = arith.constant 32 : i32
          %mul3A_289 = vector.broadcast %mul3A_288 : i32 to vector<16xi32>
          %mul3A_290 = arith.muli %and3A_287, %mul3A_289 : vector<16xi32>
          %broadcast_in_dim3A_291 = arith.constant 0 : i32
          %broadcast_in_dim3A_292 = vector.broadcast %broadcast_in_dim3A_291 : i32 to vector<16xi32>
          %add3A_293 = arith.constant 0 : i32
          %add3A_294 = vector.broadcast %add3A_293 : i32 to vector<16xi32>
          %add3A_295 = arith.addi %mul3A_290, %add3A_294 : vector<16xi32>
          %add3A_296 = arith.addi %add3A_295, %and3A_8 : vector<16xi32>
          %gather3A = tpu.vector_load_idx %arg8[%add3A_272, %add3A_296] : memref<256x128xf32, #tpu.memory_space<vmem>>[vector<16xi32>, vector<16xi32>], vector<16xf32>,
          %add3A_297 = arith.constant 0 : i32
          %add3A_298 = vector.broadcast %add3A_297 : i32 to vector<16xi32>
          %add3A_299 = arith.addi %add3A_298, %and3A_8 : vector<16xi32>
          tpu.vector_store_idx %arg10[%broadcast_in_dim3A_292, %add3A_299, %add3A_276], %gather3A : memref<2x32x128xf32, #tpu.memory_space<vmem>>[vector<16xi32>, vector<16xi32>, vector<16xi32>], vector<16xf32>,
          %add3A_300 = arith.constant 0 : i32
          %add3A_301 = vector.broadcast %add3A_300 : i32 to vector<16xi32>
          %add3A_302 = arith.addi %mul3A_290, %add3A_301 : vector<16xi32>
          %add3A_303 = arith.addi %add3A_302, %and3A_14 : vector<16xi32>
          %gather3A_304 = tpu.vector_load_idx %arg8[%add3A_272, %add3A_303] : memref<256x128xf32, #tpu.memory_space<vmem>>[vector<16xi32>, vector<16xi32>], vector<16xf32>,
          %add3A_305 = arith.constant 0 : i32
          %add3A_306 = vector.broadcast %add3A_305 : i32 to vector<16xi32>
          %add3A_307 = arith.addi %add3A_306, %and3A_14 : vector<16xi32>
          tpu.vector_store_idx %arg10[%broadcast_in_dim3A_292, %add3A_307, %add3A_276], %gather3A_304 : memref<2x32x128xf32, #tpu.memory_space<vmem>>[vector<16xi32>, vector<16xi32>, vector<16xi32>], vector<16xf32>,
          %add3A_308 = arith.constant 0 : i32
          %add3A_309 = vector.broadcast %add3A_308 : i32 to vector<16xi32>
          %add3A_310 = arith.addi %mul3A_290, %add3A_309 : vector<16xi32>
          %add3A_311 = arith.addi %add3A_310, %and3A_20 : vector<16xi32>
          %gather3A_312 = tpu.vector_load_idx %arg8[%add3A_272, %add3A_311] : memref<256x128xf32, #tpu.memory_space<vmem>>[vector<16xi32>, vector<16xi32>], vector<16xf32>,
          %add3A_313 = arith.constant 0 : i32
          %add3A_314 = vector.broadcast %add3A_313 : i32 to vector<16xi32>
          %add3A_315 = arith.addi %add3A_314, %and3A_20 : vector<16xi32>
          tpu.vector_store_idx %arg10[%broadcast_in_dim3A_292, %add3A_315, %add3A_276], %gather3A_312 : memref<2x32x128xf32, #tpu.memory_space<vmem>>[vector<16xi32>, vector<16xi32>, vector<16xi32>], vector<16xf32>,
          %add3A_316 = arith.constant 0 : i32
          %add3A_317 = vector.broadcast %add3A_316 : i32 to vector<16xi32>
          %add3A_318 = arith.addi %mul3A_290, %add3A_317 : vector<16xi32>
          %add3A_319 = arith.addi %add3A_318, %and3A_26 : vector<16xi32>
          %gather3A_320 = tpu.vector_load_idx %arg8[%add3A_272, %add3A_319] : memref<256x128xf32, #tpu.memory_space<vmem>>[vector<16xi32>, vector<16xi32>], vector<16xf32>,
          %add3A_321 = arith.constant 0 : i32
          %add3A_322 = vector.broadcast %add3A_321 : i32 to vector<16xi32>
          %add3A_323 = arith.addi %add3A_322, %and3A_26 : vector<16xi32>
          tpu.vector_store_idx %arg10[%broadcast_in_dim3A_292, %add3A_323, %add3A_276], %gather3A_320 : memref<2x32x128xf32, #tpu.memory_space<vmem>>[vector<16xi32>, vector<16xi32>, vector<16xi32>], vector<16xf32>,
          %add3A_324 = arith.constant 0 : i32
          %add3A_325 = vector.broadcast %add3A_324 : i32 to vector<16xi32>
          %add3A_326 = arith.addi %mul3A_290, %add3A_325 : vector<16xi32>
          %add3A_327 = arith.addi %add3A_326, %and3A_32 : vector<16xi32>
          %gather3A_328 = tpu.vector_load_idx %arg8[%add3A_272, %add3A_327] : memref<256x128xf32, #tpu.memory_space<vmem>>[vector<16xi32>, vector<16xi32>], vector<16xf32>,
          %add3A_329 = arith.constant 0 : i32
          %add3A_330 = vector.broadcast %add3A_329 : i32 to vector<16xi32>
          %add3A_331 = arith.addi %add3A_330, %and3A_32 : vector<16xi32>
          tpu.vector_store_idx %arg10[%broadcast_in_dim3A_292, %add3A_331, %add3A_276], %gather3A_328 : memref<2x32x128xf32, #tpu.memory_space<vmem>>[vector<16xi32>, vector<16xi32>, vector<16xi32>], vector<16xf32>,
          %add3A_332 = arith.constant 0 : i32
          %add3A_333 = vector.broadcast %add3A_332 : i32 to vector<16xi32>
          %add3A_334 = arith.addi %mul3A_290, %add3A_333 : vector<16xi32>
          %add3A_335 = arith.addi %add3A_334, %and3A_38 : vector<16xi32>
          %gather3A_336 = tpu.vector_load_idx %arg8[%add3A_272, %add3A_335] : memref<256x128xf32, #tpu.memory_space<vmem>>[vector<16xi32>, vector<16xi32>], vector<16xf32>,
          %add3A_337 = arith.constant 0 : i32
          %add3A_338 = vector.broadcast %add3A_337 : i32 to vector<16xi32>
          %add3A_339 = arith.addi %add3A_338, %and3A_38 : vector<16xi32>
          tpu.vector_store_idx %arg10[%broadcast_in_dim3A_292, %add3A_339, %add3A_276], %gather3A_336 : memref<2x32x128xf32, #tpu.memory_space<vmem>>[vector<16xi32>, vector<16xi32>, vector<16xi32>], vector<16xf32>,
          %add3A_340 = arith.constant 0 : i32
          %add3A_341 = vector.broadcast %add3A_340 : i32 to vector<16xi32>
          %add3A_342 = arith.addi %mul3A_290, %add3A_341 : vector<16xi32>
          %add3A_343 = arith.addi %add3A_342, %and3A_44 : vector<16xi32>
          %gather3A_344 = tpu.vector_load_idx %arg8[%add3A_272, %add3A_343] : memref<256x128xf32, #tpu.memory_space<vmem>>[vector<16xi32>, vector<16xi32>], vector<16xf32>,
          %add3A_345 = arith.constant 0 : i32
          %add3A_346 = vector.broadcast %add3A_345 : i32 to vector<16xi32>
          %add3A_347 = arith.addi %add3A_346, %and3A_44 : vector<16xi32>
          tpu.vector_store_idx %arg10[%broadcast_in_dim3A_292, %add3A_347, %add3A_276], %gather3A_344 : memref<2x32x128xf32, #tpu.memory_space<vmem>>[vector<16xi32>, vector<16xi32>, vector<16xi32>], vector<16xf32>,
          %add3A_348 = arith.constant 0 : i32
          %add3A_349 = vector.broadcast %add3A_348 : i32 to vector<16xi32>
          %add3A_350 = arith.addi %mul3A_290, %add3A_349 : vector<16xi32>
          %add3A_351 = arith.addi %add3A_350, %and3A_50 : vector<16xi32>
          %gather3A_352 = tpu.vector_load_idx %arg8[%add3A_272, %add3A_351] : memref<256x128xf32, #tpu.memory_space<vmem>>[vector<16xi32>, vector<16xi32>], vector<16xf32>,
          %add3A_353 = arith.constant 0 : i32
          %add3A_354 = vector.broadcast %add3A_353 : i32 to vector<16xi32>
          %add3A_355 = arith.addi %add3A_354, %and3A_50 : vector<16xi32>
          tpu.vector_store_idx %arg10[%broadcast_in_dim3A_292, %add3A_355, %add3A_276], %gather3A_352 : memref<2x32x128xf32, #tpu.memory_space<vmem>>[vector<16xi32>, vector<16xi32>, vector<16xi32>], vector<16xf32>,
          %add3A_356 = arith.constant 0 : i32
          %add3A_357 = vector.broadcast %add3A_356 : i32 to vector<16xi32>
          %add3A_358 = arith.addi %mul3A_290, %add3A_357 : vector<16xi32>
          %add3A_359 = arith.addi %add3A_358, %and3A_56 : vector<16xi32>
          %gather3A_360 = tpu.vector_load_idx %arg8[%add3A_272, %add3A_359] : memref<256x128xf32, #tpu.memory_space<vmem>>[vector<16xi32>, vector<16xi32>], vector<16xf32>,
          %add3A_361 = arith.constant 0 : i32
          %add3A_362 = vector.broadcast %add3A_361 : i32 to vector<16xi32>
          %add3A_363 = arith.addi %add3A_362, %and3A_56 : vector<16xi32>
          tpu.vector_store_idx %arg10[%broadcast_in_dim3A_292, %add3A_363, %add3A_276], %gather3A_360 : memref<2x32x128xf32, #tpu.memory_space<vmem>>[vector<16xi32>, vector<16xi32>, vector<16xi32>], vector<16xf32>,
          %add3A_364 = arith.constant 0 : i32
          %add3A_365 = vector.broadcast %add3A_364 : i32 to vector<16xi32>
          %add3A_366 = arith.addi %mul3A_290, %add3A_365 : vector<16xi32>
          %add3A_367 = arith.addi %add3A_366, %and3A_62 : vector<16xi32>
          %gather3A_368 = tpu.vector_load_idx %arg8[%add3A_272, %add3A_367] : memref<256x128xf32, #tpu.memory_space<vmem>>[vector<16xi32>, vector<16xi32>], vector<16xf32>,
          %add3A_369 = arith.constant 0 : i32
          %add3A_370 = vector.broadcast %add3A_369 : i32 to vector<16xi32>
          %add3A_371 = arith.addi %add3A_370, %and3A_62 : vector<16xi32>
          tpu.vector_store_idx %arg10[%broadcast_in_dim3A_292, %add3A_371, %add3A_276], %gather3A_368 : memref<2x32x128xf32, #tpu.memory_space<vmem>>[vector<16xi32>, vector<16xi32>, vector<16xi32>], vector<16xf32>,
          %add3A_372 = arith.constant 0 : i32
          %add3A_373 = vector.broadcast %add3A_372 : i32 to vector<16xi32>
          %add3A_374 = arith.addi %mul3A_290, %add3A_373 : vector<16xi32>
          %add3A_375 = arith.addi %add3A_374, %and3A_68 : vector<16xi32>
          %gather3A_376 = tpu.vector_load_idx %arg8[%add3A_272, %add3A_375] : memref<256x128xf32, #tpu.memory_space<vmem>>[vector<16xi32>, vector<16xi32>], vector<16xf32>,
          %add3A_377 = arith.constant 0 : i32
          %add3A_378 = vector.broadcast %add3A_377 : i32 to vector<16xi32>
          %add3A_379 = arith.addi %add3A_378, %and3A_68 : vector<16xi32>
          tpu.vector_store_idx %arg10[%broadcast_in_dim3A_292, %add3A_379, %add3A_276], %gather3A_376 : memref<2x32x128xf32, #tpu.memory_space<vmem>>[vector<16xi32>, vector<16xi32>, vector<16xi32>], vector<16xf32>,
          %add3A_380 = arith.constant 0 : i32
          %add3A_381 = vector.broadcast %add3A_380 : i32 to vector<16xi32>
          %add3A_382 = arith.addi %mul3A_290, %add3A_381 : vector<16xi32>
          %add3A_383 = arith.addi %add3A_382, %and3A_74 : vector<16xi32>
          %gather3A_384 = tpu.vector_load_idx %arg8[%add3A_272, %add3A_383] : memref<256x128xf32, #tpu.memory_space<vmem>>[vector<16xi32>, vector<16xi32>], vector<16xf32>,
          %add3A_385 = arith.constant 0 : i32
          %add3A_386 = vector.broadcast %add3A_385 : i32 to vector<16xi32>
          %add3A_387 = arith.addi %add3A_386, %and3A_74 : vector<16xi32>
          tpu.vector_store_idx %arg10[%broadcast_in_dim3A_292, %add3A_387, %add3A_276], %gather3A_384 : memref<2x32x128xf32, #tpu.memory_space<vmem>>[vector<16xi32>, vector<16xi32>, vector<16xi32>], vector<16xf32>,
          %add3A_388 = arith.constant 0 : i32
          %add3A_389 = vector.broadcast %add3A_388 : i32 to vector<16xi32>
          %add3A_390 = arith.addi %mul3A_290, %add3A_389 : vector<16xi32>
          %add3A_391 = arith.addi %add3A_390, %and3A_80 : vector<16xi32>
          %gather3A_392 = tpu.vector_load_idx %arg8[%add3A_272, %add3A_391] : memref<256x128xf32, #tpu.memory_space<vmem>>[vector<16xi32>, vector<16xi32>], vector<16xf32>,
          %add3A_393 = arith.constant 0 : i32
          %add3A_394 = vector.broadcast %add3A_393 : i32 to vector<16xi32>
          %add3A_395 = arith.addi %add3A_394, %and3A_80 : vector<16xi32>
          tpu.vector_store_idx %arg10[%broadcast_in_dim3A_292, %add3A_395, %add3A_276], %gather3A_392 : memref<2x32x128xf32, #tpu.memory_space<vmem>>[vector<16xi32>, vector<16xi32>, vector<16xi32>], vector<16xf32>,
          %add3A_396 = arith.constant 0 : i32
          %add3A_397 = vector.broadcast %add3A_396 : i32 to vector<16xi32>
          %add3A_398 = arith.addi %mul3A_290, %add3A_397 : vector<16xi32>
          %add3A_399 = arith.addi %add3A_398, %and3A_86 : vector<16xi32>
          %gather3A_400 = tpu.vector_load_idx %arg8[%add3A_272, %add3A_399] : memref<256x128xf32, #tpu.memory_space<vmem>>[vector<16xi32>, vector<16xi32>], vector<16xf32>,
          %add3A_401 = arith.constant 0 : i32
          %add3A_402 = vector.broadcast %add3A_401 : i32 to vector<16xi32>
          %add3A_403 = arith.addi %add3A_402, %and3A_86 : vector<16xi32>
          tpu.vector_store_idx %arg10[%broadcast_in_dim3A_292, %add3A_403, %add3A_276], %gather3A_400 : memref<2x32x128xf32, #tpu.memory_space<vmem>>[vector<16xi32>, vector<16xi32>, vector<16xi32>], vector<16xf32>,
          %add3A_404 = arith.constant 0 : i32
          %add3A_405 = vector.broadcast %add3A_404 : i32 to vector<16xi32>
          %add3A_406 = arith.addi %mul3A_290, %add3A_405 : vector<16xi32>
          %add3A_407 = arith.addi %add3A_406, %and3A_92 : vector<16xi32>
          %gather3A_408 = tpu.vector_load_idx %arg8[%add3A_272, %add3A_407] : memref<256x128xf32, #tpu.memory_space<vmem>>[vector<16xi32>, vector<16xi32>], vector<16xf32>,
          %add3A_409 = arith.constant 0 : i32
          %add3A_410 = vector.broadcast %add3A_409 : i32 to vector<16xi32>
          %add3A_411 = arith.addi %add3A_410, %and3A_92 : vector<16xi32>
          tpu.vector_store_idx %arg10[%broadcast_in_dim3A_292, %add3A_411, %add3A_276], %gather3A_408 : memref<2x32x128xf32, #tpu.memory_space<vmem>>[vector<16xi32>, vector<16xi32>, vector<16xi32>], vector<16xf32>,
          %add3A_412 = arith.constant 0 : i32
          %add3A_413 = vector.broadcast %add3A_412 : i32 to vector<16xi32>
          %add3A_414 = arith.addi %mul3A_290, %add3A_413 : vector<16xi32>
          %add3A_415 = arith.addi %add3A_414, %and3A_98 : vector<16xi32>
          %gather3A_416 = tpu.vector_load_idx %arg8[%add3A_272, %add3A_415] : memref<256x128xf32, #tpu.memory_space<vmem>>[vector<16xi32>, vector<16xi32>], vector<16xf32>,
          %add3A_417 = arith.constant 0 : i32
          %add3A_418 = vector.broadcast %add3A_417 : i32 to vector<16xi32>
          %add3A_419 = arith.addi %add3A_418, %and3A_98 : vector<16xi32>
          tpu.vector_store_idx %arg10[%broadcast_in_dim3A_292, %add3A_419, %add3A_276], %gather3A_416 : memref<2x32x128xf32, #tpu.memory_space<vmem>>[vector<16xi32>, vector<16xi32>, vector<16xi32>], vector<16xf32>,
          %add3A_420 = arith.constant 16 : i32
          %add3A_421 = vector.broadcast %add3A_420 : i32 to vector<16xi32>
          %add3A_422 = arith.addi %mul3A_290, %add3A_421 : vector<16xi32>
          %add3A_423 = arith.addi %add3A_422, %and3A_8 : vector<16xi32>
          %gather3A_424 = tpu.vector_load_idx %arg8[%add3A_272, %add3A_423] : memref<256x128xf32, #tpu.memory_space<vmem>>[vector<16xi32>, vector<16xi32>], vector<16xf32>,
          %add3A_425 = arith.constant 16 : i32
          %add3A_426 = vector.broadcast %add3A_425 : i32 to vector<16xi32>
          %add3A_427 = arith.addi %add3A_426, %and3A_8 : vector<16xi32>
          tpu.vector_store_idx %arg10[%broadcast_in_dim3A_292, %add3A_427, %add3A_276], %gather3A_424 : memref<2x32x128xf32, #tpu.memory_space<vmem>>[vector<16xi32>, vector<16xi32>, vector<16xi32>], vector<16xf32>,
          %add3A_428 = arith.constant 16 : i32
          %add3A_429 = vector.broadcast %add3A_428 : i32 to vector<16xi32>
          %add3A_430 = arith.addi %mul3A_290, %add3A_429 : vector<16xi32>
          %add3A_431 = arith.addi %add3A_430, %and3A_14 : vector<16xi32>
          %gather3A_432 = tpu.vector_load_idx %arg8[%add3A_272, %add3A_431] : memref<256x128xf32, #tpu.memory_space<vmem>>[vector<16xi32>, vector<16xi32>], vector<16xf32>,
          %add3A_433 = arith.constant 16 : i32
          %add3A_434 = vector.broadcast %add3A_433 : i32 to vector<16xi32>
          %add3A_435 = arith.addi %add3A_434, %and3A_14 : vector<16xi32>
          tpu.vector_store_idx %arg10[%broadcast_in_dim3A_292, %add3A_435, %add3A_276], %gather3A_432 : memref<2x32x128xf32, #tpu.memory_space<vmem>>[vector<16xi32>, vector<16xi32>, vector<16xi32>], vector<16xf32>,
          %add3A_436 = arith.constant 16 : i32
          %add3A_437 = vector.broadcast %add3A_436 : i32 to vector<16xi32>
          %add3A_438 = arith.addi %mul3A_290, %add3A_437 : vector<16xi32>
          %add3A_439 = arith.addi %add3A_438, %and3A_20 : vector<16xi32>
          %gather3A_440 = tpu.vector_load_idx %arg8[%add3A_272, %add3A_439] : memref<256x128xf32, #tpu.memory_space<vmem>>[vector<16xi32>, vector<16xi32>], vector<16xf32>,
          %add3A_441 = arith.constant 16 : i32
          %add3A_442 = vector.broadcast %add3A_441 : i32 to vector<16xi32>
          %add3A_443 = arith.addi %add3A_442, %and3A_20 : vector<16xi32>
          tpu.vector_store_idx %arg10[%broadcast_in_dim3A_292, %add3A_443, %add3A_276], %gather3A_440 : memref<2x32x128xf32, #tpu.memory_space<vmem>>[vector<16xi32>, vector<16xi32>, vector<16xi32>], vector<16xf32>,
          %add3A_444 = arith.constant 16 : i32
          %add3A_445 = vector.broadcast %add3A_444 : i32 to vector<16xi32>
          %add3A_446 = arith.addi %mul3A_290, %add3A_445 : vector<16xi32>
          %add3A_447 = arith.addi %add3A_446, %and3A_26 : vector<16xi32>
          %gather3A_448 = tpu.vector_load_idx %arg8[%add3A_272, %add3A_447] : memref<256x128xf32, #tpu.memory_space<vmem>>[vector<16xi32>, vector<16xi32>], vector<16xf32>,
          %add3A_449 = arith.constant 16 : i32
          %add3A_450 = vector.broadcast %add3A_449 : i32 to vector<16xi32>
          %add3A_451 = arith.addi %add3A_450, %and3A_26 : vector<16xi32>
          tpu.vector_store_idx %arg10[%broadcast_in_dim3A_292, %add3A_451, %add3A_276], %gather3A_448 : memref<2x32x128xf32, #tpu.memory_space<vmem>>[vector<16xi32>, vector<16xi32>, vector<16xi32>], vector<16xf32>,
          %add3A_452 = arith.constant 16 : i32
          %add3A_453 = vector.broadcast %add3A_452 : i32 to vector<16xi32>
          %add3A_454 = arith.addi %mul3A_290, %add3A_453 : vector<16xi32>
          %add3A_455 = arith.addi %add3A_454, %and3A_32 : vector<16xi32>
          %gather3A_456 = tpu.vector_load_idx %arg8[%add3A_272, %add3A_455] : memref<256x128xf32, #tpu.memory_space<vmem>>[vector<16xi32>, vector<16xi32>], vector<16xf32>,
          %add3A_457 = arith.constant 16 : i32
          %add3A_458 = vector.broadcast %add3A_457 : i32 to vector<16xi32>
          %add3A_459 = arith.addi %add3A_458, %and3A_32 : vector<16xi32>
          tpu.vector_store_idx %arg10[%broadcast_in_dim3A_292, %add3A_459, %add3A_276], %gather3A_456 : memref<2x32x128xf32, #tpu.memory_space<vmem>>[vector<16xi32>, vector<16xi32>, vector<16xi32>], vector<16xf32>,
          %add3A_460 = arith.constant 16 : i32
          %add3A_461 = vector.broadcast %add3A_460 : i32 to vector<16xi32>
          %add3A_462 = arith.addi %mul3A_290, %add3A_461 : vector<16xi32>
          %add3A_463 = arith.addi %add3A_462, %and3A_38 : vector<16xi32>
          %gather3A_464 = tpu.vector_load_idx %arg8[%add3A_272, %add3A_463] : memref<256x128xf32, #tpu.memory_space<vmem>>[vector<16xi32>, vector<16xi32>], vector<16xf32>,
          %add3A_465 = arith.constant 16 : i32
          %add3A_466 = vector.broadcast %add3A_465 : i32 to vector<16xi32>
          %add3A_467 = arith.addi %add3A_466, %and3A_38 : vector<16xi32>
          tpu.vector_store_idx %arg10[%broadcast_in_dim3A_292, %add3A_467, %add3A_276], %gather3A_464 : memref<2x32x128xf32, #tpu.memory_space<vmem>>[vector<16xi32>, vector<16xi32>, vector<16xi32>], vector<16xf32>,
          %add3A_468 = arith.constant 16 : i32
          %add3A_469 = vector.broadcast %add3A_468 : i32 to vector<16xi32>
          %add3A_470 = arith.addi %mul3A_290, %add3A_469 : vector<16xi32>
          %add3A_471 = arith.addi %add3A_470, %and3A_44 : vector<16xi32>
          %gather3A_472 = tpu.vector_load_idx %arg8[%add3A_272, %add3A_471] : memref<256x128xf32, #tpu.memory_space<vmem>>[vector<16xi32>, vector<16xi32>], vector<16xf32>,
          %add3A_473 = arith.constant 16 : i32
          %add3A_474 = vector.broadcast %add3A_473 : i32 to vector<16xi32>
          %add3A_475 = arith.addi %add3A_474, %and3A_44 : vector<16xi32>
          tpu.vector_store_idx %arg10[%broadcast_in_dim3A_292, %add3A_475, %add3A_276], %gather3A_472 : memref<2x32x128xf32, #tpu.memory_space<vmem>>[vector<16xi32>, vector<16xi32>, vector<16xi32>], vector<16xf32>,
          %add3A_476 = arith.constant 16 : i32
          %add3A_477 = vector.broadcast %add3A_476 : i32 to vector<16xi32>
          %add3A_478 = arith.addi %mul3A_290, %add3A_477 : vector<16xi32>
          %add3A_479 = arith.addi %add3A_478, %and3A_50 : vector<16xi32>
          %gather3A_480 = tpu.vector_load_idx %arg8[%add3A_272, %add3A_479] : memref<256x128xf32, #tpu.memory_space<vmem>>[vector<16xi32>, vector<16xi32>], vector<16xf32>,
          %add3A_481 = arith.constant 16 : i32
          %add3A_482 = vector.broadcast %add3A_481 : i32 to vector<16xi32>
          %add3A_483 = arith.addi %add3A_482, %and3A_50 : vector<16xi32>
          tpu.vector_store_idx %arg10[%broadcast_in_dim3A_292, %add3A_483, %add3A_276], %gather3A_480 : memref<2x32x128xf32, #tpu.memory_space<vmem>>[vector<16xi32>, vector<16xi32>, vector<16xi32>], vector<16xf32>,
          %add3A_484 = arith.constant 16 : i32
          %add3A_485 = vector.broadcast %add3A_484 : i32 to vector<16xi32>
          %add3A_486 = arith.addi %mul3A_290, %add3A_485 : vector<16xi32>
          %add3A_487 = arith.addi %add3A_486, %and3A_56 : vector<16xi32>
          %gather3A_488 = tpu.vector_load_idx %arg8[%add3A_272, %add3A_487] : memref<256x128xf32, #tpu.memory_space<vmem>>[vector<16xi32>, vector<16xi32>], vector<16xf32>,
          %add3A_489 = arith.constant 16 : i32
          %add3A_490 = vector.broadcast %add3A_489 : i32 to vector<16xi32>
          %add3A_491 = arith.addi %add3A_490, %and3A_56 : vector<16xi32>
          tpu.vector_store_idx %arg10[%broadcast_in_dim3A_292, %add3A_491, %add3A_276], %gather3A_488 : memref<2x32x128xf32, #tpu.memory_space<vmem>>[vector<16xi32>, vector<16xi32>, vector<16xi32>], vector<16xf32>,
          %add3A_492 = arith.constant 16 : i32
          %add3A_493 = vector.broadcast %add3A_492 : i32 to vector<16xi32>
          %add3A_494 = arith.addi %mul3A_290, %add3A_493 : vector<16xi32>
          %add3A_495 = arith.addi %add3A_494, %and3A_62 : vector<16xi32>
          %gather3A_496 = tpu.vector_load_idx %arg8[%add3A_272, %add3A_495] : memref<256x128xf32, #tpu.memory_space<vmem>>[vector<16xi32>, vector<16xi32>], vector<16xf32>,
          %add3A_497 = arith.constant 16 : i32
          %add3A_498 = vector.broadcast %add3A_497 : i32 to vector<16xi32>
          %add3A_499 = arith.addi %add3A_498, %and3A_62 : vector<16xi32>
          tpu.vector_store_idx %arg10[%broadcast_in_dim3A_292, %add3A_499, %add3A_276], %gather3A_496 : memref<2x32x128xf32, #tpu.memory_space<vmem>>[vector<16xi32>, vector<16xi32>, vector<16xi32>], vector<16xf32>,
          %add3A_500 = arith.constant 16 : i32
          %add3A_501 = vector.broadcast %add3A_500 : i32 to vector<16xi32>
          %add3A_502 = arith.addi %mul3A_290, %add3A_501 : vector<16xi32>
          %add3A_503 = arith.addi %add3A_502, %and3A_68 : vector<16xi32>
          %gather3A_504 = tpu.vector_load_idx %arg8[%add3A_272, %add3A_503] : memref<256x128xf32, #tpu.memory_space<vmem>>[vector<16xi32>, vector<16xi32>], vector<16xf32>,
          %add3A_505 = arith.constant 16 : i32
          %add3A_506 = vector.broadcast %add3A_505 : i32 to vector<16xi32>
          %add3A_507 = arith.addi %add3A_506, %and3A_68 : vector<16xi32>
          tpu.vector_store_idx %arg10[%broadcast_in_dim3A_292, %add3A_507, %add3A_276], %gather3A_504 : memref<2x32x128xf32, #tpu.memory_space<vmem>>[vector<16xi32>, vector<16xi32>, vector<16xi32>], vector<16xf32>,
          %add3A_508 = arith.constant 16 : i32
          %add3A_509 = vector.broadcast %add3A_508 : i32 to vector<16xi32>
          %add3A_510 = arith.addi %mul3A_290, %add3A_509 : vector<16xi32>
          %add3A_511 = arith.addi %add3A_510, %and3A_74 : vector<16xi32>
          %gather3A_512 = tpu.vector_load_idx %arg8[%add3A_272, %add3A_511] : memref<256x128xf32, #tpu.memory_space<vmem>>[vector<16xi32>, vector<16xi32>], vector<16xf32>,
          %add3A_513 = arith.constant 16 : i32
          %add3A_514 = vector.broadcast %add3A_513 : i32 to vector<16xi32>
          %add3A_515 = arith.addi %add3A_514, %and3A_74 : vector<16xi32>
          tpu.vector_store_idx %arg10[%broadcast_in_dim3A_292, %add3A_515, %add3A_276], %gather3A_512 : memref<2x32x128xf32, #tpu.memory_space<vmem>>[vector<16xi32>, vector<16xi32>, vector<16xi32>], vector<16xf32>,
          %add3A_516 = arith.constant 16 : i32
          %add3A_517 = vector.broadcast %add3A_516 : i32 to vector<16xi32>
          %add3A_518 = arith.addi %mul3A_290, %add3A_517 : vector<16xi32>
          %add3A_519 = arith.addi %add3A_518, %and3A_80 : vector<16xi32>
          %gather3A_520 = tpu.vector_load_idx %arg8[%add3A_272, %add3A_519] : memref<256x128xf32, #tpu.memory_space<vmem>>[vector<16xi32>, vector<16xi32>], vector<16xf32>,
          %add3A_521 = arith.constant 16 : i32
          %add3A_522 = vector.broadcast %add3A_521 : i32 to vector<16xi32>
          %add3A_523 = arith.addi %add3A_522, %and3A_80 : vector<16xi32>
          tpu.vector_store_idx %arg10[%broadcast_in_dim3A_292, %add3A_523, %add3A_276], %gather3A_520 : memref<2x32x128xf32, #tpu.memory_space<vmem>>[vector<16xi32>, vector<16xi32>, vector<16xi32>], vector<16xf32>,
          %add3A_524 = arith.constant 16 : i32
          %add3A_525 = vector.broadcast %add3A_524 : i32 to vector<16xi32>
          %add3A_526 = arith.addi %mul3A_290, %add3A_525 : vector<16xi32>
          %add3A_527 = arith.addi %add3A_526, %and3A_86 : vector<16xi32>
          %gather3A_528 = tpu.vector_load_idx %arg8[%add3A_272, %add3A_527] : memref<256x128xf32, #tpu.memory_space<vmem>>[vector<16xi32>, vector<16xi32>], vector<16xf32>,
          %add3A_529 = arith.constant 16 : i32
          %add3A_530 = vector.broadcast %add3A_529 : i32 to vector<16xi32>
          %add3A_531 = arith.addi %add3A_530, %and3A_86 : vector<16xi32>
          tpu.vector_store_idx %arg10[%broadcast_in_dim3A_292, %add3A_531, %add3A_276], %gather3A_528 : memref<2x32x128xf32, #tpu.memory_space<vmem>>[vector<16xi32>, vector<16xi32>, vector<16xi32>], vector<16xf32>,
          %add3A_532 = arith.constant 16 : i32
          %add3A_533 = vector.broadcast %add3A_532 : i32 to vector<16xi32>
          %add3A_534 = arith.addi %mul3A_290, %add3A_533 : vector<16xi32>
          %add3A_535 = arith.addi %add3A_534, %and3A_92 : vector<16xi32>
          %gather3A_536 = tpu.vector_load_idx %arg8[%add3A_272, %add3A_535] : memref<256x128xf32, #tpu.memory_space<vmem>>[vector<16xi32>, vector<16xi32>], vector<16xf32>,
          %add3A_537 = arith.constant 16 : i32
          %add3A_538 = vector.broadcast %add3A_537 : i32 to vector<16xi32>
          %add3A_539 = arith.addi %add3A_538, %and3A_92 : vector<16xi32>
          tpu.vector_store_idx %arg10[%broadcast_in_dim3A_292, %add3A_539, %add3A_276], %gather3A_536 : memref<2x32x128xf32, #tpu.memory_space<vmem>>[vector<16xi32>, vector<16xi32>, vector<16xi32>], vector<16xf32>,
          %add3A_540 = arith.constant 16 : i32
          %add3A_541 = vector.broadcast %add3A_540 : i32 to vector<16xi32>
          %add3A_542 = arith.addi %mul3A_290, %add3A_541 : vector<16xi32>
          %add3A_543 = arith.addi %add3A_542, %and3A_98 : vector<16xi32>
          %gather3A_544 = tpu.vector_load_idx %arg8[%add3A_272, %add3A_543] : memref<256x128xf32, #tpu.memory_space<vmem>>[vector<16xi32>, vector<16xi32>], vector<16xf32>,
          %add3A_545 = arith.constant 16 : i32
          %add3A_546 = vector.broadcast %add3A_545 : i32 to vector<16xi32>
          %add3A_547 = arith.addi %add3A_546, %and3A_98 : vector<16xi32>
          tpu.vector_store_idx %arg10[%broadcast_in_dim3A_292, %add3A_547, %add3A_276], %gather3A_544 : memref<2x32x128xf32, #tpu.memory_space<vmem>>[vector<16xi32>, vector<16xi32>, vector<16xi32>], vector<16xf32>,
          %mul3A_548 = arith.constant 16 : i32
          %mul3A_549 = arith.muli %mul3A_548, %add3A_266 : i32
          %add3A_550 = arith.constant 128 : i32
          %add3A_551 = arith.addi %add3A_550, %mul3A_549 : i32
          %add3A_552 = vector.broadcast %add3A_551 : i32 to vector<16xi32>
          %add3A_553 = arith.addi %add3A_552, %iota3A : vector<16xi32>
          %mul3A_554 = arith.constant 16 : i32
          %mul3A_555 = arith.muli %mul3A_554, %add3A_266 : i32
          %add3A_556 = vector.broadcast %mul3A_555 : i32 to vector<16xi32>
          %add3A_557 = arith.addi %add3A_556, %iota3A : vector<16xi32>
          %mul3A_558 = arith.constant 2 : i32
          %mul3A_559 = arith.muli %mul3A_558, %add3A_166 : i32
          %add3A_560 = arith.constant 1 : i32
          %add3A_561 = arith.addi %mul3A_559, %add3A_560 : i32
          %mul3A_562 = arith.constant 16 : i32
          %mul3A_563 = arith.muli %mul3A_562, %add3A_266 : i32
          %get3A_564 = arith.index_cast %add3A_561 : i32 to index
          %get3A_565 = arith.index_cast %mul3A_563 : i32 to index
          %get3A_566 = tpu.vector_load %arg5[%get3A_564, %get3A_565] {strides = array<i32>} : memref<50x128xi32, #tpu.memory_space<vmem>>, vector<16xi32>,
          %and3A_567 = arith.constant 3 : i32
          %and3A_568 = vector.broadcast %and3A_567 : i32 to vector<16xi32>
          %and3A_569 = arith.andi %get3A_566, %and3A_568 : vector<16xi32>
          %mul3A_570 = arith.constant 32 : i32
          %mul3A_571 = vector.broadcast %mul3A_570 : i32 to vector<16xi32>
          %mul3A_572 = arith.muli %and3A_569, %mul3A_571 : vector<16xi32>
          %broadcast_in_dim3A_573 = arith.constant 1 : i32
          %broadcast_in_dim3A_574 = vector.broadcast %broadcast_in_dim3A_573 : i32 to vector<16xi32>
          %add3A_575 = arith.constant 0 : i32
          %add3A_576 = vector.broadcast %add3A_575 : i32 to vector<16xi32>
          %add3A_577 = arith.addi %mul3A_572, %add3A_576 : vector<16xi32>
          %add3A_578 = arith.addi %add3A_577, %and3A_8 : vector<16xi32>
          %gather3A_579 = tpu.vector_load_idx %arg8[%add3A_553, %add3A_578] : memref<256x128xf32, #tpu.memory_space<vmem>>[vector<16xi32>, vector<16xi32>], vector<16xf32>,
          %add3A_580 = arith.constant 0 : i32
          %add3A_581 = vector.broadcast %add3A_580 : i32 to vector<16xi32>
          %add3A_582 = arith.addi %add3A_581, %and3A_8 : vector<16xi32>
          tpu.vector_store_idx %arg10[%broadcast_in_dim3A_574, %add3A_582, %add3A_557], %gather3A_579 : memref<2x32x128xf32, #tpu.memory_space<vmem>>[vector<16xi32>, vector<16xi32>, vector<16xi32>], vector<16xf32>,
          %add3A_583 = arith.constant 0 : i32
          %add3A_584 = vector.broadcast %add3A_583 : i32 to vector<16xi32>
          %add3A_585 = arith.addi %mul3A_572, %add3A_584 : vector<16xi32>
          %add3A_586 = arith.addi %add3A_585, %and3A_14 : vector<16xi32>
          %gather3A_587 = tpu.vector_load_idx %arg8[%add3A_553, %add3A_586] : memref<256x128xf32, #tpu.memory_space<vmem>>[vector<16xi32>, vector<16xi32>], vector<16xf32>,
          %add3A_588 = arith.constant 0 : i32
          %add3A_589 = vector.broadcast %add3A_588 : i32 to vector<16xi32>
          %add3A_590 = arith.addi %add3A_589, %and3A_14 : vector<16xi32>
          tpu.vector_store_idx %arg10[%broadcast_in_dim3A_574, %add3A_590, %add3A_557], %gather3A_587 : memref<2x32x128xf32, #tpu.memory_space<vmem>>[vector<16xi32>, vector<16xi32>, vector<16xi32>], vector<16xf32>,
          %add3A_591 = arith.constant 0 : i32
          %add3A_592 = vector.broadcast %add3A_591 : i32 to vector<16xi32>
          %add3A_593 = arith.addi %mul3A_572, %add3A_592 : vector<16xi32>
          %add3A_594 = arith.addi %add3A_593, %and3A_20 : vector<16xi32>
          %gather3A_595 = tpu.vector_load_idx %arg8[%add3A_553, %add3A_594] : memref<256x128xf32, #tpu.memory_space<vmem>>[vector<16xi32>, vector<16xi32>], vector<16xf32>,
          %add3A_596 = arith.constant 0 : i32
          %add3A_597 = vector.broadcast %add3A_596 : i32 to vector<16xi32>
          %add3A_598 = arith.addi %add3A_597, %and3A_20 : vector<16xi32>
          tpu.vector_store_idx %arg10[%broadcast_in_dim3A_574, %add3A_598, %add3A_557], %gather3A_595 : memref<2x32x128xf32, #tpu.memory_space<vmem>>[vector<16xi32>, vector<16xi32>, vector<16xi32>], vector<16xf32>,
          %add3A_599 = arith.constant 0 : i32
          %add3A_600 = vector.broadcast %add3A_599 : i32 to vector<16xi32>
          %add3A_601 = arith.addi %mul3A_572, %add3A_600 : vector<16xi32>
          %add3A_602 = arith.addi %add3A_601, %and3A_26 : vector<16xi32>
          %gather3A_603 = tpu.vector_load_idx %arg8[%add3A_553, %add3A_602] : memref<256x128xf32, #tpu.memory_space<vmem>>[vector<16xi32>, vector<16xi32>], vector<16xf32>,
          %add3A_604 = arith.constant 0 : i32
          %add3A_605 = vector.broadcast %add3A_604 : i32 to vector<16xi32>
          %add3A_606 = arith.addi %add3A_605, %and3A_26 : vector<16xi32>
          tpu.vector_store_idx %arg10[%broadcast_in_dim3A_574, %add3A_606, %add3A_557], %gather3A_603 : memref<2x32x128xf32, #tpu.memory_space<vmem>>[vector<16xi32>, vector<16xi32>, vector<16xi32>], vector<16xf32>,
          %add3A_607 = arith.constant 0 : i32
          %add3A_608 = vector.broadcast %add3A_607 : i32 to vector<16xi32>
          %add3A_609 = arith.addi %mul3A_572, %add3A_608 : vector<16xi32>
          %add3A_610 = arith.addi %add3A_609, %and3A_32 : vector<16xi32>
          %gather3A_611 = tpu.vector_load_idx %arg8[%add3A_553, %add3A_610] : memref<256x128xf32, #tpu.memory_space<vmem>>[vector<16xi32>, vector<16xi32>], vector<16xf32>,
          %add3A_612 = arith.constant 0 : i32
          %add3A_613 = vector.broadcast %add3A_612 : i32 to vector<16xi32>
          %add3A_614 = arith.addi %add3A_613, %and3A_32 : vector<16xi32>
          tpu.vector_store_idx %arg10[%broadcast_in_dim3A_574, %add3A_614, %add3A_557], %gather3A_611 : memref<2x32x128xf32, #tpu.memory_space<vmem>>[vector<16xi32>, vector<16xi32>, vector<16xi32>], vector<16xf32>,
          %add3A_615 = arith.constant 0 : i32
          %add3A_616 = vector.broadcast %add3A_615 : i32 to vector<16xi32>
          %add3A_617 = arith.addi %mul3A_572, %add3A_616 : vector<16xi32>
          %add3A_618 = arith.addi %add3A_617, %and3A_38 : vector<16xi32>
          %gather3A_619 = tpu.vector_load_idx %arg8[%add3A_553, %add3A_618] : memref<256x128xf32, #tpu.memory_space<vmem>>[vector<16xi32>, vector<16xi32>], vector<16xf32>,
          %add3A_620 = arith.constant 0 : i32
          %add3A_621 = vector.broadcast %add3A_620 : i32 to vector<16xi32>
          %add3A_622 = arith.addi %add3A_621, %and3A_38 : vector<16xi32>
          tpu.vector_store_idx %arg10[%broadcast_in_dim3A_574, %add3A_622, %add3A_557], %gather3A_619 : memref<2x32x128xf32, #tpu.memory_space<vmem>>[vector<16xi32>, vector<16xi32>, vector<16xi32>], vector<16xf32>,
          %add3A_623 = arith.constant 0 : i32
          %add3A_624 = vector.broadcast %add3A_623 : i32 to vector<16xi32>
          %add3A_625 = arith.addi %mul3A_572, %add3A_624 : vector<16xi32>
          %add3A_626 = arith.addi %add3A_625, %and3A_44 : vector<16xi32>
          %gather3A_627 = tpu.vector_load_idx %arg8[%add3A_553, %add3A_626] : memref<256x128xf32, #tpu.memory_space<vmem>>[vector<16xi32>, vector<16xi32>], vector<16xf32>,
          %add3A_628 = arith.constant 0 : i32
          %add3A_629 = vector.broadcast %add3A_628 : i32 to vector<16xi32>
          %add3A_630 = arith.addi %add3A_629, %and3A_44 : vector<16xi32>
          tpu.vector_store_idx %arg10[%broadcast_in_dim3A_574, %add3A_630, %add3A_557], %gather3A_627 : memref<2x32x128xf32, #tpu.memory_space<vmem>>[vector<16xi32>, vector<16xi32>, vector<16xi32>], vector<16xf32>,
          %add3A_631 = arith.constant 0 : i32
          %add3A_632 = vector.broadcast %add3A_631 : i32 to vector<16xi32>
          %add3A_633 = arith.addi %mul3A_572, %add3A_632 : vector<16xi32>
          %add3A_634 = arith.addi %add3A_633, %and3A_50 : vector<16xi32>
          %gather3A_635 = tpu.vector_load_idx %arg8[%add3A_553, %add3A_634] : memref<256x128xf32, #tpu.memory_space<vmem>>[vector<16xi32>, vector<16xi32>], vector<16xf32>,
          %add3A_636 = arith.constant 0 : i32
          %add3A_637 = vector.broadcast %add3A_636 : i32 to vector<16xi32>
          %add3A_638 = arith.addi %add3A_637, %and3A_50 : vector<16xi32>
          tpu.vector_store_idx %arg10[%broadcast_in_dim3A_574, %add3A_638, %add3A_557], %gather3A_635 : memref<2x32x128xf32, #tpu.memory_space<vmem>>[vector<16xi32>, vector<16xi32>, vector<16xi32>], vector<16xf32>,
          %add3A_639 = arith.constant 0 : i32
          %add3A_640 = vector.broadcast %add3A_639 : i32 to vector<16xi32>
          %add3A_641 = arith.addi %mul3A_572, %add3A_640 : vector<16xi32>
          %add3A_642 = arith.addi %add3A_641, %and3A_56 : vector<16xi32>
          %gather3A_643 = tpu.vector_load_idx %arg8[%add3A_553, %add3A_642] : memref<256x128xf32, #tpu.memory_space<vmem>>[vector<16xi32>, vector<16xi32>], vector<16xf32>,
          %add3A_644 = arith.constant 0 : i32
          %add3A_645 = vector.broadcast %add3A_644 : i32 to vector<16xi32>
          %add3A_646 = arith.addi %add3A_645, %and3A_56 : vector<16xi32>
          tpu.vector_store_idx %arg10[%broadcast_in_dim3A_574, %add3A_646, %add3A_557], %gather3A_643 : memref<2x32x128xf32, #tpu.memory_space<vmem>>[vector<16xi32>, vector<16xi32>, vector<16xi32>], vector<16xf32>,
          %add3A_647 = arith.constant 0 : i32
          %add3A_648 = vector.broadcast %add3A_647 : i32 to vector<16xi32>
          %add3A_649 = arith.addi %mul3A_572, %add3A_648 : vector<16xi32>
          %add3A_650 = arith.addi %add3A_649, %and3A_62 : vector<16xi32>
          %gather3A_651 = tpu.vector_load_idx %arg8[%add3A_553, %add3A_650] : memref<256x128xf32, #tpu.memory_space<vmem>>[vector<16xi32>, vector<16xi32>], vector<16xf32>,
          %add3A_652 = arith.constant 0 : i32
          %add3A_653 = vector.broadcast %add3A_652 : i32 to vector<16xi32>
          %add3A_654 = arith.addi %add3A_653, %and3A_62 : vector<16xi32>
          tpu.vector_store_idx %arg10[%broadcast_in_dim3A_574, %add3A_654, %add3A_557], %gather3A_651 : memref<2x32x128xf32, #tpu.memory_space<vmem>>[vector<16xi32>, vector<16xi32>, vector<16xi32>], vector<16xf32>,
          %add3A_655 = arith.constant 0 : i32
          %add3A_656 = vector.broadcast %add3A_655 : i32 to vector<16xi32>
          %add3A_657 = arith.addi %mul3A_572, %add3A_656 : vector<16xi32>
          %add3A_658 = arith.addi %add3A_657, %and3A_68 : vector<16xi32>
          %gather3A_659 = tpu.vector_load_idx %arg8[%add3A_553, %add3A_658] : memref<256x128xf32, #tpu.memory_space<vmem>>[vector<16xi32>, vector<16xi32>], vector<16xf32>,
          %add3A_660 = arith.constant 0 : i32
          %add3A_661 = vector.broadcast %add3A_660 : i32 to vector<16xi32>
          %add3A_662 = arith.addi %add3A_661, %and3A_68 : vector<16xi32>
          tpu.vector_store_idx %arg10[%broadcast_in_dim3A_574, %add3A_662, %add3A_557], %gather3A_659 : memref<2x32x128xf32, #tpu.memory_space<vmem>>[vector<16xi32>, vector<16xi32>, vector<16xi32>], vector<16xf32>,
          %add3A_663 = arith.constant 0 : i32
          %add3A_664 = vector.broadcast %add3A_663 : i32 to vector<16xi32>
          %add3A_665 = arith.addi %mul3A_572, %add3A_664 : vector<16xi32>
          %add3A_666 = arith.addi %add3A_665, %and3A_74 : vector<16xi32>
          %gather3A_667 = tpu.vector_load_idx %arg8[%add3A_553, %add3A_666] : memref<256x128xf32, #tpu.memory_space<vmem>>[vector<16xi32>, vector<16xi32>], vector<16xf32>,
          %add3A_668 = arith.constant 0 : i32
          %add3A_669 = vector.broadcast %add3A_668 : i32 to vector<16xi32>
          %add3A_670 = arith.addi %add3A_669, %and3A_74 : vector<16xi32>
          tpu.vector_store_idx %arg10[%broadcast_in_dim3A_574, %add3A_670, %add3A_557], %gather3A_667 : memref<2x32x128xf32, #tpu.memory_space<vmem>>[vector<16xi32>, vector<16xi32>, vector<16xi32>], vector<16xf32>,
          %add3A_671 = arith.constant 0 : i32
          %add3A_672 = vector.broadcast %add3A_671 : i32 to vector<16xi32>
          %add3A_673 = arith.addi %mul3A_572, %add3A_672 : vector<16xi32>
          %add3A_674 = arith.addi %add3A_673, %and3A_80 : vector<16xi32>
          %gather3A_675 = tpu.vector_load_idx %arg8[%add3A_553, %add3A_674] : memref<256x128xf32, #tpu.memory_space<vmem>>[vector<16xi32>, vector<16xi32>], vector<16xf32>,
          %add3A_676 = arith.constant 0 : i32
          %add3A_677 = vector.broadcast %add3A_676 : i32 to vector<16xi32>
          %add3A_678 = arith.addi %add3A_677, %and3A_80 : vector<16xi32>
          tpu.vector_store_idx %arg10[%broadcast_in_dim3A_574, %add3A_678, %add3A_557], %gather3A_675 : memref<2x32x128xf32, #tpu.memory_space<vmem>>[vector<16xi32>, vector<16xi32>, vector<16xi32>], vector<16xf32>,
          %add3A_679 = arith.constant 0 : i32
          %add3A_680 = vector.broadcast %add3A_679 : i32 to vector<16xi32>
          %add3A_681 = arith.addi %mul3A_572, %add3A_680 : vector<16xi32>
          %add3A_682 = arith.addi %add3A_681, %and3A_86 : vector<16xi32>
          %gather3A_683 = tpu.vector_load_idx %arg8[%add3A_553, %add3A_682] : memref<256x128xf32, #tpu.memory_space<vmem>>[vector<16xi32>, vector<16xi32>], vector<16xf32>,
          %add3A_684 = arith.constant 0 : i32
          %add3A_685 = vector.broadcast %add3A_684 : i32 to vector<16xi32>
          %add3A_686 = arith.addi %add3A_685, %and3A_86 : vector<16xi32>
          tpu.vector_store_idx %arg10[%broadcast_in_dim3A_574, %add3A_686, %add3A_557], %gather3A_683 : memref<2x32x128xf32, #tpu.memory_space<vmem>>[vector<16xi32>, vector<16xi32>, vector<16xi32>], vector<16xf32>,
          %add3A_687 = arith.constant 0 : i32
          %add3A_688 = vector.broadcast %add3A_687 : i32 to vector<16xi32>
          %add3A_689 = arith.addi %mul3A_572, %add3A_688 : vector<16xi32>
          %add3A_690 = arith.addi %add3A_689, %and3A_92 : vector<16xi32>
          %gather3A_691 = tpu.vector_load_idx %arg8[%add3A_553, %add3A_690] : memref<256x128xf32, #tpu.memory_space<vmem>>[vector<16xi32>, vector<16xi32>], vector<16xf32>,
          %add3A_692 = arith.constant 0 : i32
          %add3A_693 = vector.broadcast %add3A_692 : i32 to vector<16xi32>
          %add3A_694 = arith.addi %add3A_693, %and3A_92 : vector<16xi32>
          tpu.vector_store_idx %arg10[%broadcast_in_dim3A_574, %add3A_694, %add3A_557], %gather3A_691 : memref<2x32x128xf32, #tpu.memory_space<vmem>>[vector<16xi32>, vector<16xi32>, vector<16xi32>], vector<16xf32>,
          %add3A_695 = arith.constant 0 : i32
          %add3A_696 = vector.broadcast %add3A_695 : i32 to vector<16xi32>
          %add3A_697 = arith.addi %mul3A_572, %add3A_696 : vector<16xi32>
          %add3A_698 = arith.addi %add3A_697, %and3A_98 : vector<16xi32>
          %gather3A_699 = tpu.vector_load_idx %arg8[%add3A_553, %add3A_698] : memref<256x128xf32, #tpu.memory_space<vmem>>[vector<16xi32>, vector<16xi32>], vector<16xf32>,
          %add3A_700 = arith.constant 0 : i32
          %add3A_701 = vector.broadcast %add3A_700 : i32 to vector<16xi32>
          %add3A_702 = arith.addi %add3A_701, %and3A_98 : vector<16xi32>
          tpu.vector_store_idx %arg10[%broadcast_in_dim3A_574, %add3A_702, %add3A_557], %gather3A_699 : memref<2x32x128xf32, #tpu.memory_space<vmem>>[vector<16xi32>, vector<16xi32>, vector<16xi32>], vector<16xf32>,
          %add3A_703 = arith.constant 16 : i32
          %add3A_704 = vector.broadcast %add3A_703 : i32 to vector<16xi32>
          %add3A_705 = arith.addi %mul3A_572, %add3A_704 : vector<16xi32>
          %add3A_706 = arith.addi %add3A_705, %and3A_8 : vector<16xi32>
          %gather3A_707 = tpu.vector_load_idx %arg8[%add3A_553, %add3A_706] : memref<256x128xf32, #tpu.memory_space<vmem>>[vector<16xi32>, vector<16xi32>], vector<16xf32>,
          %add3A_708 = arith.constant 16 : i32
          %add3A_709 = vector.broadcast %add3A_708 : i32 to vector<16xi32>
          %add3A_710 = arith.addi %add3A_709, %and3A_8 : vector<16xi32>
          tpu.vector_store_idx %arg10[%broadcast_in_dim3A_574, %add3A_710, %add3A_557], %gather3A_707 : memref<2x32x128xf32, #tpu.memory_space<vmem>>[vector<16xi32>, vector<16xi32>, vector<16xi32>], vector<16xf32>,
          %add3A_711 = arith.constant 16 : i32
          %add3A_712 = vector.broadcast %add3A_711 : i32 to vector<16xi32>
          %add3A_713 = arith.addi %mul3A_572, %add3A_712 : vector<16xi32>
          %add3A_714 = arith.addi %add3A_713, %and3A_14 : vector<16xi32>
          %gather3A_715 = tpu.vector_load_idx %arg8[%add3A_553, %add3A_714] : memref<256x128xf32, #tpu.memory_space<vmem>>[vector<16xi32>, vector<16xi32>], vector<16xf32>,
          %add3A_716 = arith.constant 16 : i32
          %add3A_717 = vector.broadcast %add3A_716 : i32 to vector<16xi32>
          %add3A_718 = arith.addi %add3A_717, %and3A_14 : vector<16xi32>
          tpu.vector_store_idx %arg10[%broadcast_in_dim3A_574, %add3A_718, %add3A_557], %gather3A_715 : memref<2x32x128xf32, #tpu.memory_space<vmem>>[vector<16xi32>, vector<16xi32>, vector<16xi32>], vector<16xf32>,
          %add3A_719 = arith.constant 16 : i32
          %add3A_720 = vector.broadcast %add3A_719 : i32 to vector<16xi32>
          %add3A_721 = arith.addi %mul3A_572, %add3A_720 : vector<16xi32>
          %add3A_722 = arith.addi %add3A_721, %and3A_20 : vector<16xi32>
          %gather3A_723 = tpu.vector_load_idx %arg8[%add3A_553, %add3A_722] : memref<256x128xf32, #tpu.memory_space<vmem>>[vector<16xi32>, vector<16xi32>], vector<16xf32>,
          %add3A_724 = arith.constant 16 : i32
          %add3A_725 = vector.broadcast %add3A_724 : i32 to vector<16xi32>
          %add3A_726 = arith.addi %add3A_725, %and3A_20 : vector<16xi32>
          tpu.vector_store_idx %arg10[%broadcast_in_dim3A_574, %add3A_726, %add3A_557], %gather3A_723 : memref<2x32x128xf32, #tpu.memory_space<vmem>>[vector<16xi32>, vector<16xi32>, vector<16xi32>], vector<16xf32>,
          %add3A_727 = arith.constant 16 : i32
          %add3A_728 = vector.broadcast %add3A_727 : i32 to vector<16xi32>
          %add3A_729 = arith.addi %mul3A_572, %add3A_728 : vector<16xi32>
          %add3A_730 = arith.addi %add3A_729, %and3A_26 : vector<16xi32>
          %gather3A_731 = tpu.vector_load_idx %arg8[%add3A_553, %add3A_730] : memref<256x128xf32, #tpu.memory_space<vmem>>[vector<16xi32>, vector<16xi32>], vector<16xf32>,
          %add3A_732 = arith.constant 16 : i32
          %add3A_733 = vector.broadcast %add3A_732 : i32 to vector<16xi32>
          %add3A_734 = arith.addi %add3A_733, %and3A_26 : vector<16xi32>
          tpu.vector_store_idx %arg10[%broadcast_in_dim3A_574, %add3A_734, %add3A_557], %gather3A_731 : memref<2x32x128xf32, #tpu.memory_space<vmem>>[vector<16xi32>, vector<16xi32>, vector<16xi32>], vector<16xf32>,
          %add3A_735 = arith.constant 16 : i32
          %add3A_736 = vector.broadcast %add3A_735 : i32 to vector<16xi32>
          %add3A_737 = arith.addi %mul3A_572, %add3A_736 : vector<16xi32>
          %add3A_738 = arith.addi %add3A_737, %and3A_32 : vector<16xi32>
          %gather3A_739 = tpu.vector_load_idx %arg8[%add3A_553, %add3A_738] : memref<256x128xf32, #tpu.memory_space<vmem>>[vector<16xi32>, vector<16xi32>], vector<16xf32>,
          %add3A_740 = arith.constant 16 : i32
          %add3A_741 = vector.broadcast %add3A_740 : i32 to vector<16xi32>
          %add3A_742 = arith.addi %add3A_741, %and3A_32 : vector<16xi32>
          tpu.vector_store_idx %arg10[%broadcast_in_dim3A_574, %add3A_742, %add3A_557], %gather3A_739 : memref<2x32x128xf32, #tpu.memory_space<vmem>>[vector<16xi32>, vector<16xi32>, vector<16xi32>], vector<16xf32>,
          %add3A_743 = arith.constant 16 : i32
          %add3A_744 = vector.broadcast %add3A_743 : i32 to vector<16xi32>
          %add3A_745 = arith.addi %mul3A_572, %add3A_744 : vector<16xi32>
          %add3A_746 = arith.addi %add3A_745, %and3A_38 : vector<16xi32>
          %gather3A_747 = tpu.vector_load_idx %arg8[%add3A_553, %add3A_746] : memref<256x128xf32, #tpu.memory_space<vmem>>[vector<16xi32>, vector<16xi32>], vector<16xf32>,
          %add3A_748 = arith.constant 16 : i32
          %add3A_749 = vector.broadcast %add3A_748 : i32 to vector<16xi32>
          %add3A_750 = arith.addi %add3A_749, %and3A_38 : vector<16xi32>
          tpu.vector_store_idx %arg10[%broadcast_in_dim3A_574, %add3A_750, %add3A_557], %gather3A_747 : memref<2x32x128xf32, #tpu.memory_space<vmem>>[vector<16xi32>, vector<16xi32>, vector<16xi32>], vector<16xf32>,
          %add3A_751 = arith.constant 16 : i32
          %add3A_752 = vector.broadcast %add3A_751 : i32 to vector<16xi32>
          %add3A_753 = arith.addi %mul3A_572, %add3A_752 : vector<16xi32>
          %add3A_754 = arith.addi %add3A_753, %and3A_44 : vector<16xi32>
          %gather3A_755 = tpu.vector_load_idx %arg8[%add3A_553, %add3A_754] : memref<256x128xf32, #tpu.memory_space<vmem>>[vector<16xi32>, vector<16xi32>], vector<16xf32>,
          %add3A_756 = arith.constant 16 : i32
          %add3A_757 = vector.broadcast %add3A_756 : i32 to vector<16xi32>
          %add3A_758 = arith.addi %add3A_757, %and3A_44 : vector<16xi32>
          tpu.vector_store_idx %arg10[%broadcast_in_dim3A_574, %add3A_758, %add3A_557], %gather3A_755 : memref<2x32x128xf32, #tpu.memory_space<vmem>>[vector<16xi32>, vector<16xi32>, vector<16xi32>], vector<16xf32>,
          %add3A_759 = arith.constant 16 : i32
          %add3A_760 = vector.broadcast %add3A_759 : i32 to vector<16xi32>
          %add3A_761 = arith.addi %mul3A_572, %add3A_760 : vector<16xi32>
          %add3A_762 = arith.addi %add3A_761, %and3A_50 : vector<16xi32>
          %gather3A_763 = tpu.vector_load_idx %arg8[%add3A_553, %add3A_762] : memref<256x128xf32, #tpu.memory_space<vmem>>[vector<16xi32>, vector<16xi32>], vector<16xf32>,
          %add3A_764 = arith.constant 16 : i32
          %add3A_765 = vector.broadcast %add3A_764 : i32 to vector<16xi32>
          %add3A_766 = arith.addi %add3A_765, %and3A_50 : vector<16xi32>
          tpu.vector_store_idx %arg10[%broadcast_in_dim3A_574, %add3A_766, %add3A_557], %gather3A_763 : memref<2x32x128xf32, #tpu.memory_space<vmem>>[vector<16xi32>, vector<16xi32>, vector<16xi32>], vector<16xf32>,
          %add3A_767 = arith.constant 16 : i32
          %add3A_768 = vector.broadcast %add3A_767 : i32 to vector<16xi32>
          %add3A_769 = arith.addi %mul3A_572, %add3A_768 : vector<16xi32>
          %add3A_770 = arith.addi %add3A_769, %and3A_56 : vector<16xi32>
          %gather3A_771 = tpu.vector_load_idx %arg8[%add3A_553, %add3A_770] : memref<256x128xf32, #tpu.memory_space<vmem>>[vector<16xi32>, vector<16xi32>], vector<16xf32>,
          %add3A_772 = arith.constant 16 : i32
          %add3A_773 = vector.broadcast %add3A_772 : i32 to vector<16xi32>
          %add3A_774 = arith.addi %add3A_773, %and3A_56 : vector<16xi32>
          tpu.vector_store_idx %arg10[%broadcast_in_dim3A_574, %add3A_774, %add3A_557], %gather3A_771 : memref<2x32x128xf32, #tpu.memory_space<vmem>>[vector<16xi32>, vector<16xi32>, vector<16xi32>], vector<16xf32>,
          %add3A_775 = arith.constant 16 : i32
          %add3A_776 = vector.broadcast %add3A_775 : i32 to vector<16xi32>
          %add3A_777 = arith.addi %mul3A_572, %add3A_776 : vector<16xi32>
          %add3A_778 = arith.addi %add3A_777, %and3A_62 : vector<16xi32>
          %gather3A_779 = tpu.vector_load_idx %arg8[%add3A_553, %add3A_778] : memref<256x128xf32, #tpu.memory_space<vmem>>[vector<16xi32>, vector<16xi32>], vector<16xf32>,
          %add3A_780 = arith.constant 16 : i32
          %add3A_781 = vector.broadcast %add3A_780 : i32 to vector<16xi32>
          %add3A_782 = arith.addi %add3A_781, %and3A_62 : vector<16xi32>
          tpu.vector_store_idx %arg10[%broadcast_in_dim3A_574, %add3A_782, %add3A_557], %gather3A_779 : memref<2x32x128xf32, #tpu.memory_space<vmem>>[vector<16xi32>, vector<16xi32>, vector<16xi32>], vector<16xf32>,
          %add3A_783 = arith.constant 16 : i32
          %add3A_784 = vector.broadcast %add3A_783 : i32 to vector<16xi32>
          %add3A_785 = arith.addi %mul3A_572, %add3A_784 : vector<16xi32>
          %add3A_786 = arith.addi %add3A_785, %and3A_68 : vector<16xi32>
          %gather3A_787 = tpu.vector_load_idx %arg8[%add3A_553, %add3A_786] : memref<256x128xf32, #tpu.memory_space<vmem>>[vector<16xi32>, vector<16xi32>], vector<16xf32>,
          %add3A_788 = arith.constant 16 : i32
          %add3A_789 = vector.broadcast %add3A_788 : i32 to vector<16xi32>
          %add3A_790 = arith.addi %add3A_789, %and3A_68 : vector<16xi32>
          tpu.vector_store_idx %arg10[%broadcast_in_dim3A_574, %add3A_790, %add3A_557], %gather3A_787 : memref<2x32x128xf32, #tpu.memory_space<vmem>>[vector<16xi32>, vector<16xi32>, vector<16xi32>], vector<16xf32>,
          %add3A_791 = arith.constant 16 : i32
          %add3A_792 = vector.broadcast %add3A_791 : i32 to vector<16xi32>
          %add3A_793 = arith.addi %mul3A_572, %add3A_792 : vector<16xi32>
          %add3A_794 = arith.addi %add3A_793, %and3A_74 : vector<16xi32>
          %gather3A_795 = tpu.vector_load_idx %arg8[%add3A_553, %add3A_794] : memref<256x128xf32, #tpu.memory_space<vmem>>[vector<16xi32>, vector<16xi32>], vector<16xf32>,
          %add3A_796 = arith.constant 16 : i32
          %add3A_797 = vector.broadcast %add3A_796 : i32 to vector<16xi32>
          %add3A_798 = arith.addi %add3A_797, %and3A_74 : vector<16xi32>
          tpu.vector_store_idx %arg10[%broadcast_in_dim3A_574, %add3A_798, %add3A_557], %gather3A_795 : memref<2x32x128xf32, #tpu.memory_space<vmem>>[vector<16xi32>, vector<16xi32>, vector<16xi32>], vector<16xf32>,
          %add3A_799 = arith.constant 16 : i32
          %add3A_800 = vector.broadcast %add3A_799 : i32 to vector<16xi32>
          %add3A_801 = arith.addi %mul3A_572, %add3A_800 : vector<16xi32>
          %add3A_802 = arith.addi %add3A_801, %and3A_80 : vector<16xi32>
          %gather3A_803 = tpu.vector_load_idx %arg8[%add3A_553, %add3A_802] : memref<256x128xf32, #tpu.memory_space<vmem>>[vector<16xi32>, vector<16xi32>], vector<16xf32>,
          %add3A_804 = arith.constant 16 : i32
          %add3A_805 = vector.broadcast %add3A_804 : i32 to vector<16xi32>
          %add3A_806 = arith.addi %add3A_805, %and3A_80 : vector<16xi32>
          tpu.vector_store_idx %arg10[%broadcast_in_dim3A_574, %add3A_806, %add3A_557], %gather3A_803 : memref<2x32x128xf32, #tpu.memory_space<vmem>>[vector<16xi32>, vector<16xi32>, vector<16xi32>], vector<16xf32>,
          %add3A_807 = arith.constant 16 : i32
          %add3A_808 = vector.broadcast %add3A_807 : i32 to vector<16xi32>
          %add3A_809 = arith.addi %mul3A_572, %add3A_808 : vector<16xi32>
          %add3A_810 = arith.addi %add3A_809, %and3A_86 : vector<16xi32>
          %gather3A_811 = tpu.vector_load_idx %arg8[%add3A_553, %add3A_810] : memref<256x128xf32, #tpu.memory_space<vmem>>[vector<16xi32>, vector<16xi32>], vector<16xf32>,
          %add3A_812 = arith.constant 16 : i32
          %add3A_813 = vector.broadcast %add3A_812 : i32 to vector<16xi32>
          %add3A_814 = arith.addi %add3A_813, %and3A_86 : vector<16xi32>
          tpu.vector_store_idx %arg10[%broadcast_in_dim3A_574, %add3A_814, %add3A_557], %gather3A_811 : memref<2x32x128xf32, #tpu.memory_space<vmem>>[vector<16xi32>, vector<16xi32>, vector<16xi32>], vector<16xf32>,
          %add3A_815 = arith.constant 16 : i32
          %add3A_816 = vector.broadcast %add3A_815 : i32 to vector<16xi32>
          %add3A_817 = arith.addi %mul3A_572, %add3A_816 : vector<16xi32>
          %add3A_818 = arith.addi %add3A_817, %and3A_92 : vector<16xi32>
          %gather3A_819 = tpu.vector_load_idx %arg8[%add3A_553, %add3A_818] : memref<256x128xf32, #tpu.memory_space<vmem>>[vector<16xi32>, vector<16xi32>], vector<16xf32>,
          %add3A_820 = arith.constant 16 : i32
          %add3A_821 = vector.broadcast %add3A_820 : i32 to vector<16xi32>
          %add3A_822 = arith.addi %add3A_821, %and3A_92 : vector<16xi32>
          tpu.vector_store_idx %arg10[%broadcast_in_dim3A_574, %add3A_822, %add3A_557], %gather3A_819 : memref<2x32x128xf32, #tpu.memory_space<vmem>>[vector<16xi32>, vector<16xi32>, vector<16xi32>], vector<16xf32>,
          %add3A_823 = arith.constant 16 : i32
          %add3A_824 = vector.broadcast %add3A_823 : i32 to vector<16xi32>
          %add3A_825 = arith.addi %mul3A_572, %add3A_824 : vector<16xi32>
          %add3A_826 = arith.addi %add3A_825, %and3A_98 : vector<16xi32>
          %gather3A_827 = tpu.vector_load_idx %arg8[%add3A_553, %add3A_826] : memref<256x128xf32, #tpu.memory_space<vmem>>[vector<16xi32>, vector<16xi32>], vector<16xf32>,
          %add3A_828 = arith.constant 16 : i32
          %add3A_829 = vector.broadcast %add3A_828 : i32 to vector<16xi32>
          %add3A_830 = arith.addi %add3A_829, %and3A_98 : vector<16xi32>
          tpu.vector_store_idx %arg10[%broadcast_in_dim3A_574, %add3A_830, %add3A_557], %gather3A_827 : memref<2x32x128xf32, #tpu.memory_space<vmem>>[vector<16xi32>, vector<16xi32>, vector<16xi32>], vector<16xf32>,
        }
        %scan3A_248 = arith.constant 8 : i32
        %mul3A_249 = arith.constant 2 : i32
        %mul3A_250 = arith.muli %mul3A_249, %add3A_166 : i32
        %dma_start3A_251 = arith.constant 0 : i32
        %dma_start3A_252 = tpu.memref_slice %arg4[%mul3A_250, %dma_start3A_251, %mul3A_2] : memref<50x32x4096xf32, #tpu.memory_space<hbm>> -> memref<2x32x128xf32, #tpu.memory_space<hbm>>
        %dma_start3A_253 = arith.constant 0 : i32
        %dma_start3A_254 = tpu.memref_slice %arg4[%mul3A_250, %dma_start3A_253, %mul3A_2] : memref<50x32x4096xf32, #tpu.memory_space<hbm>> -> memref<2x32x128xf32, #tpu.memory_space<hbm>>
        tpu.enqueue_dma source(%arg10 : memref<2x32x128xf32, #tpu.memory_space<vmem>>) target(%dma_start3A_254 : memref<2x32x128xf32, #tpu.memory_space<hbm>>) target_semaphore(%arg13 : memref<!tpu.dma_semaphore, #tpu.memory_space<semaphore_mem>>)
        %add3A_255 = arith.constant 2 : i32
        %add3A_256 = arith.addi %add3A_166, %add3A_255 : i32
        %lt3A_257 = arith.constant 25 : i32
        %lt3A_258 = arith.cmpi slt, %add3A_256, %lt3A_257 : i32
        %convert_element_type3A_259 = arith.extui %lt3A_258 : i1 to i32
        %cond3A_260 = arith.constant 0 : i32
        %cond3A_261 = arith.cmpi ne, %convert_element_type3A_259, %cond3A_260 : i32
        scf.if %cond3A_261 {
          %add3A_262 = arith.constant 2 : i32
          %add3A_263 = arith.addi %add3A_166, %add3A_262 : i32
          %mul3A_264 = arith.constant 2 : i32
          %mul3A_265 = arith.muli %mul3A_264, %add3A_263 : i32
          %add3A_266 = arith.constant 0 : i32
          %add3A_267 = arith.addi %mul3A_265, %add3A_266 : i32
          %dma_start3A_268 = arith.constant 0 : i32
          %dma_start3A_269 = arith.constant 0 : i32
          %dma_start3A_270 = tpu.memref_slice %arg8[%dma_start3A_268, %dma_start3A_269] : memref<256x128xf32, #tpu.memory_space<vmem>> -> memref<128x128xf32, #tpu.memory_space<vmem>>
          %dma_start3A_271 = arith.constant 0 : i32
          %dma_start3A_272 = tpu.memref_slice %arg6[%add3A_267, %dma_start3A_271] : memref<50x128xi32, #tpu.memory_space<vmem>> -> memref<1x128xi32, #tpu.memory_space<vmem>>
          %dma_start3A_273 = tpu.memref_squeeze %dma_start3A_272 : memref<1x128xi32, #tpu.memory_space<vmem>> -> memref<128xi32, #tpu.memory_space<vmem>>
          %dma_start3A_274 = arith.constant 0 : i32
          %dma_start3A_275 = arith.constant 0 : i32
          %dma_start3A_276 = tpu.memref_slice %arg2[%dma_start3A_274, %dma_start3A_275] : memref<25000x128xf32, #tpu.memory_space<hbm>> -> memref<25000x128xf32, #tpu.memory_space<hbm>>
          tpu.enqueue_indirect_dma source(%dma_start3A_276 : memref<25000x128xf32, #tpu.memory_space<hbm>>) target(%dma_start3A_270 : memref<128x128xf32, #tpu.memory_space<vmem>>) offsets(%dma_start3A_273 : memref<128xi32, #tpu.memory_space<vmem>>) semaphore(%arg11 : memref<!tpu.dma_semaphore, #tpu.memory_space<semaphore_mem>>)
          %mul3A_277 = arith.constant 2 : i32
          %mul3A_278 = arith.muli %mul3A_277, %add3A_263 : i32
          %add3A_279 = arith.constant 1 : i32
          %add3A_280 = arith.addi %mul3A_278, %add3A_279 : i32
          %dma_start3A_281 = arith.constant 128 : i32
          %dma_start3A_282 = arith.constant 0 : i32
          %dma_start3A_283 = tpu.memref_slice %arg8[%dma_start3A_281, %dma_start3A_282] : memref<256x128xf32, #tpu.memory_space<vmem>> -> memref<128x128xf32, #tpu.memory_space<vmem>>
          %dma_start3A_284 = arith.constant 0 : i32
          %dma_start3A_285 = tpu.memref_slice %arg6[%add3A_280, %dma_start3A_284] : memref<50x128xi32, #tpu.memory_space<vmem>> -> memref<1x128xi32, #tpu.memory_space<vmem>>
          %dma_start3A_286 = tpu.memref_squeeze %dma_start3A_285 : memref<1x128xi32, #tpu.memory_space<vmem>> -> memref<128xi32, #tpu.memory_space<vmem>>
          %dma_start3A_287 = arith.constant 0 : i32
          %dma_start3A_288 = arith.constant 0 : i32
          %dma_start3A_289 = tpu.memref_slice %arg2[%dma_start3A_287, %dma_start3A_288] : memref<25000x128xf32, #tpu.memory_space<hbm>> -> memref<25000x128xf32, #tpu.memory_space<hbm>>
          tpu.enqueue_indirect_dma source(%dma_start3A_289 : memref<25000x128xf32, #tpu.memory_space<hbm>>) target(%dma_start3A_283 : memref<128x128xf32, #tpu.memory_space<vmem>>) offsets(%dma_start3A_286 : memref<128xi32, #tpu.memory_space<vmem>>) semaphore(%arg11 : memref<!tpu.dma_semaphore, #tpu.memory_space<semaphore_mem>>)
        } else {
        }
      } else {
      }
    }
    %scan3A_146 = arith.constant 13 : i32
    %dma_wait3A = arith.constant 0 : i32
    %dma_wait3A_147 = arith.constant 0 : i32
    %dma_wait3A_148 = tpu.memref_slice %arg4[%dma_wait3A, %dma_wait3A_147, %mul3A_2] : memref<50x32x4096xf32, #tpu.memory_space<hbm>> -> memref<2x32x128xf32, #tpu.memory_space<hbm>>
    %dma_wait3A_149 = arith.constant 0 : i32
    %dma_wait3A_150 = arith.constant 0 : i32
    %dma_wait3A_151 = tpu.memref_slice %arg4[%dma_wait3A_149, %dma_wait3A_150, %mul3A_2] : memref<50x32x4096xf32, #tpu.memory_space<hbm>> -> memref<2x32x128xf32, #tpu.memory_space<hbm>>
    tpu.wait_dma2 semaphore(%arg12 : memref<!tpu.dma_semaphore, #tpu.memory_space<semaphore_mem>>) src(%arg9 : memref<2x32x128xf32, #tpu.memory_space<vmem>>) dst(%dma_wait3A_151 : memref<2x32x128xf32, #tpu.memory_space<hbm>>)
    %dma_wait3A_152 = arith.constant 0 : i32
    %dma_wait3A_153 = arith.constant 0 : i32
    %dma_wait3A_154 = tpu.memref_slice %arg4[%dma_wait3A_152, %dma_wait3A_153, %mul3A_2] : memref<50x32x4096xf32, #tpu.memory_space<hbm>> -> memref<2x32x128xf32, #tpu.memory_space<hbm>>
    %dma_wait3A_155 = arith.constant 0 : i32
    %dma_wait3A_156 = arith.constant 0 : i32
    %dma_wait3A_157 = tpu.memref_slice %arg4[%dma_wait3A_155, %dma_wait3A_156, %mul3A_2] : memref<50x32x4096xf32, #tpu.memory_space<hbm>> -> memref<2x32x128xf32, #tpu.memory_space<hbm>>
    tpu.wait_dma2 semaphore(%arg13 : memref<!tpu.dma_semaphore, #tpu.memory_space<semaphore_mem>>) src(%arg10 : memref<2x32x128xf32, #tpu.memory_space<vmem>>) dst(%dma_wait3A_157 : memref<2x32x128xf32, #tpu.memory_space<hbm>>)
    return
  }
}

</mosaic_0001>

<sc_bundles>
// kernel: kernel.3.cloned.1.call-start
scs
__scs_entry_jumppad:
0x0: {  	(pc) =	sbr.rel $0x88, $3  }
0x1: {  	(tag) =	ssettag $0x0;
	lr =	simm.s32 $0x1  }
0x2: {  	[smem:$0x3F9F] =	sst lr;
	_ =	strace $0xD0000000  }
0x3: {  	_ = 	snop  }
0x4: {  	_ = 	snop  }
0x5: {  	_ = 	snop  }
0x6: {  	_ = 	snop  }
0x7: {  	_ = 	snop  }
__scs_overlays_trampoline_lowered:
0x8: {  	[smem:$0x3FAE] =	sst s0  }
0x9: {  	[smem:$0x3FAF] =	sst s1  }
0xa: {  	[smem:$0x3FB0] =	sst s2  }
0xb: {  	[smem:$0x3FB1] =	sst s3  }
0xc: {  	[smem:$0x3FB2] =	sst s4  }
0xd: {  	[smem:$0x3FB3] =	sst s5  }
0xe: {  	[smem:$0x3FB4] =	sst s6  }
0xf: {  	[smem:$0x3FB5] =	sst s7  }
0x10: {  	[smem:$0x3FB6] =	sst s8  }
0x11: {  	[smem:$0x3FB7] =	sst s9;
	s0 =	simm.s32 @!p0 $0x0  }
0x12: {  	s1 =	sld [smem:$0x3F9D];
	s0 =	simm.s32 @p0 $0x1  }
0x13: {  	[smem:$0x3FB8] =	sst s0;
	s0 =	simm.s32 @!p1 $0x0  }
0x14: {  	s2 =	sld [smem:$0x3F9C];
	s0 =	simm.s32 @p1 $0x1  }
0x15: {  	[smem:$0x3FB9] =	sst s0;
	s0 =	simm.s32 @!p2 $0x0  }
0x16: {  	s3 =	sld [smem:$0x3FDB];
	s0 =	simm.s32 @p2 $0x1  }
0x17: {  	s4 =	simm.s32 $0x1BF5;
	[smem:$0x3FBB] =	sst s0  }
0x18: {  	s0 =	sld [smem:$0x3F9E];
	_ =	swait.ge [sflag:s4], $0x0  }
0x19: {  	s7 =	sld [smem:$0x3F9F]  }
0x1a: {  	s8 =	sadd.s32 $0xFFFFE003, lr  }
0x1b: {  	s9 =	sadd.s32 $0xFFFFFEF7, lr;
	s5 =	simm.s32 $0xFFFFFFFF;
	p2 =	slt.u32 s8, $0xFFFFF086  }
0x1c: {  	p1 =	slt.u32 s9, $0xF7A;
	s5 =	simm.s32 @!p2 $0x0  }
0x1d: {  	s5 =	simm.s32 @p1 $0x1;
	p0 =	seq.s32 s7, s2  }
0x1e: {  	s7 =	smul.u32 @!p0 $0xF7A, s2;
	p2 =	seq.s32 @!p0 s5, $0x0  }
0x1f: {  	s9 =	smul.u32 $0xF7A, s1;
	s8 =	simm.s32 @!p0 $0x1BF5;
	p2 =	por !p2, p0  }
0x20: {  	[sflag:s8] =	ssyncset.s32 @!p0 $0xFFFFF086;
	s6 =	sadd.s32 @!p0 s3, s7;
	s7 =	simm.s32 @!p0 $0x108  }
0x21: {  	s3 =	sadd.s32 s3, s9;
	s6 =	sadd.s32 @!p0 $0x88, s6;
	s7 =	simm.s32 @p2 $0x1082  }
0x22: {  	[simem:s7], [sflag:s8] =	dma.local @!p0 [hbm:s6], $0xF7A  }
0x23: {  	s9 =	sor.u32 $0xD0000000, s2;
	s6 =	simm.s32 $0x108;
	_ =	swait.ge @!p0 [sflag:s8], $0x0  }
0x24: {  	s3 =	sadd.s32 $0x88, s3;
	s6 =	simm.s32 @!p1 $0x1082;
	[sflag:s4] =	ssyncset.s32 $0xFFFFF086  }
0x25: {  	[simem:s6], [sflag:s4] =	dma.local [hbm:s3], $0xF7A  }
0x26: {  	[smem:$0x3F9F] =	sst s1;
	(tag) =	ssettag s2;
	_ =	strace s9  }
0x27: {  	s1 =	sld [smem:$0x3FAF]  }
0x28: {  	s2 =	sld [smem:$0x3FB0]  }
0x29: {  	s4 =	sld [smem:$0x3FB2]  }
0x2a: {  	p0 =	seq.s32 s5, $0x0;
	s5 =	sld [smem:$0x3FB3]  }
0x2b: {  	s6 =	sld [smem:$0x3FB4]  }
0x2c: {  	s7 =	sld [smem:$0x3FB5]  }
0x2d: {  	s3 =	simm.s32 $0x108;
	s8 =	sld [smem:$0x3FB6]  }
0x2e: {  	s3 =	simm.s32 @!p0 $0x1082;
	s9 =	sld [smem:$0x3FB7]  }
0x2f: {  	lr =	sadd.s32 s0, s3;
	s0 =	sld [smem:$0x3FAE]  }
0x30: {  	s3 =	sld [smem:$0x3FB1]  }
0x31: {  	[smem:$0x3FBA] =	sst s10  }
0x32: {  	s10 =	sld [smem:$0x3FB8];
	_ =	sdelay $0x3  }
0x33: {  	p0 =	seq.s32 s10, $0x1;
	s10 =	sld [smem:$0x3FBA];
	_ =	sdelay $0x3  }
0x34: {  	[smem:$0x3FBA] =	sst s10  }
0x35: {  	s10 =	sld [smem:$0x3FB9];
	_ =	sdelay $0x3  }
0x36: {  	p1 =	seq.s32 s10, $0x1;
	s10 =	sld [smem:$0x3FBA];
	_ =	sdelay $0x3  }
0x37: {  	[smem:$0x3FBA] =	sst s10  }
0x38: {  	s10 =	sld [smem:$0x3FBB]  }
0x39: {  	_ = 	snop;
	(pc) =	sbr.ind lr, $3  }
0x3a: {  	_ = 	snop  }
0x3b: {  	_ = 	snop  }
0x3c: {  	p2 =	seq.s32 s10, $0x1;
	s10 =	sld [smem:$0x3FBA]  }
0x3d: {  	_ =	shalt  }
0x3e: {  	_ =	shalt  }
0x3f: {  	_ =	shalt  }
0x40: {  	_ =	shalt  }
0x41: {  	_ =	shalt  }
0x42: {  	_ =	shalt  }
0x43: {  	_ =	shalt  }
0x44: {  	_ =	shalt  }
0x45: {  	_ =	shalt  }
0x46: {  	_ =	shalt  }
0x47: {  	_ =	shalt  }
0x48: {  	_ =	shalt  }
0x49: {  	_ =	shalt  }
0x4a: {  	_ =	shalt  }
0x4b: {  	_ =	shalt  }
0x4c: {  	_ =	shalt  }
0x4d: {  	_ =	shalt  }
0x4e: {  	_ =	shalt  }
0x4f: {  	_ =	shalt  }
0x50: {  	_ =	shalt  }
0x51: {  	_ =	shalt  }
0x52: {  	_ =	shalt  }
0x53: {  	_ =	shalt  }
0x54: {  	_ =	shalt  }
0x55: {  	_ =	shalt  }
0x56: {  	_ =	shalt  }
0x57: {  	_ =	shalt  }
0x58: {  	_ =	shalt  }
0x59: {  	_ =	shalt  }
0x5a: {  	_ =	shalt  }
0x5b: {  	_ =	shalt  }
0x5c: {  	_ =	shalt  }
0x5d: {  	_ =	shalt  }
0x5e: {  	_ =	shalt  }
0x5f: {  	_ =	shalt  }
0x60: {  	_ =	shalt  }
0x61: {  	_ =	shalt  }
0x62: {  	_ =	shalt  }
0x63: {  	_ =	shalt  }
0x64: {  	_ =	shalt  }
0x65: {  	_ =	shalt  }
0x66: {  	_ =	shalt  }
0x67: {  	_ =	shalt  }
0x68: {  	_ =	shalt  }
0x69: {  	_ =	shalt  }
0x6a: {  	_ =	shalt  }
0x6b: {  	_ =	shalt  }
0x6c: {  	_ =	shalt  }
0x6d: {  	_ =	shalt  }
0x6e: {  	_ =	shalt  }
0x6f: {  	_ =	shalt  }
0x70: {  	_ =	shalt  }
0x71: {  	_ =	shalt  }
0x72: {  	_ =	shalt  }
0x73: {  	_ =	shalt  }
0x74: {  	_ =	shalt  }
0x75: {  	_ =	shalt  }
0x76: {  	_ =	shalt  }
0x77: {  	_ =	shalt  }
0x78: {  	_ =	shalt  }
0x79: {  	_ =	shalt  }
0x7a: {  	_ =	shalt  }
0x7b: {  	_ =	shalt  }
0x7c: {  	_ =	shalt  }
0x7d: {  	_ =	shalt  }
0x7e: {  	_ =	shalt  }
0x7f: {  	_ =	shalt  }
0x80: {  	_ =	shalt  }
0x81: {  	_ =	shalt  }
0x82: {  	_ =	shalt  }
0x83: {  	_ =	shalt  }
0x84: {  	_ =	shalt  }
0x85: {  	_ =	shalt  }
0x86: {  	_ =	shalt  }
0x87: {  	_ =	shalt  }
.Lfunc_end0:
.L_simem_size_0:
called_computation_lowered:
.L_overlay_start_0:
0x88: {  	s2 =	sld [smem:$0x3FD9]  }
0x89: {  	s3 =	sld [smem:$0x3FFE];
	_ =	sdelay $0x1  }
0x8a: {  	s1 =	srdreg.scid  }
0x8b: {  	s0 =	sand.u32 $0x1, s1  }
0x8c: {  	s17 =	sshll.u32 s0, $0xA;
	s2 =	sadd.s32 s3, s2  }
0x8d: {  	s2 =	sadd.s32 s2, s17  }
0x8e: {  	[smem:$0x3FC6] =	sst s2  }
0x8f: {  	_ = 	snop  }
0x90: {  	s2 =	sld [smem:$0x3FC9]  }
0x91: {  	s18 =	sld [smem:$0x3FD0];
	(tm) =	ssettm $0x1  }
0x92: {  	s4 =	sld [smem:$0x3FFB];
	_ =	sdelay $0x3  }
0x93: {  	_ =	strace s4  }
0x94: {  	s4 =	sld [smem:$0x3FFC];
	_ =	sdelay $0x3  }
0x95: {  	_ =	strace s4  }
0x96: {  	s4 =	sld [smem:$0x3FFD];
	_ =	sdelay $0x3  }
0x97: {  	_ =	strace s4  }
0x98: {  	_ =	strace $0x8FFFFFFF  }
0x99: {  	s19 =	sld [smem:$0x3FDB];
	_ =	sdelay $0x1  }
0x9a: {  	s5 =	simm.s32 $_scs_section_size  }
0x9b: {  	s6 =	simm.s32 $_size__tile_overlayer_lowered;
	s7 =	simm.s32 $_tile_overlayer_lowered  }
0x9c: {  	s22 =	simm.s32 $0x1BFF;
	s21 =	sshll.u32 s7, $0x1;
	s4 =	sadd.s32 s5, s19  }
0x9d: {  	s8 =	simm.s32 $0x0;
	s20 =	sshll.u32 s6, $0x1;
	s6 =	sadd.s32 s21, s4  }
0x9e: {  	[timem:s8], [sflag:s22] =	dma.local [hbm:s6], s20  }
0x9f: {  	_ =	swait.ge [sflag:s22], s20  }
0xa0: {  	s5 =	ssub.s32 $0x0, s20;
	[sflag:s22] =	ssyncset.done $0x0  }
0xa1: {  	[sflag:s22] =	ssyncadd.s32 s5;
	_ =	sdelay $0x1  }
0xa2: {  	s23 =	simm.s32 $0x1B8B  }
0xa3: {  	_ =	swait.ge [sflag:s23], $0x1  }
0xa4: {  	[sflag:s23] =	ssyncset.done $0x0  }
0xa5: {  	s25 =	simm.s32 $0x1B8E;
	s24 =	sld [smem:$0x3FFE];
	[sflag:s23] =	ssyncadd.s32 $0xFFFFFFFF  }
0xa6: {  	s26 =	simm.s32 $execute0_lowered;
	[smem:$0x3FD2] =	sst s25  }
0xa7: {  	s6 =	sshll.u32 s26, $0x1;
	_ =	strace $0x80000046;
	[dreg:$0x1] =	wrdreg $0xFFFFFFFF  }
0xa8: {  	s28 =	simm.s32 $_size_execute0_lowered;
	s4 =	sadd.s32 s4, s6;
	[dreg:$0x0] =	wrdreg $0x0  }
0xa9: {  	s6 =	sshll.u32 s28, $0x1;
	[dreg:$0x2] =	wrdreg s4  }
0xaa: {  	[dreg:$0x3] =	wrdreg s6  }
0xab: {  	[dreg:$0x4] =	wrdreg $0xC0  }
0xac: {  	_ =	task [dreg:s8], $0x5FFFF  }
0xad: {  	[dreg:$0x1] =	wrdreg $0xFFFFFFFF  }
0xae: {  	[dreg:$0x0] =	wrdreg $0x60  }
0xaf: {  	[dreg:$0x2] =	wrdreg s24  }
0xb0: {  	[dreg:$0x3] =	wrdreg s2  }
0xb1: {  	[dreg:$0x4] =	wrdreg s18  }
0xb2: {  	[dreg:$0x5] =	wrdreg $0x9  }
0xb3: {  	_ =	task.clear_ibuf [dreg:s8], $0x6FFFF;
	_ =	strace $0x90000046  }
0xb4: {  	s29 =	simm.s32 $0x9;
	_ =	strace $0x80000048  }
0xb5: {  	_ =	swait.ge [sflag:s29], $0x1  }
0xb6: {  	[sflag:s29] =	ssyncadd.s32 $0xFFFFFFFF  }
0xb7: {  	_ =	strace $0x90000048  }
0xb8: {  	_ =	sfence  }
0xb9: {  	s30 =	sld [smem:$0x0];
	_ =	sdelay $0x2  }
0xba: {  	s31 =	sshll.u32 s1, $0xD;
	s1 =	sshrl.u32 s1, $0x2  }
0xbb: {  	s3 =	sand.u32 $0x4000, s31;
	s1 =	sadd.s32 s1, s30  }
0xbc: {  	s0 =	sor.u32 s3, s0;
	s1 =	sshll.u32 s1, $0x11  }
0xbd: {  	s0 =	sor.u32 s1, s0  }
0xbe: {  	s0 =	sadd.s32 $0x8F2B, s0  }
0xbf: {  	[sflag:s0] =	ssyncadd.remote.s32 $0x1  }
0xc0: {  	_ =	sfence.sel $0xFFFF  }
0xc1: {  	[dreg:$0x0] =	wrdreg $0xFFFFFFFF;
	(pc) =	sbr.abs _section_cstart, $3  }
0xc2: {  	[dreg:$0x1] =	wrdreg $0xFFFFFFFF  }
0xc3: {  	_ =	task.clear_ibuf [dreg:s8], $0x2FFFF;
	_ =	strace $0x9FFFFFFF  }
0xc4: {  	(tm) =	ssettm $0x7FFFFFFF  }
0xc5: {  	_ =	shalt  }
tec
execute0_lowered:
.L_overlay_start_1:
0x0: {  	(tag) =	ssettag $0x1  }
0x1: {  	v0 =	vimm.s32 $0xFEDCBA9;
	vm15 =	vcmask $0x300  }
0x2: {  	v1 =	vimm.s32 $0xF;
	vm14 =	vcmask $0x704;
	v2 =	vimm.s32 $0x87654321  }
0x3: {  	vm13 =	vcmask $0xB08;
	vm12 =	vcmask $0xF0C;
	vm11 =	vcmask $0x1310  }
0x4: {  	vm10 =	vcmask $0x1714;
	vm9 =	vcmask $0x1B18;
	vm8 =	vcmask $0x1F1C  }
0x5: {  	vm7 =	vcmask $0x2320;
	v4 =	vimm.s32 $0x8F;
	vm5 =	vcmask $0x2724  }
0x6: {  	vm6 =	vcmask $0x2B28;
	vm4 =	vcmask $0x2F2C;
	vm3 =	vcmask $0x3330  }
0x7: {  	vm2 =	vcmask $0x3734;
	vm1 =	vcmask $0x3B38;
	v5 =	vimm.s32 $0x10F  }
0x8: {  	v13 =	vimm.s32 $0xCBA98765;
	v15 =	vimm.s32 $0xDCBA9876;
	v25 =	vimm.s32 $0x100F  }
0x9: {  	v27 =	vimm.s32 $0x108F;
	v29 =	vimm.s32 $0x110F;
	v30 =	vimm.s32 $0x118F  }
0xa: {  	v31 =	vimm.s32 $0x120F;
	v32 =	vimm.s32 $0x128F;
	v33 =	vimm.s32 $0x130F  }
0xb: {  	v34 =	vimm.s32 $0x138F;
	v35 =	vimm.s32 $0x140F;
	v36 =	vimm.s32 $0x148F  }
0xc: {  	v37 =	vimm.s32 $0x150F;
	v38 =	vimm.s32 $0x158F;
	v39 =	vimm.s32 $0x160F  }
0xd: {  	v40 =	vimm.s32 $0x168F;
	v41 =	vimm.s32 $0x170F;
	v42 =	vimm.s32 $0x180F  }
0xe: {  	v43 =	vimm.s32 $0x188F;
	v44 =	vimm.s32 $0x190F;
	v45 =	vimm.s32 $0x198F  }
0xf: {  	v46 =	vimm.s32 $0x1A0F;
	v47 =	vimm.s32 $0x1A8F;
	v48 =	vimm.s32 $0x1B0F  }
0x10: {  	v49 =	vimm.s32 $0x1B8F;
	v50 =	vimm.s32 $0x1C0F;
	v51 =	vimm.s32 $0x1C8F  }
0x11: {  	v52 =	vimm.s32 $0x1D0F;
	v53 =	vimm.s32 $0x1D8F;
	v54 =	vimm.s32 $0x1E0F  }
0x12: {  	v55 =	vimm.s32 $0x1E8F;
	v56 =	vimm.s32 $0x1F0F;
	v57 =	vimm.s32 $0x11101F1E  }
0x13: {  	v60 =	vimm.s32 $0x15141312;
	v61 =	vimm.s32 $0x19181716;
	v59 =	vimm.s32 $0x16151413  }
0x14: {  	v0 =	vunpack.c.l.s4.s8 v0;
	v1 =	vsel vm15, $0x80, v1;
	v2 =	vunpack.c.l.s4.s8 v2  }
0x15: {  	v4 =	vsel vm15, $0x100, v4;
	v5 =	vsel vm15, $0x180, v5;
	v14 =	vunpack.c.l.s4.s8 v13  }
0x16: {  	v15 =	vunpack.c.l.s4.s8 v15;
	v25 =	vsel vm15, $0x1080, v25;
	v27 =	vsel vm15, $0x1100, v27  }
0x17: {  	v29 =	vsel vm15, $0x1180, v29;
	v30 =	vsel vm15, $0x1200, v30;
	v31 =	vsel vm15, $0x1280, v31  }
0x18: {  	v32 =	vsel vm15, $0x1300, v32;
	v33 =	vsel vm15, $0x1380, v33;
	v34 =	vsel vm15, $0x1400, v34  }
0x19: {  	v35 =	vsel vm15, $0x1480, v35;
	v36 =	vsel vm15, $0x1500, v36;
	v37 =	vsel vm15, $0x1580, v37  }
0x1a: {  	v38 =	vsel vm15, $0x1600, v38;
	v39 =	vsel vm15, $0x1680, v39;
	v40 =	vsel vm15, $0x1700, v40  }
0x1b: {  	v41 =	vsel vm15, $0x1780, v41;
	v42 =	vsel vm15, $0x1880, v42;
	v43 =	vsel vm15, $0x1900, v43  }
0x1c: {  	v44 =	vsel vm15, $0x1980, v44;
	v45 =	vsel vm15, $0x1A00, v45;
	v46 =	vsel vm15, $0x1A80, v46  }
0x1d: {  	v47 =	vsel vm15, $0x1B00, v47;
	v48 =	vsel vm15, $0x1B80, v48;
	v49 =	vsel vm15, $0x1C00, v49  }
0x1e: {  	v50 =	vsel vm15, $0x1C80, v50;
	v51 =	vsel vm15, $0x1D00, v51;
	v52 =	vsel vm15, $0x1D80, v52  }
0x1f: {  	v53 =	vsel vm15, $0x1E00, v53;
	v54 =	vsel vm15, $0x1E80, v54;
	v55 =	vsel vm15, $0x1F00, v55  }
0x20: {  	v56 =	vsel vm15, $0x1F80, v56;
	v1 =	vsel vm14, $0x101, v1;
	v4 =	vsel vm14, $0x181, v4  }
0x21: {  	v25 =	vsel vm14, $0x1101, v25;
	v27 =	vsel vm14, $0x1181, v27;
	v29 =	vsel vm14, $0x1201, v29  }
0x22: {  	v30 =	vsel vm14, $0x1281, v30;
	v31 =	vsel vm14, $0x1301, v31;
	v32 =	vsel vm14, $0x1381, v32  }
0x23: {  	v33 =	vsel vm14, $0x1401, v33;
	v34 =	vsel vm14, $0x1481, v34;
	v35 =	vsel vm14, $0x1501, v35  }
0x24: {  	v36 =	vsel vm14, $0x1581, v36;
	v37 =	vsel vm14, $0x1601, v37;
	v38 =	vsel vm14, $0x1681, v38  }
0x25: {  	v39 =	vsel vm14, $0x1701, v39;
	v40 =	vsel vm14, $0x1781, v40;
	v41 =	vsel vm14, $0x1001, v41  }
0x26: {  	v42 =	vsel vm14, $0x1901, v42;
	v43 =	vsel vm14, $0x1981, v43;
	v44 =	vsel vm14, $0x1A01, v44  }
0x27: {  	v45 =	vsel vm14, $0x1A81, v45;
	v46 =	vsel vm14, $0x1B01, v46;
	v47 =	vsel vm14, $0x1B81, v47  }
0x28: {  	v48 =	vsel vm14, $0x1C01, v48;
	v49 =	vsel vm14, $0x1C81, v49;
	v50 =	vsel vm14, $0x1D01, v50  }
0x29: {  	v51 =	vsel vm14, $0x1D81, v51;
	v52 =	vsel vm14, $0x1E01, v52;
	v53 =	vsel vm14, $0x1E81, v53  }
0x2a: {  	v54 =	vsel vm14, $0x1F01, v54;
	v55 =	vsel vm14, $0x1F81, v55;
	v56 =	vsel vm14, $0x1801, v56  }
0x2b: {  	v1 =	vsel vm13, $0x182, v1;
	v0 =	vunpack.c.0.s8.s32 v0;
	v4 =	vsel vm13, $0x202, v4  }
0x2c: {  	v19 =	vunpack.c.0.s8.s32 v14;
	v23 =	vunpack.c.0.s8.s32 v15;
	v15 =	vimm.s32 $0xEDCBA987  }
0x2d: {  	v25 =	vsel vm13, $0x1182, v25;
	v27 =	vsel vm13, $0x1202, v27;
	v29 =	vsel vm13, $0x1282, v29  }
0x2e: {  	v30 =	vsel vm13, $0x1302, v30;
	v31 =	vsel vm13, $0x1382, v31;
	v32 =	vsel vm13, $0x1402, v32  }
0x2f: {  	v33 =	vsel vm13, $0x1482, v33;
	v34 =	vsel vm13, $0x1502, v34;
	v35 =	vsel vm13, $0x1582, v35  }
0x30: {  	v36 =	vsel vm13, $0x1602, v36;
	v37 =	vsel vm13, $0x1682, v37;
	v38 =	vsel vm13, $0x1702, v38  }
0x31: {  	v39 =	vsel vm13, $0x1782, v39;
	v40 =	vsel vm13, $0x1002, v40;
	v41 =	vsel vm13, $0x1082, v41  }
0x32: {  	v42 =	vsel vm13, $0x1982, v42;
	v43 =	vsel vm13, $0x1A02, v43;
	v44 =	vsel vm13, $0x1A82, v44  }
0x33: {  	v45 =	vsel vm13, $0x1B02, v45;
	v46 =	vsel vm13, $0x1B82, v46;
	v47 =	vsel vm13, $0x1C02, v47  }
0x34: {  	v48 =	vsel vm13, $0x1C82, v48;
	v49 =	vsel vm13, $0x1D02, v49;
	v50 =	vsel vm13, $0x1D82, v50  }
0x35: {  	v51 =	vsel vm13, $0x1E02, v51;
	v52 =	vsel vm13, $0x1E82, v52;
	v3 =	vsel vm12, $0x203, v1  }
0x36: {  	v53 =	vsel vm13, $0x1F02, v53;
	v1 =	vunpack.c.0.s8.s32 v2;
	v2 =	vsel vm11, $0x284, v3  }
0x37: {  	v54 =	vsel vm13, $0x1F82, v54;
	v55 =	vsel vm13, $0x1802, v55;
	v2 =	vsel vm10, $0x305, v2  }
0x38: {  	v56 =	vsel vm13, $0x1882, v56;
	v4 =	vsel vm12, $0x283, v4;
	v2 =	vsel vm9, $0x386, v2  }
0x39: {  	v16 =	vunpack.c.l.s4.s8 v15;
	v62 =	vsel vm12, $0x1803, v54;
	v2 =	vsel vm8, $0x407, v2  }
0x3a: {  	v63 =	vsel vm12, $0x1883, v55;
	v4 =	vsel vm11, $0x304, v4;
	v2 =	vsel vm7, $0x488, v2  }
0x3b: {  	v54 =	vsel vm11, $0x1904, v63;
	v3 =	vcombine.low v1, v0;
	v2 =	vsel vm5, $0x509, v2  }
0x3c: {  	v17 =	vunpack.c.0.s8.s32 v16;
	v0 =	vcombine.low v0, v1;
	v2 =	vsel vm6, $0x58A, v2  }
0x3d: {  	v54 =	vsel vm10, $0x1985, v54;
	v3 =	vand.u32 $0xF, v3;
	v2 =	vsel vm4, $0x60B, v2  }
0x3e: {  	v54 =	vsel vm9, $0x1A06, v54;
	[tilespmem:$0x1FBD0] =	vst v3;
	v3 =	vsel vm10, $0x385, v4;
	v2 =	vsel vm3, $0x68C, v2  }
0x3f: {  	v0 =	vand.u32 $0xF, v0;
	v3 =	vsel vm9, $0x406, v3;
	v2 =	vsel vm2, $0x70D, v2  }
0x40: {  	v4 =	vimm.s32 $0x10FEDCBA;
	v3 =	vsel vm8, $0x487, v3;
	v2 =	vsel vm1, $0x78E, v2  }
0x41: {  	v3 =	vsel vm7, $0x508, v3;
	[tilespmem:$0x1FA40] =	vst v2;
	v2 =	vunpack.c.l.s4.s8 v4;
	v4 =	vimm.s32 $0x98765432  }
0x42: {  	v54 =	vsel vm8, $0x1A87, v54;
	v3 =	vsel vm5, $0x589, v3;
	v4 =	vunpack.c.l.s4.s8 v4  }
0x43: {  	v54 =	vsel vm7, $0x1B08, v54;
	v7 =	vunpack.c.0.s8.s32 v2;
	v2 =	vsel vm6, $0x60A, v3  }
0x44: {  	v3 =	vsel vm14, $0x201, v5;
	v5 =	vimm.s32 $0xA9876543;
	v11 =	vunpack.c.0.s8.s32 v4  }
0x45: {  	v2 =	vsel vm4, $0x68B, v2;
	v3 =	vsel vm13, $0x282, v3;
	v4 =	vimm.s32 $0x210FEDCB  }
0x46: {  	v5 =	vunpack.c.l.s4.s8 v5;
	v3 =	vsel vm12, $0x303, v3;
	v4 =	vunpack.c.l.s4.s8 v4  }
0x47: {  	v8 =	vsel vm3, $0x70C, v2;
	v3 =	vsel vm11, $0x384, v3;
	v6 =	vcombine.low v11, v7  }
0x48: {  	v9 =	vsel vm10, $0x405, v3;
	v2 =	vunpack.c.0.s8.s32 v4;
	v3 =	vunpack.c.0.s8.s32 v5  }
0x49: {  	v4 =	vsel vm9, $0x486, v9;
	v5 =	vand.u32 $0xF, v6;
	v9 =	vimm.s32 $0xBA987654  }
0x4a: {  	[tilespmem:$0x1FD40] =	vst v5;
	v5 =	vsel vm2, $0x78D, v8;
	v4 =	vsel vm8, $0x507, v4;
	v6 =	vcombine.low v3, v2  }
0x4b: {  	v8 =	vimm.s32 $0x18F;
	v9 =	vunpack.c.l.s4.s8 v9;
	v2 =	vcombine.low v2, v3  }
0x4c: {  	v4 =	vsel vm7, $0x588, v4;
	v5 =	vsel vm1, $0xE, v5;
	v8 =	vsel vm15, $0x200, v8  }
0x4d: {  	[tilespmem:$0x1FD20] =	vst v5;
	v5 =	vsel vm5, $0x609, v4;
	v4 =	vand.u32 $0xF, v6;
	v6 =	vsel vm14, $0x281, v8  }
0x4e: {  	v8 =	vimm.s32 $0x3210FEDC;
	v9 =	vunpack.c.0.s8.s32 v9;
	v2 =	vand.u32 $0xF, v2  }
0x4f: {  	v5 =	vsel vm6, $0x68A, v5;
	v6 =	vsel vm13, $0x302, v6;
	v8 =	vunpack.c.l.s4.s8 v8  }
0x50: {  	[tilespmem:$0x1FAC0] =	vst v2;
	v2 =	vimm.s32 $0x60F;
	v5 =	vsel vm4, $0x70B, v5;
	v6 =	vsel vm12, $0x383, v6  }
0x51: {  	v2 =	vsel vm15, $0x680, v2;
	v10 =	vsel vm3, $0x78C, v5;
	v6 =	vsel vm11, $0x404, v6  }
0x52: {  	v5 =	vunpack.c.0.s8.s32 v8;
	v8 =	vimm.s32 $0x20F;
	v2 =	vsel vm14, $0x701, v2  }
0x53: {  	v6 =	vsel vm10, $0x485, v6;
	v8 =	vsel vm15, $0x280, v8;
	v10 =	vsel vm2, $0xD, v10  }
0x54: {  	v6 =	vsel vm9, $0x506, v6;
	v8 =	vsel vm14, $0x301, v8;
	v12 =	vcombine.low v9, v5  }
0x55: {  	[tilespmem:$0x1FD80] =	vst v4;
	v4 =	vsel vm1, $0x8E, v10;
	v6 =	vsel vm8, $0x587, v6;
	v8 =	vsel vm13, $0x382, v8  }
0x56: {  	[tilespmem:$0x1FA50] =	vst v4;
	v6 =	vsel vm7, $0x608, v6;
	v8 =	vsel vm12, $0x403, v8;
	v4 =	vand.u32 $0xF, v12  }
0x57: {  	v12 =	vimm.s32 $0x43210FED;
	v10 =	vsel vm5, $0x689, v6;
	v8 =	vsel vm11, $0x484, v8  }
0x58: {  	v12 =	vunpack.c.l.s4.s8 v12;
	v10 =	vsel vm6, $0x70A, v10;
	v8 =	vsel vm10, $0x505, v8  }
0x59: {  	v2 =	vsel vm13, $0x782, v2;
	v10 =	vsel vm4, $0x78B, v10;
	v8 =	vsel vm9, $0x586, v8  }
0x5a: {  	v13 =	vunpack.c.0.s8.s32 v12;
	v12 =	vimm.s32 $0x28F;
	v8 =	vsel vm8, $0x607, v8  }
0x5b: {  	v10 =	vsel vm3, $0xC, v10;
	v12 =	vsel vm15, $0x300, v12;
	v8 =	vsel vm7, $0x688, v8  }
0x5c: {  	v10 =	vsel vm2, $0x8D, v10;
	v12 =	vsel vm14, $0x381, v12;
	v8 =	vsel vm5, $0x709, v8  }
0x5d: {  	v14 =	vcombine.low v19, v13;
	v12 =	vsel vm13, $0x402, v12;
	v8 =	vsel vm6, $0x78A, v8  }
0x5e: {  	[tilespmem:$0x1FBB0] =	vst v4;
	v4 =	vsel vm1, $0x10E, v10;
	v12 =	vsel vm12, $0x483, v12;
	v8 =	vsel vm4, $0xB, v8  }
0x5f: {  	[tilespmem:$0x1FDB0] =	vst v4;
	v4 =	vand.u32 $0xF, v14;
	v14 =	vimm.s32 $0x543210FE;
	v10 =	vsel vm3, $0x8C, v8  }
0x60: {  	v12 =	vsel vm11, $0x504, v12;
	v14 =	vunpack.c.l.s4.s8 v14;
	v10 =	vsel vm2, $0x10D, v10  }
0x61: {  	[tilespmem:$0x1FD10] =	vst v4;
	v4 =	vsel vm1, $0x18E, v10;
	v10 =	vsel vm10, $0x585, v12;
	v12 =	vimm.s32 $0x30F  }
0x62: {  	v7 =	vcombine.low v7, v11;
	v2 =	vsel vm12, $0x3, v2;
	v12 =	vsel vm15, $0x380, v12  }
0x63: {  	v21 =	vunpack.c.0.s8.s32 v14;
	v10 =	vsel vm9, $0x606, v10;
	v12 =	vsel vm14, $0x401, v12  }
0x64: {  	v14 =	vimm.s32 $0x6543210F;
	v10 =	vsel vm8, $0x687, v10;
	v12 =	vsel vm13, $0x482, v12  }
0x65: {  	v14 =	vunpack.c.l.s4.s8 v14;
	v10 =	vsel vm7, $0x708, v10;
	v12 =	vsel vm12, $0x503, v12  }
0x66: {  	v18 =	vcombine.low v23, v21;
	v10 =	vsel vm5, $0x789, v10;
	v12 =	vsel vm11, $0x584, v12  }
0x67: {  	v15 =	vunpack.c.0.s8.s32 v14;
	v10 =	vsel vm6, $0xA, v10;
	v12 =	vsel vm10, $0x605, v12  }
0x68: {  	[tilespmem:$0x1FDE0] =	vst v4;
	v4 =	vand.u32 $0xF, v18;
	v10 =	vsel vm4, $0x8B, v10;
	v12 =	vsel vm9, $0x686, v12  }
0x69: {  	v18 =	vimm.s32 $0x38F;
	v20 =	vsel vm3, $0x10C, v10;
	v12 =	vsel vm8, $0x707, v12  }
0x6a: {  	v16 =	vcombine.low v17, v15;
	v14 =	vsel vm2, $0x18D, v20;
	v10 =	vsel vm7, $0x788, v12  }
0x6b: {  	[tilespmem:$0x1FA60] =	vst v4;
	v18 =	vsel vm15, $0x400, v18;
	v4 =	vsel vm1, $0x20E, v14;
	v12 =	vsel vm5, $0x9, v10  }
0x6c: {  	[tilespmem:$0x1FE10] =	vst v4;
	v4 =	vand.u32 $0xF, v16;
	v16 =	vsel vm14, $0x481, v18;
	v12 =	vsel vm6, $0x8A, v12  }
0x6d: {  	v20 =	vimm.s32 $0x40F;
	v16 =	vsel vm13, $0x502, v16;
	v12 =	vsel vm4, $0x10B, v12  }
0x6e: {  	v18 =	vimm.s32 $0xFEDCBA98;
	v16 =	vsel vm12, $0x583, v16;
	v14 =	vsel vm3, $0x18C, v12  }
0x6f: {  	v18 =	vunpack.c.l.s4.s8 v18;
	v16 =	vsel vm11, $0x604, v16;
	v14 =	vsel vm2, $0x20D, v14  }
0x70: {  	[tilespmem:$0x1FA70] =	vst v4;
	v16 =	vsel vm10, $0x685, v16;
	v4 =	vsel vm1, $0x28E, v14;
	v14 =	vimm.s32 $0x76543210  }
0x71: {  	v20 =	vsel vm15, $0x480, v20;
	v16 =	vsel vm9, $0x706, v16;
	v14 =	vunpack.c.l.s4.s8 v14  }
0x72: {  	v20 =	vsel vm14, $0x501, v20;
	v18 =	vunpack.c.0.s8.s32 v18;
	v16 =	vsel vm8, $0x787, v16  }
0x73: {  	v20 =	vsel vm13, $0x582, v20;
	v16 =	vsel vm7, $0x8, v16;
	v14 =	vunpack.c.0.s8.s32 v14  }
0x74: {  	v20 =	vsel vm12, $0x603, v20;
	v18 =	vand.u32 $0xF, v18;
	v16 =	vsel vm5, $0x89, v16  }
0x75: {  	v20 =	vsel vm11, $0x684, v20;
	[tilespmem:$0x1FA80] =	vst v4;
	v16 =	vsel vm6, $0x10A, v16;
	v4 =	vcombine.low v18, v14  }
0x76: {  	v18 =	vsel vm10, $0x705, v20;
	v20 =	vimm.s32 $0x48F;
	v16 =	vsel vm4, $0x18B, v16  }
0x77: {  	v18 =	vsel vm9, $0x786, v18;
	v20 =	vsel vm15, $0x500, v20;
	v16 =	vsel vm3, $0x20C, v16  }
0x78: {  	v18 =	vsel vm8, $0x7, v18;
	v20 =	vsel vm14, $0x581, v20;
	v16 =	vsel vm2, $0x28D, v16  }
0x79: {  	[tilespmem:$0x1FA90] =	vst v4;
	v18 =	vsel vm7, $0x88, v18;
	v20 =	vsel vm13, $0x602, v20;
	v4 =	vsel vm1, $0x30E, v16  }
0x7a: {  	v18 =	vsel vm5, $0x109, v18;
	[tilespmem:$0x1FE40] =	vst v4;
	v4 =	vand.u32 $0xF, v7;
	v7 =	vimm.s32 $0x58F  }
0x7b: {  	v1 =	vsel vm6, $0x18A, v18;
	v18 =	vsel vm12, $0x683, v20;
	v7 =	vsel vm15, $0x600, v7  }
0x7c: {  	[tilespmem:$0x1FAB0] =	vst v4;
	v4 =	vunpack.c.0.s8.s32 v57;
	v1 =	vsel vm4, $0x20B, v1;
	v18 =	vsel vm11, $0x704, v18  }
0x7d: {  	[tilespmem:$0x1FAA0] =	vst v0;
	v7 =	vsel vm14, $0x681, v7;
	v0 =	vsel vm3, $0x28C, v1;
	v1 =	vsel vm10, $0x785, v18  }
0x7e: {  	v18 =	vimm.s32 $0x50F;
	v7 =	vsel vm13, $0x702, v7;
	[tilespmem:$0x1FEC0] =	vst v4;
	v4 =	vunpack.c.0.s8.s32 v60  }
0x7f: {  	v60 =	vsel vm12, $0x1903, v56;
	v0 =	vsel vm2, $0x30D, v0;
	v1 =	vsel vm9, $0x6, v1  }
0x80: {  	v11 =	vsel vm15, $0x580, v18;
	v3 =	vsel vm12, $0x783, v7;
	v7 =	vimm.s32 $0xB0F  }
0x81: {  	v55 =	vsel vm11, $0x1984, v60;
	v1 =	vsel vm8, $0x87, v1;
	v0 =	vsel vm1, $0x38E, v0  }
0x82: {  	v7 =	vsel vm15, $0xB80, v7;
	[tilespmem:$0x1FEA0] =	vst v4;
	v4 =	vunpack.c.0.s8.s32 v61;
	v61 =	vimm.s32 $0x1E1D1C1B  }
0x83: {  	v55 =	vsel vm10, $0x1A05, v55;
	[tilespmem:$0x1FE60] =	vst v0;
	v0 =	vsel vm7, $0x108, v1;
	v1 =	vsel vm14, $0x601, v11  }
0x84: {  	v11 =	vimm.s32 $0xC0F;
	v7 =	vsel vm14, $0xC01, v7;
	v56 =	vunpack.c.0.s8.s32 v61  }
0x85: {  	v55 =	vsel vm9, $0x1A86, v55;
	v0 =	vsel vm5, $0x189, v0;
	v1 =	vsel vm13, $0x682, v1  }
0x86: {  	v61 =	vimm.s32 $0x1A191817;
	v0 =	vsel vm6, $0x20A, v0;
	v1 =	vsel vm12, $0x703, v1  }
0x87: {  	v11 =	vsel vm15, $0xC80, v11;
	v0 =	vsel vm4, $0x28B, v0;
	v1 =	vsel vm11, $0x784, v1  }
0x88: {  	v7 =	vsel vm13, $0xC82, v7;
	v0 =	vsel vm3, $0x30C, v0;
	v1 =	vsel vm10, $0x5, v1  }
0x89: {  	v55 =	vsel vm8, $0x1B07, v55;
	v0 =	vsel vm2, $0x38D, v0;
	v1 =	vsel vm9, $0x86, v1  }
0x8a: {  	v11 =	vsel vm14, $0xD01, v11;
	v1 =	vsel vm8, $0x107, v1;
	v0 =	vsel vm1, $0x40E, v0  }
0x8b: {  	v55 =	vsel vm7, $0x1B88, v55;
	v11 =	vsel vm13, $0xD82, v11;
	[tilespmem:$0x1FC30] =	vst v0;
	v0 =	vsel vm7, $0x188, v1  }
0x8c: {  	v1 =	vsel vm11, $0x4, v3;
	v3 =	vcombine.low v5, v9;
	v5 =	vimm.s32 $0xA8F  }
0x8d: {  	v9 =	vimm.s32 $0xB8F;
	v0 =	vsel vm5, $0x209, v0;
	v1 =	vsel vm10, $0x85, v1  }
0x8e: {  	v5 =	vsel vm15, $0xB00, v5;
	v0 =	vsel vm6, $0x28A, v0;
	v1 =	vsel vm9, $0x106, v1  }
0x8f: {  	v9 =	vsel vm15, $0xC00, v9;
	v0 =	vsel vm4, $0x30B, v0;
	v1 =	vsel vm8, $0x187, v1  }
0x90: {  	v5 =	vsel vm14, $0xB81, v5;
	v0 =	vsel vm3, $0x38C, v0;
	v1 =	vsel vm7, $0x208, v1  }
0x91: {  	v9 =	vsel vm14, $0xC81, v9;
	v0 =	vsel vm2, $0x40D, v0;
	v1 =	vsel vm5, $0x289, v1  }
0x92: {  	v5 =	vsel vm13, $0xC02, v5;
	v1 =	vsel vm6, $0x30A, v1;
	v0 =	vsel vm1, $0x48E, v0  }
0x93: {  	v9 =	vsel vm13, $0xD02, v9;
	[tilespmem:$0x1FAD0] =	vst v0;
	v0 =	vsel vm4, $0x38B, v1;
	v1 =	vsel vm11, $0x84, v2  }
0x94: {  	v2 =	vand.u32 $0xF, v3;
	v3 =	vcombine.low v21, v23;
	v21 =	vimm.s32 $0xE8F  }
0x95: {  	v23 =	vimm.s32 $0xF0F;
	v0 =	vsel vm3, $0x40C, v0;
	v1 =	vsel vm10, $0x105, v1  }
0x96: {  	[tilespmem:$0x1FAE0] =	vst v2;
	v2 =	vcombine.low v13, v19;
	v13 =	vimm.s32 $0xC8F;
	v19 =	vimm.s32 $0xE0F  }
0x97: {  	v21 =	vsel vm15, $0xF00, v21;
	v23 =	vsel vm15, $0xF80, v23;
	v0 =	vsel vm2, $0x48D, v0  }
0x98: {  	v1 =	vsel vm9, $0x186, v1;
	v13 =	vsel vm15, $0xD00, v13;
	v19 =	vsel vm15, $0xE80, v19  }
0x99: {  	v21 =	vsel vm14, $0xF81, v21;
	v23 =	vsel vm14, $0x801, v23;
	v0 =	vsel vm1, $0x50E, v0  }
0x9a: {  	v2 =	vand.u32 $0xF, v2;
	v13 =	vsel vm14, $0xD81, v13;
	v19 =	vsel vm14, $0xF01, v19  }
0x9b: {  	v21 =	vsel vm13, $0x802, v21;
	[tilespmem:$0x1FE90] =	vst v0;
	v0 =	vsel vm8, $0x207, v1;
	v1 =	vimm.s32 $0x68F  }
0x9c: {  	v23 =	vsel vm13, $0x882, v23;
	v0 =	vsel vm7, $0x288, v0;
	v1 =	vsel vm15, $0x700, v1  }
0x9d: {  	[tilespmem:$0x1FAF0] =	vst v2;
	v2 =	vimm.s32 $0x70F;
	v0 =	vsel vm5, $0x309, v0;
	v1 =	vsel vm14, $0x781, v1  }
0x9e: {  	v13 =	vsel vm13, $0xE02, v13;
	v0 =	vsel vm6, $0x38A, v0;
	v1 =	vsel vm13, $0x2, v1  }
0x9f: {  	v2 =	vsel vm15, $0x780, v2;
	v0 =	vsel vm4, $0x40B, v0;
	v1 =	vsel vm12, $0x83, v1  }
0xa0: {  	v2 =	vsel vm14, $0x1, v2;
	v0 =	vsel vm3, $0x48C, v0;
	v1 =	vsel vm11, $0x104, v1  }
0xa1: {  	v2 =	vsel vm13, $0x82, v2;
	v0 =	vsel vm2, $0x50D, v0;
	v1 =	vsel vm10, $0x185, v1  }
0xa2: {  	v2 =	vsel vm12, $0x103, v2;
	v1 =	vsel vm9, $0x206, v1;
	v0 =	vsel vm1, $0x58E, v0  }
0xa3: {  	v19 =	vsel vm13, $0xF82, v19;
	v2 =	vsel vm11, $0x184, v2;
	[tilespmem:$0x1FEB0] =	vst v0;
	v0 =	vsel vm8, $0x287, v1  }
0xa4: {  	v1 =	vsel vm10, $0x205, v2;
	v2 =	vand.u32 $0xF, v3;
	v3 =	vcombine.low v15, v17  }
0xa5: {  	v15 =	vimm.s32 $0xD0F;
	v0 =	vsel vm7, $0x308, v0;
	v1 =	vsel vm9, $0x286, v1  }
0xa6: {  	v17 =	vimm.s32 $0xD8F;
	v0 =	vsel vm5, $0x389, v0;
	v1 =	vsel vm8, $0x307, v1  }
0xa7: {  	[tilespmem:$0x1FB00] =	vst v2;
	v2 =	vimm.s32 $0x80F;
	v0 =	vsel vm6, $0x40A, v0;
	v1 =	vsel vm7, $0x388, v1  }
0xa8: {  	v2 =	vsel vm15, $0x880, v2;
	v0 =	vsel vm4, $0x48B, v0;
	v1 =	vsel vm5, $0x409, v1  }
0xa9: {  	v2 =	vsel vm14, $0x901, v2;
	v0 =	vsel vm3, $0x50C, v0;
	v1 =	vsel vm6, $0x48A, v1  }
0xaa: {  	v2 =	vsel vm13, $0x982, v2;
	v0 =	vsel vm2, $0x58D, v0;
	v1 =	vsel vm4, $0x50B, v1  }
0xab: {  	v2 =	vsel vm12, $0xA03, v2;
	v1 =	vsel vm3, $0x58C, v1;
	v0 =	vsel vm1, $0x60E, v0  }
0xac: {  	v15 =	vsel vm15, $0xD80, v15;
	v2 =	vsel vm11, $0xA84, v2;
	[tilespmem:$0x1FD90] =	vst v0;
	v0 =	vsel vm2, $0x60D, v1  }
0xad: {  	v17 =	vsel vm15, $0xE00, v17;
	v1 =	vsel vm10, $0xB05, v2;
	v0 =	vsel vm1, $0x68E, v0  }
0xae: {  	v15 =	vsel vm14, $0xE01, v15;
	v17 =	vsel vm14, $0xE81, v17;
	[tilespmem:$0x1FD50] =	vst v0;
	v0 =	vsel vm9, $0xB86, v1  }
0xaf: {  	v15 =	vsel vm13, $0xE82, v15;
	v17 =	vsel vm13, $0xF02, v17;
	v0 =	vsel vm8, $0xC07, v0  }
0xb0: {  	v2 =	vand.u32 $0xF, v3;
	v1 =	vimm.s32 $0x1C1B1A19;
	v0 =	vsel vm7, $0xC88, v0  }
0xb1: {  	v28 =	vunpack.c.0.s8.s32 v1;
	v1 =	vimm.s32 $0x101F1E1D;
	v0 =	vsel vm5, $0xD09, v0  }
0xb2: {  	v58 =	vunpack.c.0.s8.s32 v1;
	v1 =	vimm.s32 $0x88F;
	v0 =	vsel vm6, $0xD8A, v0  }
0xb3: {  	v3 =	vimm.s32 $0xA0F;
	v1 =	vsel vm15, $0x900, v1;
	v0 =	vsel vm4, $0xE0B, v0  }
0xb4: {  	[tilespmem:$0x1FB10] =	vst v2;
	v2 =	vimm.s32 $0x14131211;
	v1 =	vsel vm14, $0x981, v1;
	v0 =	vsel vm3, $0xE8C, v0  }
0xb5: {  	v3 =	vsel vm15, $0xA80, v3;
	v1 =	vsel vm13, $0xA02, v1;
	v0 =	vsel vm2, $0xF0D, v0  }
0xb6: {  	v2 =	vunpack.c.0.s8.s32 v2;
	v1 =	vsel vm12, $0xA83, v1;
	v0 =	vsel vm1, $0xF8E, v0  }
0xb7: {  	v3 =	vsel vm14, $0xB01, v3;
	[tilespmem:$0x1FB20] =	vst v0;
	v0 =	vsel vm11, $0xB04, v1;
	v1 =	vimm.s32 $0x90F  }
0xb8: {  	[tilespmem:$0x1FDF0] =	vst v2;
	v2 =	vimm.s32 $0x18171615;
	v0 =	vsel vm10, $0xB85, v0;
	v1 =	vsel vm15, $0x980, v1  }
0xb9: {  	v16 =	vunpack.c.0.s8.s32 v2;
	v0 =	vsel vm9, $0xC06, v0;
	v1 =	vsel vm14, $0xA01, v1  }
0xba: {  	v2 =	vimm.s32 $0x1D1C1B1A;
	v0 =	vsel vm8, $0xC87, v0;
	v1 =	vsel vm13, $0xA82, v1  }
0xbb: {  	v2 =	vunpack.c.0.s8.s32 v2;
	v0 =	vsel vm7, $0xD08, v0;
	v1 =	vsel vm12, $0xB03, v1  }
0xbc: {  	v3 =	vsel vm13, $0xB82, v3;
	v0 =	vsel vm5, $0xD89, v0;
	v1 =	vsel vm11, $0xB84, v1  }
0xbd: {  	[tilespmem:$0x1FD00] =	vst v2;
	v2 =	vimm.s32 $0x98F;
	v0 =	vsel vm6, $0xE0A, v0;
	v1 =	vsel vm10, $0xC05, v1  }
0xbe: {  	v2 =	vsel vm15, $0xA00, v2;
	v0 =	vsel vm4, $0xE8B, v0;
	v1 =	vsel vm9, $0xC86, v1  }
0xbf: {  	v2 =	vsel vm14, $0xA81, v2;
	v0 =	vsel vm3, $0xF0C, v0;
	v1 =	vsel vm8, $0xD07, v1  }
0xc0: {  	v2 =	vsel vm13, $0xB02, v2;
	v0 =	vsel vm2, $0xF8D, v0;
	v1 =	vsel vm7, $0xD88, v1  }
0xc1: {  	v2 =	vsel vm12, $0xB83, v2;
	v6 =	vsel vm1, $0x80E, v0;
	v0 =	vsel vm5, $0xE09, v1  }
0xc2: {  	v1 =	vsel vm11, $0xC04, v2;
	v2 =	vsel vm12, $0xC03, v3;
	v3 =	vsel vm12, $0xC83, v5  }
0xc3: {  	v5 =	vsel vm12, $0xD03, v7;
	v7 =	vsel vm12, $0xD83, v9;
	v9 =	vsel vm12, $0xE03, v11  }
0xc4: {  	v11 =	vsel vm12, $0xE83, v13;
	v13 =	vsel vm12, $0xF03, v15;
	v15 =	vsel vm12, $0xF83, v17  }
0xc5: {  	v17 =	vsel vm12, $0x803, v19;
	v19 =	vsel vm12, $0x883, v21;
	v21 =	vsel vm12, $0x903, v23  }
0xc6: {  	v23 =	vsel vm12, $0x1203, v25;
	v25 =	vsel vm12, $0x1283, v27;
	v27 =	vsel vm12, $0x1303, v29  }
0xc7: {  	v29 =	vsel vm12, $0x1383, v30;
	v30 =	vsel vm12, $0x1403, v31;
	v31 =	vsel vm12, $0x1483, v32  }
0xc8: {  	v32 =	vsel vm12, $0x1503, v33;
	v33 =	vsel vm12, $0x1583, v34;
	v34 =	vsel vm12, $0x1603, v35  }
0xc9: {  	v35 =	vsel vm12, $0x1683, v36;
	v36 =	vsel vm12, $0x1703, v37;
	v37 =	vsel vm12, $0x1783, v38  }
0xca: {  	v38 =	vsel vm12, $0x1003, v39;
	v39 =	vsel vm12, $0x1083, v40;
	v40 =	vsel vm12, $0x1103, v41  }
0xcb: {  	v41 =	vsel vm12, $0x1A03, v42;
	v42 =	vsel vm12, $0x1A83, v43;
	v43 =	vsel vm12, $0x1B03, v44  }
0xcc: {  	v44 =	vsel vm12, $0x1B83, v45;
	v45 =	vsel vm12, $0x1C03, v46;
	v46 =	vsel vm12, $0x1C83, v47  }
0xcd: {  	v47 =	vsel vm12, $0x1D03, v48;
	v48 =	vsel vm12, $0x1D83, v49;
	v49 =	vsel vm12, $0x1E03, v50  }
0xce: {  	v50 =	vsel vm12, $0x1E83, v51;
	v51 =	vsel vm12, $0x1F03, v52;
	v52 =	vsel vm12, $0x1F83, v53  }
0xcf: {  	v53 =	vsel vm11, $0x1884, v62;
	v62 =	vimm.s32 $0x1211101F;
	v0 =	vsel vm6, $0xE8A, v0  }
0xd0: {  	v1 =	vsel vm10, $0xC85, v1;
	v2 =	vsel vm11, $0xC84, v2;
	v3 =	vsel vm11, $0xD04, v3  }
0xd1: {  	v5 =	vsel vm11, $0xD84, v5;
	v7 =	vsel vm11, $0xE04, v7;
	v9 =	vsel vm11, $0xE84, v9  }
0xd2: {  	v11 =	vsel vm11, $0xF04, v11;
	v13 =	vsel vm11, $0xF84, v13;
	v15 =	vsel vm11, $0x804, v15  }
0xd3: {  	v17 =	vsel vm11, $0x884, v17;
	v19 =	vsel vm11, $0x904, v19;
	v21 =	vsel vm11, $0x984, v21  }
0xd4: {  	v23 =	vsel vm11, $0x1284, v23;
	v25 =	vsel vm11, $0x1304, v25;
	v27 =	vsel vm11, $0x1384, v27  }
0xd5: {  	v29 =	vsel vm11, $0x1404, v29;
	v30 =	vsel vm11, $0x1484, v30;
	v31 =	vsel vm11, $0x1504, v31  }
0xd6: {  	v32 =	vsel vm11, $0x1584, v32;
	v33 =	vsel vm11, $0x1604, v33;
	v34 =	vsel vm11, $0x1684, v34  }
0xd7: {  	v35 =	vsel vm11, $0x1704, v35;
	v36 =	vsel vm11, $0x1784, v36;
	v37 =	vsel vm11, $0x1004, v37  }
0xd8: {  	v38 =	vsel vm11, $0x1084, v38;
	v39 =	vsel vm11, $0x1104, v39;
	v40 =	vsel vm11, $0x1184, v40  }
0xd9: {  	v41 =	vsel vm11, $0x1A84, v41;
	v42 =	vsel vm11, $0x1B04, v42;
	v43 =	vsel vm11, $0x1B84, v43  }
0xda: {  	v44 =	vsel vm11, $0x1C04, v44;
	v45 =	vsel vm11, $0x1C84, v45;
	v46 =	vsel vm11, $0x1D04, v46  }
0xdb: {  	v47 =	vsel vm11, $0x1D84, v47;
	v48 =	vsel vm11, $0x1E04, v48;
	v49 =	vsel vm11, $0x1E84, v49  }
0xdc: {  	v50 =	vsel vm11, $0x1F04, v50;
	v51 =	vsel vm11, $0x1F84, v51;
	v52 =	vsel vm11, $0x1804, v52  }
0xdd: {  	[tilespmem:$0x1FB30] =	vst v56;
	v56 =	vunpack.c.0.s8.s32 v62;
	v53 =	vsel vm10, $0x1905, v53;
	v0 =	vsel vm4, $0xF0B, v0  }
0xde: {  	v1 =	vsel vm9, $0xD06, v1;
	v2 =	vsel vm10, $0xD05, v2;
	v3 =	vsel vm10, $0xD85, v3  }
0xdf: {  	v5 =	vsel vm10, $0xE05, v5;
	v7 =	vsel vm10, $0xE85, v7;
	v9 =	vsel vm10, $0xF05, v9  }
0xe0: {  	v11 =	vsel vm10, $0xF85, v11;
	v13 =	vsel vm10, $0x805, v13;
	v15 =	vsel vm10, $0x885, v15  }
0xe1: {  	v17 =	vsel vm10, $0x905, v17;
	v19 =	vsel vm10, $0x985, v19;
	v21 =	vsel vm10, $0xA05, v21  }
0xe2: {  	v23 =	vsel vm10, $0x1305, v23;
	v25 =	vsel vm10, $0x1385, v25;
	v27 =	vsel vm10, $0x1405, v27  }
0xe3: {  	v29 =	vsel vm10, $0x1485, v29;
	v30 =	vsel vm10, $0x1505, v30;
	v31 =	vsel vm10, $0x1585, v31  }
0xe4: {  	v32 =	vsel vm10, $0x1605, v32;
	v33 =	vsel vm10, $0x1685, v33;
	v34 =	vsel vm10, $0x1705, v34  }
0xe5: {  	v35 =	vsel vm10, $0x1785, v35;
	v36 =	vsel vm10, $0x1005, v36;
	v37 =	vsel vm10, $0x1085, v37  }
0xe6: {  	v38 =	vsel vm10, $0x1105, v38;
	v39 =	vsel vm10, $0x1185, v39;
	v40 =	vsel vm10, $0x1205, v40  }
0xe7: {  	v41 =	vsel vm10, $0x1B05, v41;
	v63 =	vsel vm10, $0x1B85, v42;
	v43 =	vsel vm10, $0x1C05, v43  }
0xe8: {  	v44 =	vsel vm10, $0x1C85, v44;
	v45 =	vsel vm10, $0x1D05, v45;
	v46 =	vsel vm10, $0x1D85, v46  }
0xe9: {  	v47 =	vsel vm10, $0x1E05, v47;
	v48 =	vsel vm10, $0x1E85, v48;
	v49 =	vsel vm10, $0x1F05, v49  }
0xea: {  	v50 =	vsel vm10, $0x1F85, v50;
	v51 =	vsel vm10, $0x1805, v51;
	v52 =	vsel vm10, $0x1885, v52  }
0xeb: {  	v42 =	vunpack.c.0.s8.s32 v59;
	v53 =	vsel vm9, $0x1986, v53;
	v0 =	vsel vm3, $0xF8C, v0  }
0xec: {  	v1 =	vsel vm8, $0xD87, v1;
	v2 =	vsel vm9, $0xD86, v2;
	v3 =	vsel vm9, $0xE06, v3  }
0xed: {  	v5 =	vsel vm9, $0xE86, v5;
	v7 =	vsel vm9, $0xF06, v7;
	v9 =	vsel vm9, $0xF86, v9  }
0xee: {  	v11 =	vsel vm9, $0x806, v11;
	v13 =	vsel vm9, $0x886, v13;
	v15 =	vsel vm9, $0x906, v15  }
0xef: {  	v17 =	vsel vm9, $0x986, v17;
	v19 =	vsel vm9, $0xA06, v19;
	v21 =	vsel vm9, $0xA86, v21  }
0xf0: {  	v23 =	vsel vm9, $0x1386, v23;
	v25 =	vsel vm9, $0x1406, v25;
	v27 =	vsel vm9, $0x1486, v27  }
0xf1: {  	v29 =	vsel vm9, $0x1506, v29;
	v30 =	vsel vm9, $0x1586, v30;
	v31 =	vsel vm9, $0x1606, v31  }
0xf2: {  	v32 =	vsel vm9, $0x1686, v32;
	v33 =	vsel vm9, $0x1706, v33;
	v34 =	vsel vm9, $0x1786, v34  }
0xf3: {  	v35 =	vsel vm9, $0x1006, v35;
	v36 =	vsel vm9, $0x1086, v36;
	v37 =	vsel vm9, $0x1106, v37  }
0xf4: {  	v38 =	vsel vm9, $0x1186, v38;
	v39 =	vsel vm9, $0x1206, v39;
	v40 =	vsel vm9, $0x1286, v40  }
0xf5: {  	[tilespmem:$0x1FB40] =	vst v56;
	v41 =	vsel vm9, $0x1B86, v41;
	v56 =	vsel vm9, $0x1C06, v63;
	v60 =	vsel vm9, $0x1C86, v43  }
0xf6: {  	v44 =	vsel vm9, $0x1D06, v44;
	v45 =	vsel vm9, $0x1D86, v45;
	v46 =	vsel vm9, $0x1E06, v46  }
0xf7: {  	v47 =	vsel vm9, $0x1E86, v47;
	v48 =	vsel vm9, $0x1F06, v48;
	v49 =	vsel vm9, $0x1F86, v49  }
0xf8: {  	v50 =	vsel vm9, $0x1806, v50;
	v51 =	vsel vm9, $0x1886, v51;
	v52 =	vsel vm9, $0x1906, v52  }
0xf9: {  	v43 =	vunpack.c.0.s8.s32 v61;
	v53 =	vsel vm8, $0x1A07, v53;
	v63 =	vimm.s32 $0x1F1E1D1C  }
0xfa: {  	v0 =	vsel vm2, $0x80D, v0;
	v1 =	vsel vm7, $0xE08, v1;
	v2 =	vsel vm8, $0xE07, v2  }
0xfb: {  	v3 =	vsel vm8, $0xE87, v3;
	v5 =	vsel vm8, $0xF07, v5;
	v7 =	vsel vm8, $0xF87, v7  }
0xfc: {  	v9 =	vsel vm8, $0x807, v9;
	v11 =	vsel vm8, $0x887, v11;
	v13 =	vsel vm8, $0x907, v13  }
0xfd: {  	v15 =	vsel vm8, $0x987, v15;
	v17 =	vsel vm8, $0xA07, v17;
	v19 =	vsel vm8, $0xA87, v19  }
0xfe: {  	v21 =	vsel vm8, $0xB07, v21;
	v23 =	vsel vm8, $0x1407, v23;
	v25 =	vsel vm8, $0x1487, v25  }
0xff: {  	v27 =	vsel vm8, $0x1507, v27;
	v29 =	vsel vm8, $0x1587, v29;
	v30 =	vsel vm8, $0x1607, v30  }
0x100: {  	v31 =	vsel vm8, $0x1687, v31;
	v32 =	vsel vm8, $0x1707, v32;
	v33 =	vsel vm8, $0x1787, v33  }
0x101: {  	v34 =	vsel vm8, $0x1007, v34;
	v35 =	vsel vm8, $0x1087, v35;
	v36 =	vsel vm8, $0x1107, v36  }
0x102: {  	v37 =	vsel vm8, $0x1187, v37;
	v38 =	vsel vm8, $0x1207, v38;
	v39 =	vsel vm8, $0x1287, v39  }
0x103: {  	v40 =	vsel vm8, $0x1307, v40;
	v41 =	vsel vm8, $0x1C07, v41;
	v56 =	vsel vm8, $0x1C87, v56  }
0x104: {  	v57 =	vsel vm8, $0x1D07, v60;
	v44 =	vsel vm8, $0x1D87, v44;
	v62 =	vsel vm8, $0x1E07, v45  }
0x105: {  	v46 =	vsel vm8, $0x1E87, v46;
	v47 =	vsel vm8, $0x1F07, v47;
	v48 =	vsel vm8, $0x1F87, v48  }
0x106: {  	v49 =	vsel vm8, $0x1807, v49;
	v50 =	vsel vm8, $0x1887, v50;
	v51 =	vsel vm8, $0x1907, v51  }
0x107: {  	[tilespmem:$0x1FB50] =	vst v42;
	v52 =	vsel vm8, $0x1987, v52;
	v53 =	vsel vm7, $0x1A88, v53;
	v42 =	vsel vm1, $0x88E, v0  }
0x108: {  	[tilespmem:$0x1FED0] =	vst v4;
	v4 =	vmovc v58;
	v0 =	vunpack.c.0.s8.s32 v63;
	v44 =	vsel vm7, $0x1E08, v44;
	v58 =	vsel vm7, $0x1F08, v46  }
0x109: {  	v47 =	vsel vm7, $0x1F88, v47;
	v48 =	vsel vm7, $0x1808, v48;
	v49 =	vsel vm7, $0x1888, v49  }
0x10a: {  	[tilespmem:$0x1FB60] =	vst v43;
	v50 =	vsel vm7, $0x1908, v50;
	v51 =	vsel vm7, $0x1988, v51;
	v43 =	vimm.s32 $0x13121110  }
0x10b: {  	v52 =	vsel vm7, $0x1A08, v52;
	v46 =	vunpack.c.0.s8.s32 v43;
	v44 =	vsel vm5, $0x1E89, v44  }
0x10c: {  	v47 =	vsel vm5, $0x1809, v47;
	v48 =	vsel vm5, $0x1889, v48;
	v49 =	vsel vm5, $0x1909, v49  }
0x10d: {  	v50 =	vsel vm5, $0x1989, v50;
	[tilespmem:$0x1FB70] =	vst v0;
	v0 =	vsel vm5, $0xE89, v1;
	v1 =	vsel vm7, $0xE88, v2  }
0x10e: {  	v2 =	vsel vm7, $0xF08, v3;
	v3 =	vsel vm7, $0xF88, v5;
	v5 =	vsel vm7, $0x808, v7  }
0x10f: {  	v7 =	vsel vm7, $0x888, v9;
	v9 =	vsel vm7, $0x908, v11;
	v11 =	vsel vm7, $0x988, v13  }
0x110: {  	v13 =	vsel vm7, $0xA08, v15;
	v15 =	vsel vm7, $0xA88, v17;
	v17 =	vsel vm7, $0xB08, v19  }
0x111: {  	v19 =	vsel vm7, $0xB88, v21;
	v21 =	vsel vm7, $0x1488, v23;
	v23 =	vsel vm7, $0x1508, v25  }
0x112: {  	v25 =	vsel vm7, $0x1588, v27;
	v27 =	vsel vm7, $0x1608, v29;
	v29 =	vsel vm7, $0x1688, v30  }
0x113: {  	v30 =	vsel vm7, $0x1708, v31;
	v31 =	vsel vm7, $0x1788, v32;
	v32 =	vsel vm7, $0x1008, v33  }
0x114: {  	v33 =	vsel vm7, $0x1088, v34;
	v34 =	vsel vm7, $0x1108, v35;
	v35 =	vsel vm7, $0x1188, v36  }
0x115: {  	v36 =	vsel vm7, $0x1208, v37;
	v37 =	vsel vm7, $0x1288, v38;
	v38 =	vsel vm7, $0x1308, v39  }
0x116: {  	v39 =	vsel vm7, $0x1388, v40;
	v40 =	vsel vm7, $0x1C88, v41;
	v41 =	vsel vm7, $0x1D08, v56  }
0x117: {  	v56 =	vsel vm7, $0x1D88, v57;
	v57 =	vsel vm7, $0x1E88, v62;
	v12 =	vsel vm6, $0x1A0A, v50  }
0x118: {  	v0 =	vsel vm6, $0xF0A, v0;
	v1 =	vsel vm5, $0xF09, v1;
	v45 =	vsel vm5, $0x1D09, v40  }
0x119: {  	[tilespmem:$0x1FB80] =	vst v46;
	v46 =	vsel vm5, $0x1D89, v41;
	v43 =	vsel vm5, $0x1E09, v56;
	v40 =	vsel vm6, $0x188A, v47  }
0x11a: {  	v47 =	vsel vm5, $0x1B89, v54;
	v54 =	vimm.s32 $0x1B1A1918;
	v59 =	vsel vm4, $0xF8B, v0  }
0x11b: {  	v60 =	vsel vm6, $0xF8A, v1;
	v0 =	vsel vm5, $0xF89, v2;
	v1 =	vsel vm5, $0x889, v5  }
0x11c: {  	v2 =	vsel vm5, $0xA09, v11;
	v61 =	vsel vm6, $0x80A, v0;
	v0 =	vsel vm5, $0x809, v3  }
0x11d: {  	v56 =	vsel vm6, $0x1E8A, v43;
	v62 =	vsel vm6, $0x88A, v0;
	v0 =	vsel vm5, $0x909, v7  }
0x11e: {  	v43 =	vsel vm5, $0x1A09, v51;
	v51 =	vsel vm5, $0x1C09, v55;
	v0 =	vsel vm6, $0x98A, v0  }
0x11f: {  	v55 =	vunpack.c.0.s8.s32 v54;
	v63 =	vsel vm6, $0x90A, v1;
	v0 =	vsel vm4, $0xA0B, v0  }
0x120: {  	v1 =	vsel vm5, $0x989, v9;
	v2 =	vsel vm6, $0xA8A, v2;
	v0 =	vsel vm3, $0xA8C, v0  }
0x121: {  	v3 =	vsel vm5, $0xB89, v17;
	v11 =	vsel vm6, $0xA0A, v1;
	v0 =	vsel vm2, $0xB0D, v0  }
0x122: {  	v1 =	vsel vm5, $0xA89, v13;
	v11 =	vsel vm4, $0xA8B, v11;
	v0 =	vsel vm1, $0xB8E, v0  }
0x123: {  	v54 =	vsel vm4, $0x98B, v63;
	v2 =	vsel vm4, $0xB0B, v2;
	[tilespmem:$0x1FBE0] =	vst v0;
	v0 =	vsel vm3, $0xB0C, v11  }
0x124: {  	v9 =	vsel vm6, $0xB0A, v1;
	v1 =	vsel vm5, $0xB09, v15;
	v0 =	vsel vm2, $0xB8D, v0  }
0x125: {  	[tilespmem:$0x1FB90] =	vst v55;
	v15 =	vsel vm6, $0xC0A, v3;
	v55 =	vsel vm3, $0xA0C, v54;
	v0 =	vsel vm1, $0xC0E, v0  }
0x126: {  	v17 =	vsel vm6, $0xB8A, v1;
	v9 =	vsel vm4, $0xB8B, v9;
	[tilespmem:$0x1FBF0] =	vst v0;
	v0 =	vsel vm3, $0xB8C, v2  }
0x127: {  	v2 =	vsel vm3, $0xC0C, v9;
	v9 =	vsel vm4, $0xC0B, v17;
	v0 =	vsel vm2, $0xC0D, v0  }
0x128: {  	v1 =	vsel vm5, $0xC09, v19;
	v54 =	vsel vm1, $0xC8E, v0;
	v0 =	vsel vm3, $0xC8C, v9  }
0x129: {  	v19 =	vsel vm6, $0xC8A, v1;
	v2 =	vsel vm2, $0xC8D, v2;
	v0 =	vsel vm2, $0xD0D, v0  }
0x12a: {  	v8 =	vsel vm1, $0xD0E, v2;
	v2 =	vsel vm4, $0xC8B, v15;
	v0 =	vsel vm1, $0xD8E, v0  }
0x12b: {  	v3 =	vsel vm5, $0x1589, v23;
	v9 =	vsel vm4, $0xD0B, v19;
	[tilespmem:$0x1FC00] =	vst v0;
	v0 =	vsel vm3, $0xD0C, v2  }
0x12c: {  	v1 =	vsel vm5, $0x1509, v21;
	v2 =	vsel vm3, $0xD8C, v9;
	v0 =	vsel vm2, $0xD8D, v0  }
0x12d: {  	v23 =	vsel vm6, $0x158A, v1;
	v2 =	vsel vm2, $0xE0D, v2;
	v0 =	vsel vm1, $0xE0E, v0  }
0x12e: {  	v22 =	vsel vm6, $0x1A8A, v43;
	v9 =	vsel vm4, $0x160B, v23;
	[tilespmem:$0x1FC10] =	vst v0;
	v0 =	vsel vm1, $0xE8E, v2  }
0x12f: {  	v43 =	vsel vm6, $0x1C0A, v47;
	v10 =	vsel vm6, $0x1C8A, v51;
	[tilespmem:$0x1FC20] =	vst v0;
	v0 =	vsel vm3, $0x168C, v9  }
0x130: {  	v21 =	vsel vm6, $0x160A, v3;
	v1 =	vsel vm5, $0x1609, v25;
	v0 =	vsel vm2, $0x170D, v0  }
0x131: {  	v25 =	vsel vm6, $0x168A, v1;
	v2 =	vsel vm4, $0x168B, v21;
	v0 =	vsel vm1, $0x178E, v0  }
0x132: {  	v3 =	vsel vm5, $0x1709, v29;
	v9 =	vsel vm4, $0x170B, v25;
	[tilespmem:$0x1FC40] =	vst v0;
	v0 =	vsel vm3, $0x170C, v2  }
0x133: {  	v1 =	vsel vm5, $0x1689, v27;
	v2 =	vsel vm3, $0x178C, v9;
	v0 =	vsel vm2, $0x178D, v0  }
0x134: {  	v29 =	vsel vm6, $0x170A, v1;
	v2 =	vsel vm2, $0x100D, v2;
	v0 =	vsel vm1, $0x100E, v0  }
0x135: {  	v59 =	vsel vm3, $0x80C, v59;
	v9 =	vsel vm4, $0x178B, v29;
	[tilespmem:$0x1FC50] =	vst v0;
	v0 =	vsel vm1, $0x108E, v2  }
0x136: {  	v60 =	vsel vm4, $0x80B, v60;
	v7 =	vsel vm5, $0x1209, v35;
	[tilespmem:$0x1FC60] =	vst v0;
	v0 =	vsel vm3, $0x100C, v9  }
0x137: {  	v27 =	vsel vm6, $0x178A, v3;
	v1 =	vsel vm5, $0x1789, v30;
	v0 =	vsel vm2, $0x108D, v0  }
0x138: {  	v30 =	vsel vm6, $0x100A, v1;
	v2 =	vsel vm4, $0x100B, v27;
	v0 =	vsel vm1, $0x110E, v0  }
0x139: {  	v3 =	vsel vm5, $0x1089, v32;
	v9 =	vsel vm4, $0x108B, v30;
	[tilespmem:$0x1FC70] =	vst v0;
	v0 =	vsel vm3, $0x108C, v2  }
0x13a: {  	v1 =	vsel vm5, $0x1009, v31;
	v2 =	vsel vm3, $0x110C, v9;
	v0 =	vsel vm2, $0x110D, v0  }
0x13b: {  	v32 =	vsel vm6, $0x108A, v1;
	v2 =	vsel vm2, $0x118D, v2;
	v0 =	vsel vm1, $0x118E, v0  }
0x13c: {  	v13 =	vsel vm5, $0x1389, v38;
	v9 =	vsel vm4, $0x110B, v32;
	[tilespmem:$0x1FC80] =	vst v0;
	v0 =	vsel vm1, $0x120E, v2  }
0x13d: {  	v47 =	vsel vm3, $0x88C, v60;
	v13 =	vsel vm6, $0x140A, v13;
	[tilespmem:$0x1FC90] =	vst v0;
	v0 =	vsel vm3, $0x118C, v9  }
0x13e: {  	v5 =	vsel vm6, $0x110A, v3;
	v3 =	vsel vm5, $0x1109, v33;
	v0 =	vsel vm2, $0x120D, v0  }
0x13f: {  	v1 =	vsel vm6, $0x118A, v3;
	v2 =	vsel vm4, $0x118B, v5;
	v0 =	vsel vm1, $0x128E, v0  }
0x140: {  	v51 =	vsel vm4, $0x90B, v62;
	v1 =	vsel vm4, $0x120B, v1;
	[tilespmem:$0x1FCA0] =	vst v0;
	v0 =	vsel vm3, $0x120C, v2  }
0x141: {  	v3 =	vsel vm5, $0x1189, v34;
	v1 =	vsel vm3, $0x128C, v1;
	v0 =	vsel vm2, $0x128D, v0  }
0x142: {  	v35 =	vsel vm6, $0x120A, v3;
	v1 =	vsel vm2, $0x130D, v1;
	v0 =	vsel vm1, $0x130E, v0  }
0x143: {  	v33 =	vsel vm6, $0x1F0A, v44;
	v2 =	vsel vm4, $0x128B, v35;
	[tilespmem:$0x1FCB0] =	vst v0;
	v0 =	vsel vm1, $0x138E, v1  }
0x144: {  	v11 =	vsel vm4, $0x1F0B, v56;
	v31 =	vsel vm6, $0x128A, v7;
	[tilespmem:$0x1FCC0] =	vst v0;
	v0 =	vsel vm3, $0x130C, v2  }
0x145: {  	v7 =	vsel vm5, $0x1309, v37;
	v3 =	vsel vm5, $0x1289, v36;
	v0 =	vsel vm2, $0x138D, v0  }
0x146: {  	v3 =	vsel vm6, $0x130A, v3;
	v1 =	vsel vm4, $0x130B, v31;
	v0 =	vsel vm1, $0x140E, v0  }
0x147: {  	v38 =	vsel vm6, $0x138A, v7;
	v2 =	vsel vm4, $0x138B, v3;
	[tilespmem:$0x1FCD0] =	vst v0;
	v0 =	vsel vm3, $0x138C, v1  }
0x148: {  	v7 =	vsel vm5, $0x1409, v39;
	v1 =	vsel vm3, $0x140C, v2;
	v0 =	vsel vm2, $0x140D, v0  }
0x149: {  	v39 =	vsel vm6, $0x1D8A, v45;
	v1 =	vsel vm2, $0x148D, v1;
	v0 =	vsel vm1, $0x148E, v0  }
0x14a: {  	v34 =	vsel vm6, $0x1E0A, v46;
	v2 =	vsel vm4, $0x140B, v38;
	[tilespmem:$0x1FCE0] =	vst v0;
	v0 =	vsel vm1, $0x150E, v1  }
0x14b: {  	v45 =	vsel vm5, $0x1F09, v57;
	v46 =	vsel vm5, $0x1F89, v58;
	[tilespmem:$0x1FCF0] =	vst v0;
	v0 =	vsel vm3, $0x148C, v2  }
0x14c: {  	v58 =	vsel vm6, $0x190A, v48;
	v57 =	vsel vm6, $0x198A, v49;
	v0 =	vsel vm2, $0x150D, v0  }
0x14d: {  	v7 =	vsel vm6, $0x148A, v7;
	v2 =	vsel vm4, $0x148B, v13;
	v0 =	vsel vm1, $0x158E, v0  }
0x14e: {  	v41 =	vsel vm6, $0x1F8A, v45;
	v3 =	vsel vm4, $0x150B, v7;
	[tilespmem:$0x1FD30] =	vst v0;
	v0 =	vsel vm3, $0x150C, v2  }
0x14f: {  	v44 =	vsel vm6, $0x180A, v46;
	v2 =	vsel vm3, $0x158C, v3;
	v0 =	vsel vm2, $0x158D, v0  }
0x150: {  	v45 =	vsel vm5, $0x1A89, v52;
	v2 =	vsel vm2, $0x160D, v2;
	v0 =	vsel vm1, $0x160E, v0  }
0x151: {  	v46 =	vsel vm5, $0x1B09, v53;
	v9 =	vsel vm4, $0x1E0B, v39;
	[tilespmem:$0x1FD60] =	vst v0;
	v0 =	vsel vm1, $0x168E, v2  }
0x152: {  	v53 =	vimm.s32 $0x17161514;
	v36 =	vsel vm2, $0x88D, v59;
	[tilespmem:$0x1FD70] =	vst v0;
	v0 =	vsel vm3, $0x1E8C, v9  }
0x153: {  	v52 =	vsel vm6, $0x1B0A, v45;
	v50 =	vsel vm6, $0x1B8A, v46;
	v0 =	vsel vm2, $0x1F0D, v0  }
0x154: {  	v46 =	vunpack.c.0.s8.s32 v53;
	v2 =	vsel vm4, $0x1E8B, v34;
	v0 =	vsel vm1, $0x1F8E, v0  }
0x155: {  	v45 =	vsel vm4, $0x88B, v61;
	v48 =	vsel vm1, $0x90E, v36;
	[tilespmem:$0x1FDA0] =	vst v0;
	v0 =	vsel vm3, $0x1F0C, v2  }
0x156: {  	v24 =	vld [tilespmem:$0x1FD40];
	v36 =	vsel vm2, $0x90D, v47;
	v2 =	vsel vm3, $0x1F8C, v11;
	v0 =	vsel vm2, $0x1F8D, v0  }
0x157: {  	v20 =	vld [tilespmem:$0x1FDB0];
	v53 =	vsel vm3, $0x98C, v51;
	v2 =	vsel vm2, $0x180D, v2;
	v0 =	vsel vm1, $0x180E, v0  }
0x158: {  	v14 =	vld [tilespmem:$0x1FE40];
	v17 =	vsel vm4, $0x188B, v44;
	v15 =	vsel vm4, $0x1F8B, v33;
	[tilespmem:$0x1FDC0] =	vst v0;
	v0 =	vsel vm1, $0x188E, v2  }
0x159: {  	v18 =	vld [tilespmem:$0x1FE90];
	v49 =	vsel vm3, $0x90C, v45;
	v36 =	vsel vm1, $0x98E, v36;
	[tilespmem:$0x1FDD0] =	vst v0;
	v0 =	vsel vm3, $0x180C, v15  }
0x15a: {  	v51 =	vld [tilespmem:$0x1FD50];
	v37 =	vsel vm2, $0x98D, v49;
	[tilespmem:$0x1FBA0] =	vst v36;
	v36 =	vsel vm2, $0xA0D, v53;
	v0 =	vsel vm2, $0x188D, v0  }
0x15b: {  	v45 =	vld [tilespmem:$0x1FC30];
	v60 =	vsel vm1, $0xA0E, v37;
	v2 =	vsel vm4, $0x180B, v41;
	v0 =	vsel vm1, $0x190E, v0  }
0x15c: {  	v49 =	vld [tilespmem:$0x1FD90];
	v26 =	vsel vm1, $0xA8E, v36;
	v36 =	vsel vm2, $0xA8D, v55;
	[tilespmem:$0x1FE00] =	vst v0;
	v0 =	vsel vm3, $0x188C, v2  }
0x15d: {  	v37 =	vld [tilespmem:$0x1FBB0];
	v36 =	vsel vm1, $0xB0E, v36;
	v2 =	vsel vm3, $0x190C, v17;
	v0 =	vsel vm2, $0x190D, v0  }
0x15e: {  	[tilespmem:$0x1FBC0] =	vst v36;
	v36 =	vld [tilespmem:$0x1FBD0];
	v2 =	vsel vm2, $0x198D, v2;
	v0 =	vsel vm1, $0x198E, v0  }
0x15f: {  	v21 =	vsel vm4, $0x190B, v40;
	v40 =	vmov v6;
	v6 =	vld [tilespmem:$0x1FEA0];
	[tilespmem:$0x1FE20] =	vst v0;
	v0 =	vsel vm1, $0x1A0E, v2  }
0x160: {  	v25 =	vld [tilespmem:$0x1FE60];
	[tilespmem:$0x1FE30] =	vst v0;
	v0 =	vsel vm3, $0x198C, v21  }
0x161: {  	v5 =	vld [tilespmem:$0x1FD20];
	v0 =	vsel vm2, $0x1A0D, v0  }
0x162: {  	v1 =	vld [tilespmem:$0x1FD00];
	v2 =	vsel vm4, $0x198B, v58;
	v0 =	vsel vm1, $0x1A8E, v0  }
0x163: {  	v23 =	vsel vm4, $0x1A0B, v57;
	v13 =	vld [tilespmem:$0x1FD10];
	[tilespmem:$0x1FE50] =	vst v0;
	v0 =	vsel vm3, $0x1A0C, v2  }
0x164: {  	v3 =	vld [tilespmem:$0x1FDF0];
	v2 =	vsel vm3, $0x1A8C, v23;
	v0 =	vsel vm2, $0x1A8D, v0  }
0x165: {  	s0 =	rddreg [dreg:$0x0];
	s3 =	srdreg.scid;
	v34 =	vld [tilespmem:$0x1FEB0];
	v2 =	vsel vm2, $0x1B0D, v2;
	v0 =	vsel vm1, $0x1B0E, v0  }
0x166: {  	s1 =	rddreg [dreg:$0x1];
	s4 =	sand.u32 $0x1, s3;
	s3 =	simm.s32 $0x0;
	v9 =	vld [tilespmem:$0x1FD80];
	[tilespmem:$0x1FE70] =	vst v0;
	v0 =	vsel vm1, $0x1B8E, v2  }
0x167: {  	[smem:$0x7FF] =	sst s3;
	v27 =	vsel vm4, $0x1A8B, v12;
	v15 =	vld [tilespmem:$0x1FDE0];
	[tilespmem:$0x1FE80] =	vst v0  }
0x168: {  	s2 =	rddreg [dreg:$0x2];
	v17 =	vld [tilespmem:$0x1FE10];
	v0 =	vsel vm3, $0x1B0C, v27;
	_ =	strace $0x80000047;
	[tilespmem:$0x1FEE0] =	vst v4  }
0x169: {  	v59 =	vsel vm4, $0x1B8B, v52;
	v2 =	vsel vm4, $0x1B0B, v22;
	v0 =	vsel vm2, $0x1B8D, v0;
	[tilespmem:$0x1FEF0] =	vst v28  }
0x16a: {  	[tilespmem:$0x1FF00] =	vst v16;
	v52 =	vsel vm1, $0x1C0E, v0;
	v0 =	vsel vm3, $0x1B8C, v2;
	v2 =	vsel vm3, $0x1C0C, v59  }
0x16b: {  	v21 =	vmovc v60;
	v60 =	vsel vm4, $0x1C0B, v50;
	[tilespmem:$0x1FFA0] =	vst v46;
	v0 =	vsel vm2, $0x1C0D, v0;
	v2 =	vsel vm2, $0x1C8D, v2  }
0x16c: {  	[tilespmem:$0x1FFB0] =	vst v26;
	v57 =	vsel vm1, $0x1C8E, v0;
	v0 =	vsel vm3, $0x1C8C, v60;
	v60 =	vlaneseq.u32  }
0x16d: {  	v61 =	vsel vm4, $0x1D0B, v10;
	[tilespmem:$0x1FFC0] =	vst v21;
	v58 =	vsel vm1, $0x1D0E, v2;
	v10 =	vmul.u32 $0x81, v60  }
0x16e: {  	v11 =	vmovc v48;
	v19 =	vld [tilespmem:$0x1FEC0];
	[tilespmem:$0x1FFF0] =	vst v52;
	v2 =	vsel vm4, $0x1C8B, v43;
	v0 =	vsel vm2, $0x1D0D, v0;
	v48 =	vmul.u32 $0x80, v60  }
0x16f: {  	vm0 =	vcmask $0x1F10;
	v38 =	vld [tilespmem:$0x1FED0];
	v59 =	vsel vm1, $0x1D8E, v0;
	v0 =	vsel vm3, $0x1D0C, v2;
	[tilespmem:$0x1FF80] =	vst v10  }
0x170: {  	s5 =	stileid.u32;
	v2 =	vsel vm3, $0x1D8C, v61;
	v0 =	vsel vm2, $0x1D8D, v0;
	v63 =	vor.u32 $0x800, v10;
	[tilespmem:$0x1FFD0] =	vst v48  }
0x171: {  	s9 =	simm.s32 $0x400;
	s10 =	simm.s32 $0x8000;
	s12 =	simm.s32 $0x4;
	v2 =	vsel vm2, $0x1E0D, v2;
	v62 =	vsel vm1, $0x1E0E, v0;
	v0 =	vsel vm0, v4, v28;
	[tilespmem:$0x1FF10] =	vst v63  }
0x172: {  	s14 =	simm.s32 $0x3800;
	s16 =	simm.s32 $0x7800;
	s17 =	simm.s32 $0x1D00;
	v12 =	vsel vm1, $0x1E8E, v2;
	v2 =	vsel vm0, v16, v3;
	[tilespmem:$0x1FF20] =	vst v0  }
0x173: {  	s18 =	simm.s32 $0xB800;
	s19 =	simm.s32 $0x1D80;
	s20 =	simm.s32 $0xF800;
	v3 =	vsel vm0, v19, v1;
	[tilespmem:$0x1FF30] =	vst v2  }
0x174: {  	s21 =	simm.s32 $0x1;
	s22 =	simm.s32 $0x13800;
	s23 =	simm.s32 $0x15800;
	v4 =	vsel vm0, v38, v6;
	[tilespmem:$0x1FF50] =	vst v3  }
.Ltmp0:
0x175: {  	s5 =	sshll.u32 s5, $0xB;
	s6 =	sshll.u32 s4, $0xA;
	[tilespmem:$0x1FF60] =	vst v4;
	(pc) =	sbr.rel .LBB2_1-.Ltmp0, $4  }
0x176: {  	s24 =	simm.s32 $0x2;
	s7 =	ssub.s32 $0x2, s4;
	s4 =	sor.u32 s6, s5;
	v0 =	vcombine.low v2, v0;
	[tilespmem:$0x1FF70] =	vst v62  }
0x177: {  	s25 =	simm.s32 $0x3;
	s31 =	sshrl.u32 s7, $0x1;
	s6 =	sshrl.u32 s4, $0x3;
	v7 =	vcombine.low v4, v3;
	[tilespmem:$0x1FFE0] =	vst v12  }
0x178: {  	s26 =	simm.s32 $0x0;
	s8 =	ssub.s32 s7, s31;
	s5 =	sadd.s32 s1, s6;
	[tilespmem:$0x1FF40] =	vst v0  }
0x179: {  	s6 =	sadd.s32 $0x186E00, s0;
	s8 =	smax.u32 s8, $0x1;
	s7 =	sadd.s32 $0x6000, s5;
	v55 =	vor.u32 $0x10, v60;
	[tilespmem:$0x1FF90] =	vst v7  }
.LBB2_11:
0x17a: {  	s26 =	sadd.s32 $0x1, s26  }
0x17b: {  	_ =	swait.ge [sflag:s24], $0x2000;
	p0 =	sne.s32 s26, s8  }
.Ltmp1:
0x17c: {  	[sflag:s24] =	ssyncset.done $0x0;
	(pc) =	sbr.rel @!p0 .LBB2_12-.Ltmp1, $4  }
0x17d: {  	[sflag:s24] =	ssyncadd.s32 $0xFFFFE000  }
0x17e: {  	_ =	swait.ge [sflag:s25], $0x2000  }
0x17f: {  	[sflag:s25] =	ssyncset.done $0x0  }
0x180: {  	[sflag:s25] =	ssyncadd.s32 $0xFFFFE000  }
.LBB2_1:
0x181: {  	[tilespmem:s3], [sflag:$0x4] =	stream.strided.gather [hbm4b:s5+s9], $0x1800, s10, s9, $0x38;
	[tilespmem:$0x17800] =	vst v63  }
0x182: {  	s0 =	simm.s32 $0x1800  }
0x183: {  	[tilespmem:s0], [sflag:$0x4] =	stream.linear.gather [hbm4b:s7+s3], $0x100, $0x38;
	[tilespmem:$0x17800] =	vst v63  }
0x184: {  	_ =	swait.ge [sflag:s12], $0x1900  }
0x185: {  	[sflag:s12] =	ssyncset.done $0x0  }
0x186: {  	s1 =	simm.s32 $0x0;
	[sflag:s12] =	ssyncadd.s32 $0xFFFFE700  }
0x187: {  	v2 =	vld [tilespmem:s1+$0x70]  }
0x188: {  	v32 =	vld [tilespmem:s1+$0x0]  }
0x189: {  	v33 =	vld [tilespmem:s1+$0x10]  }
0x18a: {  	v31 =	vld [tilespmem:s1+$0x20]  }
0x18b: {  	v30 =	vld [tilespmem:s1+$0x30]  }
0x18c: {  	v0 =	vld [tilespmem:s1+$0x40];
	v41 =	vshra.s32 v2, $0x2  }
0x18d: {  	v2 =	vld [tilespmem:s1+$0x50];
	v32 =	vshra.s32 v32, $0x2;
	[tilespmem:s1+$0x1C70] =	vst v41  }
0x18e: {  	s11 =	simm.s32 $0x400;
	s0 =	simm.s32 $0x80;
	v33 =	vshra.s32 v33, $0x2;
	[tilespmem:s1+$0x1C00] =	vst v32;
	v32 =	vld [tilespmem:s1+$0x60]  }
.LBB2_2:
0x18f: {  	p0 =	sne.s32 s11, $0x6200;
	v41 =	vld [tilespmem:s0+$0x70];
	[tilespmem:s1+$0x1C10] =	vst v33;
	v31 =	vshra.s32 v31, $0x2  }
0x190: {  	v33 =	vld [tilespmem:s0+$0x0];
	[tilespmem:s1+$0x1C20] =	vst v31;
	v30 =	vshra.s32 v30, $0x2  }
0x191: {  	v56 =	vld [tilespmem:s0+$0x10];
	[tilespmem:s1+$0x1C30] =	vst v30;
	v0 =	vshra.s32 v0, $0x2  }
.Ltmp2:
0x192: {  	v31 =	vld [tilespmem:s0+$0x20];
	[tilespmem:s1+$0x1C40] =	vst v0;
	v0 =	vshra.s32 v2, $0x2;
	(pc) =	sbr.rel @p0 .LBB2_2-.Ltmp2, $4  }
0x193: {  	v30 =	vld [tilespmem:s0+$0x30];
	[tilespmem:s1+$0x1C50] =	vst v0;
	v2 =	vshra.s32 v32, $0x2  }
0x194: {  	v0 =	vld [tilespmem:s0+$0x40];
	v32 =	vshra.s32 v41, $0x2;
	[tilespmem:s1+$0x1C60] =	vst v2;
	s1 =	smov.u32 s0  }
0x195: {  	v33 =	vshra.s32 v33, $0x2;
	v2 =	vld [tilespmem:s1+$0x50];
	[tilespmem:s1+$0x1C70] =	vst v32  }
0x196: {  	s0 =	sshra.s32 s11, $0x2;
	s11 =	sadd.s32 $0x200, s11;
	[tilespmem:s1+$0x1C00] =	vst v33;
	v33 =	vshra.s32 v56, $0x2;
	v32 =	vld [tilespmem:s1+$0x60]  }
0x197: {  	v41 =	vld [tilespmem:s0+$0x70];
	[tilespmem:s1+$0x1C10] =	vst v33;
	v31 =	vshra.s32 v31, $0x2  }
0x198: {  	v33 =	vld [tilespmem:s0+$0x0];
	[tilespmem:s1+$0x1C20] =	vst v31;
	v30 =	vshra.s32 v30, $0x2  }
0x199: {  	v31 =	vld [tilespmem:s0+$0x10];
	[tilespmem:s1+$0x1C30] =	vst v30;
	v0 =	vshra.s32 v0, $0x2  }
0x19a: {  	v30 =	vld [tilespmem:s0+$0x20];
	[tilespmem:s1+$0x1C40] =	vst v0;
	v0 =	vshra.s32 v2, $0x2  }
0x19b: {  	v2 =	vld [tilespmem:s0+$0x30];
	[tilespmem:s1+$0x1C50] =	vst v0;
	v0 =	vshra.s32 v32, $0x2  }
0x19c: {  	v61 =	vld [tilespmem:s0+$0x40];
	[tilespmem:s1+$0x1C60] =	vst v0;
	v0 =	vshra.s32 v41, $0x2  }
0x19d: {  	v62 =	vld [tilespmem:s0+$0x50];
	v33 =	vshra.s32 v33, $0x2;
	[tilespmem:s0+$0x1C70] =	vst v0  }
0x19e: {  	v63 =	vld [tilespmem:s0+$0x60];
	[tilespmem:s0+$0x1C00] =	vst v33;
	v0 =	vshra.s32 v31, $0x2  }
0x19f: {  	[tilespmem:s0+$0x1C10] =	vst v0;
	v0 =	vshra.s32 v30, $0x2  }
0x1a0: {  	[tilespmem:s0+$0x1C20] =	vst v0;
	v0 =	vshra.s32 v2, $0x2  }
0x1a1: {  	[tilespmem:s0+$0x1C30] =	vst v0;
	v0 =	vshra.s32 v61, $0x2  }
0x1a2: {  	[tilespmem:s0+$0x1C40] =	vst v0;
	v0 =	vshra.s32 v62, $0x2  }
0x1a3: {  	[tilespmem:s0+$0x1C50] =	vst v0;
	v0 =	vshra.s32 v63, $0x2  }
0x1a4: {  	s28 =	simm.s32 $0x1C00;
	[tilespmem:s0+$0x1C60] =	vst v0;
	s0 =	simm.s32 $0x80  }
0x1a5: {  	[tilespmem:s14], [sflag:$0x1] =	stream.indirect.gather [hbm4b:s6+s0], $0x80, s28, s0, $0xb8;
	[tilespmem:$0x17800] =	vst v63  }
0x1a6: {  	s31 =	simm.s32 $0x1C80  }
0x1a7: {  	[tilespmem:s16], [sflag:$0x1] =	stream.indirect.gather [hbm4b:s6+s0], $0x80, s31, s0, $0xb8;
	[tilespmem:$0x17800] =	vst v63  }
.Ltmp3:
0x1a8: {  	_ = 	snop;
	(pc) =	sbr.rel .LBB2_4-.Ltmp3, $4  }
0x1a9: {  	_ = 	snop  }
0x1aa: {  	[tilespmem:s18], [sflag:$0x1] =	stream.indirect.gather [hbm4b:s6+s0], $0x80, s17, s0, $0xb8;
	[tilespmem:$0x17800] =	vst v63  }
0x1ab: {  	s29 =	simm.s32 $0x0;
	s30 =	simm.s32 $0x180  }
0x1ac: {  	[tilespmem:s20], [sflag:$0x1] =	stream.indirect.gather [hbm4b:s6+s0], $0x80, s19, s0, $0xb8;
	[tilespmem:$0x17800] =	vst v63  }
.LBB2_10:
0x1ad: {  	s29 =	sadd.s32 $0x1, s29  }
0x1ae: {  	p0 =	sne.s32 s29, $0xD  }
.Ltmp4:
0x1af: {  	_ = 	snop;
	(pc) =	sbr.rel @!p0 .LBB2_11-.Ltmp4, $2  }
0x1b0: {  	_ =	sdelay $0x2  }
0x1b1: {  	s0 =	sadd.s32 $0x200, s0;
	s30 =	sadd.s32 $0x200, s30  }
.LBB2_4:
0x1b2: {  	_ =	swait.ge [sflag:s21], $0x4000  }
0x1b3: {  	[sflag:s21] =	ssyncset.done $0x0  }
0x1b4: {  	[sflag:s21] =	ssyncadd.s32 $0xFFFFC000  }
0x1b5: {  	_ =	swait.ge [sflag:s21], $0x4000  }
0x1b6: {  	p0 =	seq.s32 s29, $0x0;
	[sflag:s21] =	ssyncset.done $0x0  }
0x1b7: {  	s11 =	simm.s32 @!p0 $0x2;
	[sflag:s21] =	ssyncadd.s32 $0xFFFFC000  }
0x1b8: {  	_ =	swait.ge @!p0 [sflag:s11], $0x2000  }
0x1b9: {  	s1 =	sshllo.u32 s29, $0x1;
	s31 =	sshll.u32 s29, $0xB;
	[sflag:s11] =	ssyncset.done @!p0 $0x0  }
0x1ba: {  	s28 =	smov.u32 s0;
	[sflag:s11] =	ssyncadd.s32 @!p0 $0xFFFFE000;
	s11 =	simm.s32 $0x0  }
.LBB2_5:
0x1bb: {  	v0 =	vld [tilespmem:s28+$0xFFFFFF80];
	_ =	sdelay $0x3  }
0x1bc: {  	v2 =	vmov s11  }
0x1bd: {  	v2 =	vshll.u32 v2, $0x7;
	v0 =	vshll.u32 v0, $0x5  }
0x1be: {  	v2 =	vor.u32 v48, v2;
	v0 =	vand.u32 $0x60, v0  }
0x1bf: {  	v2 =	vor.u32 v2, v0  }
0x1c0: {  	v0 =	vor.u32 v60, v2;
	_ =	sdelay $0x4  }
0x1c1: {  	v30 =	vor.u32 s11, v10;
	v0 =	vld.idx.msk [tilespmem:v0+s14+$0x0], $0xffff  }
0x1c2: {  	v3 =	vld [tilespmem:$0x1FA40];
	v31 =	vor.u32 v36, v2;
	_ =	sdelay $0x3  }
0x1c3: {  	[tilespmem:v30+s22+$0x0] =	vst.idx.msk $0xffff, v0  }
0x1c4: {  	v30 =	vor.u32 s11, v3;
	v0 =	vld.idx.msk [tilespmem:v31+s14+$0x0], $0xffff  }
0x1c5: {  	v31 =	vor.u32 v24, v2;
	_ =	sdelay $0x3  }
0x1c6: {  	[tilespmem:v30+s22+$0x0] =	vst.idx.msk $0xffff, v0  }
0x1c7: {  	v30 =	vor.u32 s11, v5;
	v0 =	vld.idx.msk [tilespmem:v31+s14+$0x0], $0xffff  }
0x1c8: {  	v3 =	vld [tilespmem:$0x1FA50];
	v31 =	vor.u32 v9, v2;
	_ =	sdelay $0x3  }
0x1c9: {  	[tilespmem:v30+s22+$0x0] =	vst.idx.msk $0xffff, v0  }
0x1ca: {  	v30 =	vor.u32 s11, v3;
	v0 =	vld.idx.msk [tilespmem:v31+s14+$0x0], $0xffff  }
0x1cb: {  	v31 =	vor.u32 v37, v2;
	_ =	sdelay $0x3  }
0x1cc: {  	[tilespmem:v30+s22+$0x0] =	vst.idx.msk $0xffff, v0  }
0x1cd: {  	v30 =	vor.u32 s11, v20;
	v0 =	vld.idx.msk [tilespmem:v31+s14+$0x0], $0xffff  }
0x1ce: {  	v31 =	vor.u32 v13, v2  }
0x1cf: {  	v10 =	vld [tilespmem:$0x1FA60];
	_ =	sdelay $0x2  }
0x1d0: {  	[tilespmem:v30+s22+$0x0] =	vst.idx.msk $0xffff, v0  }
0x1d1: {  	v30 =	vor.u32 s11, v15;
	v0 =	vld.idx.msk [tilespmem:v31+s14+$0x0], $0xffff  }
0x1d2: {  	v31 =	vor.u32 v10, v2  }
0x1d3: {  	v12 =	vld [tilespmem:$0x1FA70];
	_ =	sdelay $0x2  }
0x1d4: {  	[tilespmem:v30+s22+$0x0] =	vst.idx.msk $0xffff, v0  }
0x1d5: {  	v30 =	vor.u32 s11, v17;
	v0 =	vld.idx.msk [tilespmem:v31+s14+$0x0], $0xffff  }
0x1d6: {  	v3 =	vld [tilespmem:$0x1FA80];
	v31 =	vor.u32 v12, v2  }
0x1d7: {  	v21 =	vld [tilespmem:$0x1FA90];
	_ =	sdelay $0x2  }
0x1d8: {  	[tilespmem:v30+s22+$0x0] =	vst.idx.msk $0xffff, v0  }
0x1d9: {  	v30 =	vor.u32 s11, v3;
	v0 =	vld.idx.msk [tilespmem:v31+s14+$0x0], $0xffff  }
0x1da: {  	v31 =	vor.u32 v21, v2  }
0x1db: {  	v41 =	vld [tilespmem:$0x1FAA0];
	_ =	sdelay $0x2  }
0x1dc: {  	[tilespmem:v30+s22+$0x0] =	vst.idx.msk $0xffff, v0  }
0x1dd: {  	v30 =	vor.u32 s11, v14;
	v0 =	vld.idx.msk [tilespmem:v31+s14+$0x0], $0xffff  }
0x1de: {  	v31 =	vor.u32 v41, v2  }
0x1df: {  	v27 =	vld [tilespmem:$0x1FAB0];
	_ =	sdelay $0x2  }
0x1e0: {  	[tilespmem:v30+s22+$0x0] =	vst.idx.msk $0xffff, v0  }
0x1e1: {  	v30 =	vor.u32 s11, v25;
	v0 =	vld.idx.msk [tilespmem:v31+s14+$0x0], $0xffff  }
0x1e2: {  	v31 =	vor.u32 v27, v2  }
0x1e3: {  	v29 =	vld [tilespmem:$0x1FAC0];
	_ =	sdelay $0x2  }
0x1e4: {  	[tilespmem:v30+s22+$0x0] =	vst.idx.msk $0xffff, v0  }
0x1e5: {  	v30 =	vor.u32 s11, v45;
	v0 =	vld.idx.msk [tilespmem:v31+s14+$0x0], $0xffff  }
0x1e6: {  	v3 =	vld [tilespmem:$0x1FAD0];
	v31 =	vor.u32 v29, v2  }
0x1e7: {  	v39 =	vld [tilespmem:$0x1FAE0];
	_ =	sdelay $0x2  }
0x1e8: {  	[tilespmem:v30+s22+$0x0] =	vst.idx.msk $0xffff, v0  }
0x1e9: {  	v30 =	vor.u32 s11, v3;
	v0 =	vld.idx.msk [tilespmem:v31+s14+$0x0], $0xffff  }
0x1ea: {  	v31 =	vor.u32 v39, v2  }
0x1eb: {  	v44 =	vld [tilespmem:$0x1FAF0];
	_ =	sdelay $0x2  }
0x1ec: {  	[tilespmem:v30+s22+$0x0] =	vst.idx.msk $0xffff, v0  }
0x1ed: {  	v30 =	vor.u32 s11, v18;
	v0 =	vld.idx.msk [tilespmem:v31+s14+$0x0], $0xffff  }
0x1ee: {  	v31 =	vor.u32 v44, v2  }
0x1ef: {  	v43 =	vld [tilespmem:$0x1FB00];
	_ =	sdelay $0x2  }
0x1f0: {  	[tilespmem:v30+s22+$0x0] =	vst.idx.msk $0xffff, v0  }
0x1f1: {  	v30 =	vor.u32 s11, v34;
	v0 =	vld.idx.msk [tilespmem:v31+s14+$0x0], $0xffff  }
0x1f2: {  	v31 =	vor.u32 v43, v2  }
0x1f3: {  	v47 =	vld [tilespmem:$0x1FB10];
	_ =	sdelay $0x2  }
0x1f4: {  	[tilespmem:v30+s22+$0x0] =	vst.idx.msk $0xffff, v0  }
0x1f5: {  	v30 =	vor.u32 s11, v49;
	v0 =	vld.idx.msk [tilespmem:v31+s14+$0x0], $0xffff  }
0x1f6: {  	v31 =	vor.u32 v47, v2;
	_ =	sdelay $0x3  }
0x1f7: {  	v3 =	vld [tilespmem:$0x1FF10];
	[tilespmem:v30+s22+$0x0] =	vst.idx.msk $0xffff, v0  }
0x1f8: {  	v30 =	vor.u32 s11, v51;
	v0 =	vld.idx.msk [tilespmem:v31+s14+$0x0], $0xffff  }
0x1f9: {  	v31 =	vor.u32 v55, v2;
	_ =	sdelay $0x2  }
0x1fa: {  	v50 =	vld [tilespmem:$0x1FF40]  }
0x1fb: {  	[tilespmem:v30+s22+$0x0] =	vst.idx.msk $0xffff, v0;
	v30 =	vor.u32 s11, v3;
	v3 =	vld [tilespmem:$0x1FB20]  }
0x1fc: {  	v0 =	vld.idx.msk [tilespmem:v31+s14+$0x0], $0xffff;
	_ =	sdelay $0x2  }
0x1fd: {  	v61 =	vld [tilespmem:$0x1FB30]  }
0x1fe: {  	v62 =	vld [tilespmem:$0x1FB40];
	v31 =	vor.u32 v50, v2  }
0x1ff: {  	[tilespmem:v30+s22+$0x0] =	vst.idx.msk $0xffff, v0;
	v30 =	vor.u32 s11, v3;
	v3 =	vld [tilespmem:$0x1FF90]  }
0x200: {  	v6 =	vld [tilespmem:$0x1FB60]  }
0x201: {  	v19 =	vld [tilespmem:$0x1FB80]  }
0x202: {  	v26 =	vmov v20;
	v20 =	vmov v49;
	v49 =	vld [tilespmem:$0x1FB50]  }
0x203: {  	v0 =	vld.idx.msk [tilespmem:v31+s14+$0x0], $0xffff  }
0x204: {  	v46 =	vld [tilespmem:$0x1FFA0];
	v31 =	vor.u32 v3, v2  }
0x205: {  	v4 =	vld [tilespmem:$0x1FDF0]  }
0x206: {  	v28 =	vmov v24;
	v24 =	vld [tilespmem:$0x1FB90]  }
0x207: {  	v23 =	vmov v5;
	v5 =	vld [tilespmem:$0x1FB70]  }
0x208: {  	v32 =	vsel vm0, v62, v61;
	v33 =	vsel vm0, v6, v49;
	v3 =	vld [tilespmem:$0x1FEE0];
	[tilespmem:v30+s22+$0x0] =	vst.idx.msk $0xffff, v0  }
0x209: {  	v22 =	vmov v51;
	v51 =	vcombine.low v33, v32;
	v30 =	vor.u32 s11, v40;
	v0 =	vld.idx.msk [tilespmem:v31+s14+$0x0], $0xffff;
	_ =	sdelay $0x1  }
0x20a: {  	v31 =	vor.u32 v51, v2  }
0x20b: {  	v63 =	vmov v36;
	v60 =	vmov v59  }
0x20c: {  	v59 =	vmovc v58;
	v58 =	vmovc v57;
	v57 =	vmov v52;
	v52 =	vmov v42;
	v36 =	vsel vm0, v24, v46  }
0x20d: {  	v35 =	vsel vm0, v19, v5;
	[tilespmem:v30+s22+$0x0] =	vst.idx.msk $0xffff, v0;
	v30 =	vor.u32 s11, v42;
	v42 =	vsel vm0, v4, v3;
	v3 =	vld [tilespmem:$0x1FF00]  }
0x20e: {  	v53 =	vcombine.low v36, v35;
	v4 =	vld [tilespmem:$0x1FEF0]  }
0x20f: {  	v0 =	vld.idx.msk [tilespmem:v31+s14+$0x0], $0xffff  }
0x210: {  	v31 =	vor.u32 v53, v2;
	_ =	sdelay $0x2  }
0x211: {  	v4 =	vsel vm0, v4, v3  }
0x212: {  	[tilespmem:v30+s22+$0x0] =	vst.idx.msk $0xffff, v0;
	v7 =	vcombine.low v4, v42  }
0x213: {  	v30 =	vor.u32 s11, v11;
	v0 =	vld.idx.msk [tilespmem:v31+s14+$0x0], $0xffff  }
0x214: {  	v38 =	vsel vm0, v1, v38;
	v1 =	vld [tilespmem:$0x1FBA0];
	v31 =	vor.u32 v7, v2  }
0x215: {  	v16 =	vld [tilespmem:$0x1FEC0]  }
0x216: {  	v3 =	vld [tilespmem:$0x1FEA0];
	_ =	sdelay $0x1  }
0x217: {  	[tilespmem:v30+s22+$0x0] =	vst.idx.msk $0xffff, v0  }
0x218: {  	v30 =	vor.u32 s11, v1;
	v0 =	vld.idx.msk [tilespmem:v31+s14+$0x0], $0xffff;
	_ =	sdelay $0x1  }
0x219: {  	v48 =	vmov v11;
	v11 =	vmov v37;
	v37 =	vsel vm0, v3, v16  }
0x21a: {  	v16 =	vcombine.low v38, v37;
	_ =	sdelay $0x1  }
0x21b: {  	v31 =	vor.u32 v16, v2;
	[tilespmem:v30+s22+$0x0] =	vst.idx.msk $0xffff, v0;
	v30 =	vld [tilespmem:$0x1FFC0];
	_ =	sdelay $0x4  }
0x21c: {  	v0 =	vld.idx.msk [tilespmem:v31+s14+$0x0], $0xffff;
	v30 =	vor.u32 s11, v30  }
0x21d: {  	v56 =	vmovc v8;
	v8 =	vmov v9;
	v9 =	vmov v23;
	v23 =	vmov v21  }
0x21e: {  	v21 =	vmovc v12;
	v12 =	vmovc v10;
	v10 =	vmov v17;
	v6 =	vsel vm0, v61, v6;
	v1 =	vsel vm0, v49, v62  }
0x21f: {  	v17 =	vmovc v15;
	v15 =	vmovc v13;
	v13 =	vmov v26;
	v26 =	vmov v43;
	v43 =	vcombine.low v6, v1;
	_ =	sdelay $0x1  }
0x220: {  	v31 =	vor.u32 v43, v2;
	[tilespmem:v30+s22+$0x0] =	vst.idx.msk $0xffff, v0;
	v30 =	vld [tilespmem:$0x1FFB0];
	_ =	sdelay $0x4  }
0x221: {  	v0 =	vld.idx.msk [tilespmem:v31+s14+$0x0], $0xffff;
	v30 =	vor.u32 s11, v30;
	_ =	sdelay $0x3  }
0x222: {  	v49 =	vsel vm0, v46, v19;
	v46 =	vsel vm0, v5, v24;
	v5 =	vld [tilespmem:$0x1FF30]  }
0x223: {  	[tilespmem:v30+s22+$0x0] =	vst.idx.msk $0xffff, v0;
	v0 =	vld [tilespmem:$0x1FF20];
	_ =	sdelay $0x2  }
0x224: {  	v3 =	vmovc v39;
	v39 =	vmovc v29;
	v29 =	vmov v27;
	v27 =	vmov v41;
	v41 =	vcombine.low v46, v49;
	_ =	sdelay $0x1  }
0x225: {  	v31 =	vor.u32 v41, v2;
	v61 =	vcombine.low v0, v5;
	v5 =	vld [tilespmem:$0x1FBC0];
	_ =	sdelay $0x4  }
0x226: {  	v0 =	vld.idx.msk [tilespmem:v31+s14+$0x0], $0xffff;
	v30 =	vor.u32 s11, v5;
	_ =	sdelay $0x3  }
0x227: {  	v5 =	vld [tilespmem:$0x1FF60]  }
0x228: {  	[tilespmem:v30+s22+$0x0] =	vst.idx.msk $0xffff, v0;
	v0 =	vld [tilespmem:$0x1FF50];
	_ =	sdelay $0x4  }
0x229: {  	v31 =	vor.u32 v61, v2;
	v62 =	vcombine.low v0, v5;
	v5 =	vld [tilespmem:$0x1FBE0];
	_ =	sdelay $0x4  }
0x22a: {  	v0 =	vld.idx.msk [tilespmem:v31+s14+$0x0], $0xffff;
	v30 =	vor.u32 s11, v5  }
0x22b: {  	v31 =	vor.u32 v62, v2;
	v5 =	vld [tilespmem:$0x1FBF0];
	_ =	sdelay $0x3  }
0x22c: {  	v46 =	vcombine.low v32, v33;
	[tilespmem:v30+s22+$0x0] =	vst.idx.msk $0xffff, v0  }
0x22d: {  	v30 =	vor.u32 s11, v5;
	v0 =	vld.idx.msk [tilespmem:v31+s14+$0x0], $0xffff  }
0x22e: {  	v31 =	vor.u32 v46, v2;
	_ =	sdelay $0x3  }
0x22f: {  	[tilespmem:v30+s22+$0x0] =	vst.idx.msk $0xffff, v0;
	v30 =	vcombine.low v35, v36  }
0x230: {  	v0 =	vld.idx.msk [tilespmem:v31+s14+$0x0], $0xffff;
	v31 =	vor.u32 s11, v54  }
0x231: {  	v49 =	vor.u32 v30, v2;
	_ =	sdelay $0x3  }
0x232: {  	v5 =	vmovc v9;
	v9 =	vmov v8;
	v8 =	vmov v56;
	[tilespmem:v31+s22+$0x0] =	vst.idx.msk $0xffff, v0;
	v0 =	vcombine.low v42, v4  }
0x233: {  	v31 =	vor.u32 s11, v8;
	v4 =	vld.idx.msk [tilespmem:v49+s14+$0x0], $0xffff  }
0x234: {  	v56 =	vld [tilespmem:$0x1FC00];
	v32 =	vor.u32 v0, v2;
	_ =	sdelay $0x3  }
0x235: {  	[tilespmem:v31+s22+$0x0] =	vst.idx.msk $0xffff, v4  }
0x236: {  	v4 =	vld.idx.msk [tilespmem:v32+s14+$0x0], $0xffff;
	v32 =	vor.u32 s11, v56;
	_ =	sdelay $0x2  }
0x237: {  	v31 =	vcombine.low v37, v38;
	_ =	sdelay $0x1  }
0x238: {  	v38 =	vor.u32 v31, v2;
	[tilespmem:v32+s22+$0x0] =	vst.idx.msk $0xffff, v4;
	v4 =	vld [tilespmem:$0x1FC10];
	_ =	sdelay $0x3  }
0x239: {  	v32 =	vcombine.low v1, v6  }
0x23a: {  	v1 =	vld.idx.msk [tilespmem:v38+s14+$0x0], $0xffff;
	v4 =	vor.u32 s11, v4  }
0x23b: {  	v2 =	vor.u32 v32, v2;
	_ =	sdelay $0x3  }
0x23c: {  	[tilespmem:v4+s22+$0x0] =	vst.idx.msk $0xffff, v1  }
0x23d: {  	v1 =	vld.idx.msk [tilespmem:v2+s14+$0x0], $0xffff  }
0x23e: {  	v2 =	vld [tilespmem:$0x1FC20];
	_ =	sdelay $0x4  }
0x23f: {  	v2 =	vor.u32 s11, v2;
	_ =	sdelay $0x4  }
0x240: {  	[tilespmem:v2+s22+$0x0] =	vst.idx.msk $0xffff, v1  }
0x241: {  	v1 =	vld [tilespmem:s28+$0x0]  }
0x242: {  	v37 =	vmov v11;
	v11 =	vmov v48;
	v48 =	vld [tilespmem:$0x1FFD0];
	_ =	sdelay $0x1  }
0x243: {  	s13 =	sadd.s32 $0x80, s11  }
0x244: {  	v42 =	vmov v52;
	v2 =	vmov s13  }
0x245: {  	v52 =	vmovc v57;
	v57 =	vmovc v58;
	v58 =	vmov v59;
	v2 =	vshll.u32 v2, $0x7;
	v1 =	vshll.u32 v1, $0x5  }
0x246: {  	v59 =	vmovc v60;
	v60 =	vlaneseq.u32;
	v49 =	vmovc v20;
	v2 =	vor.u32 v48, v2;
	v1 =	vand.u32 $0x60, v1  }
0x247: {  	v20 =	vmovc v13;
	v13 =	vmovc v15;
	v15 =	vmov v17;
	v17 =	vmov v10;
	v10 =	vld [tilespmem:$0x1FF80];
	v1 =	vor.u32 v2, v1  }
0x248: {  	v2 =	vor.u32 v60, v1;
	_ =	sdelay $0x3  }
0x249: {  	v33 =	vor.u32 $0x1000, v10  }
0x24a: {  	v4 =	vor.u32 s11, v33;
	v2 =	vld.idx.msk [tilespmem:v2+s14+$0x0], $0xffff;
	_ =	sdelay $0x4  }
0x24b: {  	v6 =	vor.u32 v63, v1;
	[tilespmem:v4+s22+$0x0] =	vst.idx.msk $0xffff, v2;
	v4 =	vld [tilespmem:$0x1FC40];
	_ =	sdelay $0x4  }
0x24c: {  	v2 =	vld.idx.msk [tilespmem:v6+s14+$0x0], $0xffff;
	v4 =	vor.u32 s11, v4;
	_ =	sdelay $0x4  }
0x24d: {  	v6 =	vor.u32 v28, v1;
	[tilespmem:v4+s22+$0x0] =	vst.idx.msk $0xffff, v2;
	v4 =	vld [tilespmem:$0x1FC50];
	_ =	sdelay $0x4  }
0x24e: {  	v2 =	vld.idx.msk [tilespmem:v6+s14+$0x0], $0xffff;
	v4 =	vor.u32 s11, v4;
	_ =	sdelay $0x4  }
0x24f: {  	v6 =	vor.u32 v9, v1;
	[tilespmem:v4+s22+$0x0] =	vst.idx.msk $0xffff, v2;
	v4 =	vld [tilespmem:$0x1FC60];
	_ =	sdelay $0x4  }
0x250: {  	v2 =	vld.idx.msk [tilespmem:v6+s14+$0x0], $0xffff;
	v4 =	vor.u32 s11, v4;
	_ =	sdelay $0x4  }
0x251: {  	v6 =	vor.u32 v37, v1;
	[tilespmem:v4+s22+$0x0] =	vst.idx.msk $0xffff, v2;
	v4 =	vld [tilespmem:$0x1FC70];
	_ =	sdelay $0x4  }
0x252: {  	v2 =	vld.idx.msk [tilespmem:v6+s14+$0x0], $0xffff;
	v4 =	vor.u32 s11, v4;
	_ =	sdelay $0x4  }
0x253: {  	v6 =	vor.u32 v13, v1;
	[tilespmem:v4+s22+$0x0] =	vst.idx.msk $0xffff, v2;
	v4 =	vld [tilespmem:$0x1FC80];
	_ =	sdelay $0x4  }
0x254: {  	v2 =	vld.idx.msk [tilespmem:v6+s14+$0x0], $0xffff;
	v4 =	vor.u32 s11, v4;
	_ =	sdelay $0x3  }
0x255: {  	v35 =	vmov v12  }
0x256: {  	v6 =	vor.u32 v35, v1;
	[tilespmem:v4+s22+$0x0] =	vst.idx.msk $0xffff, v2;
	v4 =	vld [tilespmem:$0x1FC90];
	_ =	sdelay $0x4  }
0x257: {  	v2 =	vld.idx.msk [tilespmem:v6+s14+$0x0], $0xffff;
	v4 =	vor.u32 s11, v4;
	_ =	sdelay $0x4  }
0x258: {  	v6 =	vor.u32 v21, v1;
	[tilespmem:v4+s22+$0x0] =	vst.idx.msk $0xffff, v2;
	v4 =	vld [tilespmem:$0x1FCA0];
	_ =	sdelay $0x4  }
0x259: {  	v2 =	vld.idx.msk [tilespmem:v6+s14+$0x0], $0xffff;
	v4 =	vor.u32 s11, v4;
	_ =	sdelay $0x4  }
0x25a: {  	v6 =	vor.u32 v23, v1;
	[tilespmem:v4+s22+$0x0] =	vst.idx.msk $0xffff, v2;
	v4 =	vld [tilespmem:$0x1FCB0];
	_ =	sdelay $0x4  }
0x25b: {  	v2 =	vld.idx.msk [tilespmem:v6+s14+$0x0], $0xffff;
	v4 =	vor.u32 s11, v4;
	_ =	sdelay $0x4  }
0x25c: {  	v6 =	vor.u32 v27, v1;
	[tilespmem:v4+s22+$0x0] =	vst.idx.msk $0xffff, v2;
	v4 =	vld [tilespmem:$0x1FCC0];
	_ =	sdelay $0x4  }
0x25d: {  	v2 =	vld.idx.msk [tilespmem:v6+s14+$0x0], $0xffff;
	v4 =	vor.u32 s11, v4;
	_ =	sdelay $0x4  }
0x25e: {  	v6 =	vor.u32 v29, v1;
	[tilespmem:v4+s22+$0x0] =	vst.idx.msk $0xffff, v2;
	v4 =	vld [tilespmem:$0x1FCD0];
	_ =	sdelay $0x4  }
0x25f: {  	v2 =	vld.idx.msk [tilespmem:v6+s14+$0x0], $0xffff;
	v4 =	vor.u32 s11, v4;
	_ =	sdelay $0x4  }
0x260: {  	v6 =	vor.u32 v39, v1;
	[tilespmem:v4+s22+$0x0] =	vst.idx.msk $0xffff, v2;
	v4 =	vld [tilespmem:$0x1FCE0];
	_ =	sdelay $0x4  }
0x261: {  	v2 =	vld.idx.msk [tilespmem:v6+s14+$0x0], $0xffff;
	v4 =	vor.u32 s11, v4  }
0x262: {  	v6 =	vor.u32 v3, v1;
	v3 =	vld [tilespmem:$0x1FCF0];
	_ =	sdelay $0x3  }
0x263: {  	[tilespmem:v4+s22+$0x0] =	vst.idx.msk $0xffff, v2  }
0x264: {  	v4 =	vor.u32 s11, v3;
	v2 =	vld.idx.msk [tilespmem:v6+s14+$0x0], $0xffff  }
0x265: {  	v3 =	vld [tilespmem:$0x1FD30];
	v6 =	vor.u32 v44, v1;
	_ =	sdelay $0x3  }
0x266: {  	[tilespmem:v4+s22+$0x0] =	vst.idx.msk $0xffff, v2  }
0x267: {  	v4 =	vor.u32 s11, v3;
	v2 =	vld.idx.msk [tilespmem:v6+s14+$0x0], $0xffff  }
0x268: {  	v3 =	vld [tilespmem:$0x1FD60];
	v6 =	vor.u32 v26, v1;
	_ =	sdelay $0x3  }
0x269: {  	[tilespmem:v4+s22+$0x0] =	vst.idx.msk $0xffff, v2  }
0x26a: {  	v4 =	vor.u32 s11, v3;
	v2 =	vld.idx.msk [tilespmem:v6+s14+$0x0], $0xffff  }
0x26b: {  	v3 =	vld [tilespmem:$0x1FD70];
	v6 =	vor.u32 v47, v1;
	_ =	sdelay $0x3  }
0x26c: {  	[tilespmem:v4+s22+$0x0] =	vst.idx.msk $0xffff, v2  }
0x26d: {  	v4 =	vor.u32 s11, v3;
	v2 =	vld.idx.msk [tilespmem:v6+s14+$0x0], $0xffff  }
0x26e: {  	v6 =	vor.u32 v55, v1;
	_ =	sdelay $0x3  }
0x26f: {  	[tilespmem:v4+s22+$0x0] =	vst.idx.msk $0xffff, v2;
	v2 =	vor.u32 $0x1800, v10  }
0x270: {  	v4 =	vld.idx.msk [tilespmem:v6+s14+$0x0], $0xffff;
	v6 =	vor.u32 s11, v2  }
0x271: {  	v47 =	vor.u32 v50, v1;
	v3 =	vld [tilespmem:$0x1FDA0]  }
0x272: {  	v19 =	vmov v51;
	v51 =	vmov v22;
	v22 =	vmov v7;
	v7 =	vld [tilespmem:$0x1FF90];
	_ =	sdelay $0x2  }
0x273: {  	[tilespmem:v6+s22+$0x0] =	vst.idx.msk $0xffff, v4  }
0x274: {  	v6 =	vor.u32 s11, v3;
	v4 =	vld.idx.msk [tilespmem:v47+s14+$0x0], $0xffff  }
0x275: {  	v50 =	vor.u32 v7, v1;
	v3 =	vld [tilespmem:$0x1FDC0];
	_ =	sdelay $0x3  }
0x276: {  	[tilespmem:v6+s22+$0x0] =	vst.idx.msk $0xffff, v4  }
0x277: {  	v6 =	vor.u32 s11, v3;
	v4 =	vld.idx.msk [tilespmem:v50+s14+$0x0], $0xffff  }
0x278: {  	v36 =	vmov v63;
	v63 =	vor.u32 v19, v1;
	v3 =	vld [tilespmem:$0x1FDD0];
	_ =	sdelay $0x3  }
0x279: {  	[tilespmem:v6+s22+$0x0] =	vst.idx.msk $0xffff, v4  }
0x27a: {  	v6 =	vor.u32 s11, v3;
	v4 =	vld.idx.msk [tilespmem:v63+s14+$0x0], $0xffff  }
0x27b: {  	v38 =	vor.u32 v53, v1;
	v3 =	vld [tilespmem:$0x1FE00];
	_ =	sdelay $0x3  }
0x27c: {  	[tilespmem:v6+s22+$0x0] =	vst.idx.msk $0xffff, v4  }
0x27d: {  	v6 =	vor.u32 s11, v3;
	v4 =	vld.idx.msk [tilespmem:v38+s14+$0x0], $0xffff  }
0x27e: {  	v39 =	vor.u32 v22, v1;
	v3 =	vld [tilespmem:$0x1FE20];
	_ =	sdelay $0x3  }
0x27f: {  	[tilespmem:v6+s22+$0x0] =	vst.idx.msk $0xffff, v4  }
0x280: {  	v6 =	vor.u32 s11, v3;
	v4 =	vld.idx.msk [tilespmem:v39+s14+$0x0], $0xffff  }
0x281: {  	v44 =	vor.u32 v16, v1;
	v3 =	vld [tilespmem:$0x1FE30];
	_ =	sdelay $0x3  }
0x282: {  	[tilespmem:v6+s22+$0x0] =	vst.idx.msk $0xffff, v4  }
0x283: {  	v6 =	vor.u32 s11, v3;
	v4 =	vld.idx.msk [tilespmem:v44+s14+$0x0], $0xffff  }
0x284: {  	v47 =	vor.u32 v43, v1;
	v3 =	vld [tilespmem:$0x1FE50];
	_ =	sdelay $0x3  }
0x285: {  	[tilespmem:v6+s22+$0x0] =	vst.idx.msk $0xffff, v4  }
0x286: {  	v6 =	vor.u32 s11, v3;
	v4 =	vld.idx.msk [tilespmem:v47+s14+$0x0], $0xffff  }
0x287: {  	v50 =	vor.u32 v41, v1;
	v3 =	vld [tilespmem:$0x1FE70];
	_ =	sdelay $0x3  }
0x288: {  	[tilespmem:v6+s22+$0x0] =	vst.idx.msk $0xffff, v4  }
0x289: {  	v6 =	vor.u32 s11, v3;
	v4 =	vld.idx.msk [tilespmem:v50+s14+$0x0], $0xffff  }
0x28a: {  	v63 =	vor.u32 v61, v1;
	v3 =	vld [tilespmem:$0x1FE80];
	_ =	sdelay $0x3  }
0x28b: {  	[tilespmem:v6+s22+$0x0] =	vst.idx.msk $0xffff, v4  }
0x28c: {  	v6 =	vor.u32 s11, v3;
	v4 =	vld.idx.msk [tilespmem:v63+s14+$0x0], $0xffff  }
0x28d: {  	v38 =	vor.u32 v62, v1;
	_ =	sdelay $0x3  }
0x28e: {  	[tilespmem:v6+s22+$0x0] =	vst.idx.msk $0xffff, v4  }
0x28f: {  	v6 =	vor.u32 s11, v52;
	v4 =	vld.idx.msk [tilespmem:v38+s14+$0x0], $0xffff  }
0x290: {  	v39 =	vor.u32 v46, v1;
	_ =	sdelay $0x3  }
0x291: {  	[tilespmem:v6+s22+$0x0] =	vst.idx.msk $0xffff, v4  }
0x292: {  	v6 =	vor.u32 s11, v57;
	v4 =	vld.idx.msk [tilespmem:v39+s14+$0x0], $0xffff  }
0x293: {  	v44 =	vor.u32 v30, v1;
	_ =	sdelay $0x3  }
0x294: {  	[tilespmem:v6+s22+$0x0] =	vst.idx.msk $0xffff, v4  }
0x295: {  	v6 =	vor.u32 s11, v58;
	v4 =	vld.idx.msk [tilespmem:v44+s14+$0x0], $0xffff  }
0x296: {  	v47 =	vor.u32 v0, v1;
	_ =	sdelay $0x3  }
0x297: {  	[tilespmem:v6+s22+$0x0] =	vst.idx.msk $0xffff, v4  }
0x298: {  	v6 =	vor.u32 s11, v59;
	v4 =	vld.idx.msk [tilespmem:v47+s14+$0x0], $0xffff  }
0x299: {  	v50 =	vor.u32 v31, v1;
	v63 =	vld [tilespmem:$0x1FF70];
	_ =	sdelay $0x3  }
0x29a: {  	[tilespmem:v6+s22+$0x0] =	vst.idx.msk $0xffff, v4  }
0x29b: {  	v6 =	vor.u32 s11, v63;
	v4 =	vld.idx.msk [tilespmem:v50+s14+$0x0], $0xffff  }
0x29c: {  	v12 =	vld [tilespmem:$0x1FFE0];
	v1 =	vor.u32 v32, v1;
	_ =	sdelay $0x3  }
0x29d: {  	[tilespmem:v6+s22+$0x0] =	vst.idx.msk $0xffff, v4  }
0x29e: {  	p1 =	sne.s32 s11, $0x70;
	v4 =	vor.u32 s11, v12;
	v1 =	vld.idx.msk [tilespmem:v1+s14+$0x0], $0xffff  }
.Ltmp5:
0x29f: {  	_ = 	snop;
	(pc) =	sbr.rel @p1 .LBB2_5-.Ltmp5, $3  }
0x2a0: {  	_ =	sdelay $0x1  }
0x2a1: {  	v38 =	vld [tilespmem:$0x1FED0]  }
0x2a2: {  	v24 =	vmov v28;
	s28 =	sadd.s32 $0x10, s28;
	s11 =	sadd.s32 $0x10, s11;
	[tilespmem:v4+s22+$0x0] =	vst.idx.msk $0xffff, v1;
	v1 =	vld [tilespmem:$0x1FD00]  }
0x2a3: {  	s11 =	sshll.u32 s29, $0x13  }
0x2a4: {  	s11 =	sor.u32 s4, s11  }
0x2a5: {  	s11 =	sshrl.u32 s11, $0x3  }
0x2a6: {  	p1 =	seq.s32 s29, $0xC;
	s11 =	sadd.s32 s2, s11  }
0x2a7: {  	[hbm4b:s11+s9] =	stream.strided.scatter [tilespmem:s22], [sflag:$0x2], $0x2000, s10, s9, $0x38;
	[tilespmem:$0x17800] =	vst v63  }
0x2a8: {  	s11 =	sshrl.u32 @!p1 s31, $0x2  }
0x2a9: {  	s28 =	simm.s32 @!p1 $0x80;
	s15 =	simm.s32 @!p1 $0x3800;
	s13 =	sadd.s32 @!p1 $0x1E00, s11  }
0x2aa: {  	[tilespmem:s15], [sflag:$0x1] =	stream.indirect.gather @!p1 [hbm4b:s6+s28], $0x80, s13, s28, $0xb8;
	[tilespmem:$0x17800] =	vst v63  }
0x2ab: {  	s11 =	sadd.s32 @!p1 $0x1E80, s11;
	s13 =	simm.s32 @!p1 $0x7800  }
0x2ac: {  	[tilespmem:s13], [sflag:$0x1] =	stream.indirect.gather @!p1 [hbm4b:s6+s28], $0x80, s11, s28, $0xb8;
	[tilespmem:$0x17800] =	vst v63  }
0x2ad: {  	p1 =	sgt.u32 s1, $0x18  }
.Ltmp6:
0x2ae: {  	_ = 	snop;
	(pc) =	sbr.rel @p1 .LBB2_10-.Ltmp6, $4  }
0x2af: {  	_ = 	snop  }
0x2b0: {  	[tilespmem:$0x1FA10] =	vst v43  }
0x2b1: {  	[tilespmem:$0x1FA20] =	vst v53  }
0x2b2: {  	[tilespmem:$0x1FA30] =	vst v19  }
0x2b3: {  	_ =	swait.ge [sflag:s21], $0x4000  }
0x2b4: {  	[sflag:s21] =	ssyncset.done $0x0  }
0x2b5: {  	[sflag:s21] =	ssyncadd.s32 $0xFFFFC000  }
0x2b6: {  	_ =	swait.ge [sflag:s21], $0x4000  }
0x2b7: {  	[sflag:s21] =	ssyncset.done $0x0  }
0x2b8: {  	s11 =	simm.s32 @!p0 $0x3;
	[sflag:s21] =	ssyncadd.s32 $0xFFFFC000  }
0x2b9: {  	_ =	swait.ge @!p0 [sflag:s11], $0x2000  }
0x2ba: {  	v50 =	vld [tilespmem:$0x1FF40]  }
0x2bb: {  	v43 =	vmov v22;
	v22 =	vld [tilespmem:$0x1FA30]  }
0x2bc: {  	[sflag:s11] =	ssyncset.done @!p0 $0x0;
	v47 =	vld [tilespmem:$0x1FA20]  }
0x2bd: {  	v44 =	vmovc v46;
	s28 =	smov.u32 s30;
	v28 =	vmov v55;
	v52 =	vmov v41;
	v41 =	vmov v61;
	v55 =	vld [tilespmem:$0x1FA10];
	[sflag:s11] =	ssyncadd.s32 @!p0 $0xFFFFE000;
	s11 =	simm.s32 $0x0  }
.LBB2_8:
0x2be: {  	v1 =	vld [tilespmem:s28+$0xFFFFFF80];
	_ =	sdelay $0x3  }
0x2bf: {  	v4 =	vmov s11  }
0x2c0: {  	v4 =	vshll.u32 v4, $0x7;
	v1 =	vshll.u32 v1, $0x5  }
0x2c1: {  	v4 =	vor.u32 v48, v4;
	v1 =	vand.u32 $0x60, v1  }
0x2c2: {  	v1 =	vor.u32 v4, v1  }
0x2c3: {  	v4 =	vor.u32 v60, v1;
	_ =	sdelay $0x4  }
0x2c4: {  	v6 =	vor.u32 s11, v10;
	v4 =	vld.idx.msk [tilespmem:v4+s18+$0x0], $0xffff  }
0x2c5: {  	v3 =	vld [tilespmem:$0x1FA40];
	v35 =	vor.u32 v36, v1;
	_ =	sdelay $0x3  }
0x2c6: {  	[tilespmem:v6+s23+$0x0] =	vst.idx.msk $0xffff, v4  }
0x2c7: {  	v6 =	vor.u32 s11, v3;
	v4 =	vld.idx.msk [tilespmem:v35+s18+$0x0], $0xffff  }
0x2c8: {  	v53 =	vor.u32 v24, v1;
	_ =	sdelay $0x3  }
0x2c9: {  	[tilespmem:v6+s23+$0x0] =	vst.idx.msk $0xffff, v4  }
0x2ca: {  	v6 =	vor.u32 s11, v5;
	v4 =	vld.idx.msk [tilespmem:v53+s18+$0x0], $0xffff;
	_ =	sdelay $0x4  }
0x2cb: {  	v61 =	vor.u32 v9, v1;
	[tilespmem:v6+s23+$0x0] =	vst.idx.msk $0xffff, v4;
	v6 =	vld [tilespmem:$0x1FA50];
	_ =	sdelay $0x4  }
0x2cc: {  	v4 =	vld.idx.msk [tilespmem:v61+s18+$0x0], $0xffff;
	v6 =	vor.u32 s11, v6  }
0x2cd: {  	v63 =	vor.u32 v37, v1;
	_ =	sdelay $0x3  }
0x2ce: {  	[tilespmem:v6+s23+$0x0] =	vst.idx.msk $0xffff, v4  }
0x2cf: {  	v6 =	vor.u32 s11, v20;
	v4 =	vld.idx.msk [tilespmem:v63+s18+$0x0], $0xffff  }
0x2d0: {  	v38 =	vor.u32 v13, v1  }
0x2d1: {  	v63 =	vld [tilespmem:$0x1FA60];
	_ =	sdelay $0x2  }
0x2d2: {  	[tilespmem:v6+s23+$0x0] =	vst.idx.msk $0xffff, v4  }
0x2d3: {  	v6 =	vor.u32 s11, v15;
	v4 =	vld.idx.msk [tilespmem:v38+s18+$0x0], $0xffff  }
0x2d4: {  	v39 =	vor.u32 v63, v1  }
0x2d5: {  	v12 =	vld [tilespmem:$0x1FA70];
	_ =	sdelay $0x2  }
0x2d6: {  	[tilespmem:v6+s23+$0x0] =	vst.idx.msk $0xffff, v4  }
0x2d7: {  	v6 =	vor.u32 s11, v17;
	v4 =	vld.idx.msk [tilespmem:v39+s18+$0x0], $0xffff  }
0x2d8: {  	v46 =	vor.u32 v12, v1;
	v3 =	vld [tilespmem:$0x1FA80]  }
0x2d9: {  	v21 =	vld [tilespmem:$0x1FA90];
	_ =	sdelay $0x2  }
0x2da: {  	[tilespmem:v6+s23+$0x0] =	vst.idx.msk $0xffff, v4  }
0x2db: {  	v6 =	vor.u32 s11, v3;
	v4 =	vld.idx.msk [tilespmem:v46+s18+$0x0], $0xffff  }
0x2dc: {  	v53 =	vor.u32 v21, v1  }
0x2dd: {  	v23 =	vld [tilespmem:$0x1FAA0];
	_ =	sdelay $0x2  }
0x2de: {  	[tilespmem:v6+s23+$0x0] =	vst.idx.msk $0xffff, v4  }
0x2df: {  	v6 =	vor.u32 s11, v14;
	v4 =	vld.idx.msk [tilespmem:v53+s18+$0x0], $0xffff  }
0x2e0: {  	v61 =	vor.u32 v23, v1  }
0x2e1: {  	v26 =	vld [tilespmem:$0x1FAB0];
	_ =	sdelay $0x2  }
0x2e2: {  	[tilespmem:v6+s23+$0x0] =	vst.idx.msk $0xffff, v4  }
0x2e3: {  	v6 =	vor.u32 s11, v25;
	v4 =	vld.idx.msk [tilespmem:v61+s18+$0x0], $0xffff  }
0x2e4: {  	v38 =	vor.u32 v26, v1  }
0x2e5: {  	v27 =	vld [tilespmem:$0x1FAC0];
	_ =	sdelay $0x2  }
0x2e6: {  	[tilespmem:v6+s23+$0x0] =	vst.idx.msk $0xffff, v4  }
0x2e7: {  	v6 =	vor.u32 s11, v45;
	v4 =	vld.idx.msk [tilespmem:v38+s18+$0x0], $0xffff  }
0x2e8: {  	v39 =	vor.u32 v27, v1;
	v3 =	vld [tilespmem:$0x1FAD0]  }
0x2e9: {  	v29 =	vld [tilespmem:$0x1FAE0];
	_ =	sdelay $0x2  }
0x2ea: {  	[tilespmem:v6+s23+$0x0] =	vst.idx.msk $0xffff, v4  }
0x2eb: {  	v6 =	vor.u32 s11, v3;
	v4 =	vld.idx.msk [tilespmem:v39+s18+$0x0], $0xffff  }
0x2ec: {  	v46 =	vor.u32 v29, v1  }
0x2ed: {  	v39 =	vld [tilespmem:$0x1FAF0];
	_ =	sdelay $0x2  }
0x2ee: {  	[tilespmem:v6+s23+$0x0] =	vst.idx.msk $0xffff, v4  }
0x2ef: {  	v6 =	vor.u32 s11, v18;
	v4 =	vld.idx.msk [tilespmem:v46+s18+$0x0], $0xffff  }
0x2f0: {  	v53 =	vor.u32 v39, v1  }
0x2f1: {  	v3 =	vld [tilespmem:$0x1FB00];
	_ =	sdelay $0x2  }
0x2f2: {  	[tilespmem:v6+s23+$0x0] =	vst.idx.msk $0xffff, v4  }
0x2f3: {  	v6 =	vor.u32 s11, v34;
	v4 =	vld.idx.msk [tilespmem:v53+s18+$0x0], $0xffff  }
0x2f4: {  	v61 =	vor.u32 v3, v1  }
0x2f5: {  	v46 =	vld [tilespmem:$0x1FB10];
	_ =	sdelay $0x2  }
0x2f6: {  	[tilespmem:v6+s23+$0x0] =	vst.idx.msk $0xffff, v4  }
0x2f7: {  	v6 =	vor.u32 s11, v49;
	v4 =	vld.idx.msk [tilespmem:v61+s18+$0x0], $0xffff  }
0x2f8: {  	v38 =	vor.u32 v46, v1;
	_ =	sdelay $0x3  }
0x2f9: {  	[tilespmem:v6+s23+$0x0] =	vst.idx.msk $0xffff, v4  }
0x2fa: {  	v6 =	vor.u32 s11, v51;
	v4 =	vld.idx.msk [tilespmem:v38+s18+$0x0], $0xffff;
	_ =	sdelay $0x4  }
0x2fb: {  	v53 =	vor.u32 v28, v1;
	[tilespmem:v6+s23+$0x0] =	vst.idx.msk $0xffff, v4;
	v6 =	vld [tilespmem:$0x1FF10];
	_ =	sdelay $0x4  }
0x2fc: {  	v4 =	vld.idx.msk [tilespmem:v53+s18+$0x0], $0xffff;
	v6 =	vor.u32 s11, v6;
	_ =	sdelay $0x4  }
0x2fd: {  	v61 =	vor.u32 v50, v1;
	[tilespmem:v6+s23+$0x0] =	vst.idx.msk $0xffff, v4;
	v6 =	vld [tilespmem:$0x1FB20]  }
0x2fe: {  	v7 =	vld [tilespmem:$0x1FF90];
	_ =	sdelay $0x3  }
0x2ff: {  	v4 =	vld.idx.msk [tilespmem:v61+s18+$0x0], $0xffff;
	v6 =	vor.u32 s11, v6  }
0x300: {  	v38 =	vor.u32 v7, v1;
	_ =	sdelay $0x3  }
0x301: {  	[tilespmem:v6+s23+$0x0] =	vst.idx.msk $0xffff, v4  }
0x302: {  	v6 =	vor.u32 s11, v40;
	v4 =	vld.idx.msk [tilespmem:v38+s18+$0x0], $0xffff  }
0x303: {  	v53 =	vor.u32 v22, v1;
	_ =	sdelay $0x3  }
0x304: {  	[tilespmem:v6+s23+$0x0] =	vst.idx.msk $0xffff, v4  }
0x305: {  	v6 =	vor.u32 s11, v42;
	v4 =	vld.idx.msk [tilespmem:v53+s18+$0x0], $0xffff  }
0x306: {  	v61 =	vor.u32 v47, v1;
	_ =	sdelay $0x3  }
0x307: {  	[tilespmem:v6+s23+$0x0] =	vst.idx.msk $0xffff, v4  }
0x308: {  	v6 =	vor.u32 s11, v11;
	v4 =	vld.idx.msk [tilespmem:v61+s18+$0x0], $0xffff;
	_ =	sdelay $0x4  }
0x309: {  	v38 =	vor.u32 v43, v1;
	[tilespmem:v6+s23+$0x0] =	vst.idx.msk $0xffff, v4;
	v6 =	vld [tilespmem:$0x1FBA0];
	_ =	sdelay $0x4  }
0x30a: {  	v4 =	vld.idx.msk [tilespmem:v38+s18+$0x0], $0xffff;
	v6 =	vor.u32 s11, v6;
	_ =	sdelay $0x4  }
0x30b: {  	v53 =	vor.u32 v16, v1;
	[tilespmem:v6+s23+$0x0] =	vst.idx.msk $0xffff, v4;
	v6 =	vld [tilespmem:$0x1FFC0];
	_ =	sdelay $0x4  }
0x30c: {  	v4 =	vld.idx.msk [tilespmem:v53+s18+$0x0], $0xffff;
	v6 =	vor.u32 s11, v6;
	_ =	sdelay $0x4  }
0x30d: {  	v61 =	vor.u32 v55, v1;
	[tilespmem:v6+s23+$0x0] =	vst.idx.msk $0xffff, v4;
	v6 =	vld [tilespmem:$0x1FFB0];
	_ =	sdelay $0x4  }
0x30e: {  	v4 =	vld.idx.msk [tilespmem:v61+s18+$0x0], $0xffff;
	v6 =	vor.u32 s11, v6;
	_ =	sdelay $0x4  }
0x30f: {  	v38 =	vor.u32 v52, v1;
	[tilespmem:v6+s23+$0x0] =	vst.idx.msk $0xffff, v4;
	v6 =	vld [tilespmem:$0x1FBC0];
	_ =	sdelay $0x4  }
0x310: {  	v4 =	vld.idx.msk [tilespmem:v38+s18+$0x0], $0xffff;
	v6 =	vor.u32 s11, v6;
	_ =	sdelay $0x4  }
0x311: {  	v53 =	vor.u32 v41, v1;
	[tilespmem:v6+s23+$0x0] =	vst.idx.msk $0xffff, v4;
	v6 =	vld [tilespmem:$0x1FBE0];
	_ =	sdelay $0x4  }
0x312: {  	v4 =	vld.idx.msk [tilespmem:v53+s18+$0x0], $0xffff;
	v6 =	vor.u32 s11, v6;
	_ =	sdelay $0x4  }
0x313: {  	v61 =	vor.u32 v62, v1;
	[tilespmem:v6+s23+$0x0] =	vst.idx.msk $0xffff, v4;
	v6 =	vld [tilespmem:$0x1FBF0];
	_ =	sdelay $0x4  }
0x314: {  	v4 =	vld.idx.msk [tilespmem:v61+s18+$0x0], $0xffff;
	v6 =	vor.u32 s11, v6  }
0x315: {  	v38 =	vor.u32 v44, v1;
	_ =	sdelay $0x3  }
0x316: {  	[tilespmem:v6+s23+$0x0] =	vst.idx.msk $0xffff, v4  }
0x317: {  	v6 =	vor.u32 s11, v54;
	v4 =	vld.idx.msk [tilespmem:v38+s18+$0x0], $0xffff  }
0x318: {  	v53 =	vor.u32 v30, v1;
	_ =	sdelay $0x3  }
0x319: {  	[tilespmem:v6+s23+$0x0] =	vst.idx.msk $0xffff, v4  }
0x31a: {  	v6 =	vor.u32 s11, v8;
	v4 =	vld.idx.msk [tilespmem:v53+s18+$0x0], $0xffff  }
0x31b: {  	v61 =	vor.u32 v0, v1;
	_ =	sdelay $0x3  }
0x31c: {  	[tilespmem:v6+s23+$0x0] =	vst.idx.msk $0xffff, v4  }
0x31d: {  	v6 =	vor.u32 s11, v56;
	v4 =	vld.idx.msk [tilespmem:v61+s18+$0x0], $0xffff;
	_ =	sdelay $0x4  }
0x31e: {  	v38 =	vor.u32 v31, v1;
	[tilespmem:v6+s23+$0x0] =	vst.idx.msk $0xffff, v4;
	v6 =	vld [tilespmem:$0x1FC10];
	_ =	sdelay $0x4  }
0x31f: {  	v4 =	vld.idx.msk [tilespmem:v38+s18+$0x0], $0xffff;
	v6 =	vor.u32 s11, v6;
	_ =	sdelay $0x4  }
0x320: {  	v1 =	vor.u32 v32, v1;
	[tilespmem:v6+s23+$0x0] =	vst.idx.msk $0xffff, v4;
	v4 =	vld [tilespmem:$0x1FC20];
	_ =	sdelay $0x4  }
0x321: {  	v1 =	vld.idx.msk [tilespmem:v1+s18+$0x0], $0xffff;
	v4 =	vor.u32 s11, v4;
	_ =	sdelay $0x4  }
0x322: {  	[tilespmem:v4+s23+$0x0] =	vst.idx.msk $0xffff, v1  }
0x323: {  	v1 =	vld [tilespmem:s28+$0x0];
	_ =	sdelay $0x2  }
0x324: {  	s13 =	sadd.s32 $0x80, s11  }
0x325: {  	v4 =	vmov s13  }
0x326: {  	v4 =	vshll.u32 v4, $0x7;
	v1 =	vshll.u32 v1, $0x5  }
0x327: {  	v4 =	vor.u32 v48, v4;
	v1 =	vand.u32 $0x60, v1  }
0x328: {  	v1 =	vor.u32 v4, v1  }
0x329: {  	v4 =	vor.u32 v60, v1;
	_ =	sdelay $0x4  }
0x32a: {  	v6 =	vor.u32 s11, v33;
	v4 =	vld.idx.msk [tilespmem:v4+s18+$0x0], $0xffff;
	_ =	sdelay $0x4  }
0x32b: {  	v53 =	vor.u32 v36, v1;
	[tilespmem:v6+s23+$0x0] =	vst.idx.msk $0xffff, v4;
	v6 =	vld [tilespmem:$0x1FC40];
	_ =	sdelay $0x4  }
0x32c: {  	v4 =	vld.idx.msk [tilespmem:v53+s18+$0x0], $0xffff;
	v6 =	vor.u32 s11, v6;
	_ =	sdelay $0x4  }
0x32d: {  	v61 =	vor.u32 v24, v1;
	[tilespmem:v6+s23+$0x0] =	vst.idx.msk $0xffff, v4;
	v6 =	vld [tilespmem:$0x1FC50];
	_ =	sdelay $0x4  }
0x32e: {  	v4 =	vld.idx.msk [tilespmem:v61+s18+$0x0], $0xffff;
	v6 =	vor.u32 s11, v6;
	_ =	sdelay $0x4  }
0x32f: {  	v38 =	vor.u32 v9, v1;
	[tilespmem:v6+s23+$0x0] =	vst.idx.msk $0xffff, v4;
	v6 =	vld [tilespmem:$0x1FC60];
	_ =	sdelay $0x4  }
0x330: {  	v4 =	vld.idx.msk [tilespmem:v38+s18+$0x0], $0xffff;
	v6 =	vor.u32 s11, v6;
	_ =	sdelay $0x4  }
0x331: {  	v53 =	vor.u32 v37, v1;
	[tilespmem:v6+s23+$0x0] =	vst.idx.msk $0xffff, v4;
	v6 =	vld [tilespmem:$0x1FC70];
	_ =	sdelay $0x4  }
0x332: {  	v4 =	vld.idx.msk [tilespmem:v53+s18+$0x0], $0xffff;
	v6 =	vor.u32 s11, v6;
	_ =	sdelay $0x4  }
0x333: {  	v61 =	vor.u32 v13, v1;
	[tilespmem:v6+s23+$0x0] =	vst.idx.msk $0xffff, v4;
	v6 =	vld [tilespmem:$0x1FC80];
	_ =	sdelay $0x4  }
0x334: {  	v4 =	vld.idx.msk [tilespmem:v61+s18+$0x0], $0xffff;
	v6 =	vor.u32 s11, v6;
	_ =	sdelay $0x4  }
0x335: {  	v38 =	vor.u32 v63, v1;
	[tilespmem:v6+s23+$0x0] =	vst.idx.msk $0xffff, v4;
	v6 =	vld [tilespmem:$0x1FC90];
	_ =	sdelay $0x4  }
0x336: {  	v4 =	vld.idx.msk [tilespmem:v38+s18+$0x0], $0xffff;
	v6 =	vor.u32 s11, v6;
	_ =	sdelay $0x4  }
0x337: {  	v53 =	vor.u32 v12, v1;
	[tilespmem:v6+s23+$0x0] =	vst.idx.msk $0xffff, v4;
	v6 =	vld [tilespmem:$0x1FCA0];
	_ =	sdelay $0x4  }
0x338: {  	v4 =	vld.idx.msk [tilespmem:v53+s18+$0x0], $0xffff;
	v6 =	vor.u32 s11, v6;
	_ =	sdelay $0x4  }
0x339: {  	v61 =	vor.u32 v21, v1;
	[tilespmem:v6+s23+$0x0] =	vst.idx.msk $0xffff, v4;
	v6 =	vld [tilespmem:$0x1FCB0];
	_ =	sdelay $0x4  }
0x33a: {  	v4 =	vld.idx.msk [tilespmem:v61+s18+$0x0], $0xffff;
	v6 =	vor.u32 s11, v6;
	_ =	sdelay $0x4  }
0x33b: {  	v63 =	vor.u32 v23, v1;
	[tilespmem:v6+s23+$0x0] =	vst.idx.msk $0xffff, v4;
	v6 =	vld [tilespmem:$0x1FCC0];
	_ =	sdelay $0x4  }
0x33c: {  	v4 =	vld.idx.msk [tilespmem:v63+s18+$0x0], $0xffff;
	v6 =	vor.u32 s11, v6;
	_ =	sdelay $0x4  }
0x33d: {  	v38 =	vor.u32 v26, v1;
	[tilespmem:v6+s23+$0x0] =	vst.idx.msk $0xffff, v4;
	v6 =	vld [tilespmem:$0x1FCD0];
	_ =	sdelay $0x4  }
0x33e: {  	v4 =	vld.idx.msk [tilespmem:v38+s18+$0x0], $0xffff;
	v6 =	vor.u32 s11, v6;
	_ =	sdelay $0x4  }
0x33f: {  	v53 =	vor.u32 v27, v1;
	[tilespmem:v6+s23+$0x0] =	vst.idx.msk $0xffff, v4;
	v6 =	vld [tilespmem:$0x1FCE0];
	_ =	sdelay $0x4  }
0x340: {  	v4 =	vld.idx.msk [tilespmem:v53+s18+$0x0], $0xffff;
	v6 =	vor.u32 s11, v6;
	_ =	sdelay $0x4  }
0x341: {  	v61 =	vor.u32 v29, v1;
	[tilespmem:v6+s23+$0x0] =	vst.idx.msk $0xffff, v4;
	v6 =	vld [tilespmem:$0x1FCF0];
	_ =	sdelay $0x4  }
0x342: {  	v4 =	vld.idx.msk [tilespmem:v61+s18+$0x0], $0xffff;
	v6 =	vor.u32 s11, v6;
	_ =	sdelay $0x4  }
0x343: {  	v63 =	vor.u32 v39, v1;
	[tilespmem:v6+s23+$0x0] =	vst.idx.msk $0xffff, v4;
	v6 =	vld [tilespmem:$0x1FD30];
	_ =	sdelay $0x4  }
0x344: {  	v4 =	vld.idx.msk [tilespmem:v63+s18+$0x0], $0xffff;
	v6 =	vor.u32 s11, v6  }
0x345: {  	v38 =	vor.u32 v3, v1;
	v3 =	vld [tilespmem:$0x1FD60];
	_ =	sdelay $0x3  }
0x346: {  	[tilespmem:v6+s23+$0x0] =	vst.idx.msk $0xffff, v4  }
0x347: {  	v6 =	vor.u32 s11, v3;
	v4 =	vld.idx.msk [tilespmem:v38+s18+$0x0], $0xffff  }
0x348: {  	v39 =	vor.u32 v46, v1;
	v3 =	vld [tilespmem:$0x1FD70];
	_ =	sdelay $0x3  }
0x349: {  	[tilespmem:v6+s23+$0x0] =	vst.idx.msk $0xffff, v4  }
0x34a: {  	v6 =	vor.u32 s11, v3;
	v4 =	vld.idx.msk [tilespmem:v39+s18+$0x0], $0xffff  }
0x34b: {  	v46 =	vor.u32 v28, v1;
	_ =	sdelay $0x3  }
0x34c: {  	[tilespmem:v6+s23+$0x0] =	vst.idx.msk $0xffff, v4  }
0x34d: {  	v6 =	vor.u32 s11, v2;
	v4 =	vld.idx.msk [tilespmem:v46+s18+$0x0], $0xffff  }
0x34e: {  	v53 =	vor.u32 v50, v1;
	v3 =	vld [tilespmem:$0x1FDA0];
	_ =	sdelay $0x3  }
0x34f: {  	[tilespmem:v6+s23+$0x0] =	vst.idx.msk $0xffff, v4  }
0x350: {  	v6 =	vor.u32 s11, v3;
	v4 =	vld.idx.msk [tilespmem:v53+s18+$0x0], $0xffff  }
0x351: {  	v61 =	vor.u32 v7, v1;
	v3 =	vld [tilespmem:$0x1FDC0];
	_ =	sdelay $0x3  }
0x352: {  	[tilespmem:v6+s23+$0x0] =	vst.idx.msk $0xffff, v4  }
0x353: {  	v6 =	vor.u32 s11, v3;
	v4 =	vld.idx.msk [tilespmem:v61+s18+$0x0], $0xffff  }
0x354: {  	v63 =	vor.u32 v22, v1;
	v3 =	vld [tilespmem:$0x1FDD0];
	_ =	sdelay $0x3  }
0x355: {  	[tilespmem:v6+s23+$0x0] =	vst.idx.msk $0xffff, v4  }
0x356: {  	v6 =	vor.u32 s11, v3;
	v4 =	vld.idx.msk [tilespmem:v63+s18+$0x0], $0xffff  }
0x357: {  	v38 =	vor.u32 v47, v1;
	v3 =	vld [tilespmem:$0x1FE00];
	_ =	sdelay $0x3  }
0x358: {  	[tilespmem:v6+s23+$0x0] =	vst.idx.msk $0xffff, v4  }
0x359: {  	v6 =	vor.u32 s11, v3;
	v4 =	vld.idx.msk [tilespmem:v38+s18+$0x0], $0xffff  }
0x35a: {  	v39 =	vor.u32 v43, v1;
	v3 =	vld [tilespmem:$0x1FE20];
	_ =	sdelay $0x3  }
0x35b: {  	[tilespmem:v6+s23+$0x0] =	vst.idx.msk $0xffff, v4  }
0x35c: {  	v6 =	vor.u32 s11, v3;
	v4 =	vld.idx.msk [tilespmem:v39+s18+$0x0], $0xffff  }
0x35d: {  	v46 =	vor.u32 v16, v1;
	v3 =	vld [tilespmem:$0x1FE30];
	_ =	sdelay $0x3  }
0x35e: {  	[tilespmem:v6+s23+$0x0] =	vst.idx.msk $0xffff, v4  }
0x35f: {  	v6 =	vor.u32 s11, v3;
	v4 =	vld.idx.msk [tilespmem:v46+s18+$0x0], $0xffff  }
0x360: {  	v53 =	vor.u32 v55, v1;
	v3 =	vld [tilespmem:$0x1FE50];
	_ =	sdelay $0x3  }
0x361: {  	[tilespmem:v6+s23+$0x0] =	vst.idx.msk $0xffff, v4  }
0x362: {  	v6 =	vor.u32 s11, v3;
	v4 =	vld.idx.msk [tilespmem:v53+s18+$0x0], $0xffff  }
0x363: {  	v61 =	vor.u32 v52, v1;
	v3 =	vld [tilespmem:$0x1FE70];
	_ =	sdelay $0x3  }
0x364: {  	[tilespmem:v6+s23+$0x0] =	vst.idx.msk $0xffff, v4  }
0x365: {  	v6 =	vor.u32 s11, v3;
	v4 =	vld.idx.msk [tilespmem:v61+s18+$0x0], $0xffff  }
0x366: {  	v63 =	vor.u32 v41, v1;
	v3 =	vld [tilespmem:$0x1FE80];
	_ =	sdelay $0x3  }
0x367: {  	[tilespmem:v6+s23+$0x0] =	vst.idx.msk $0xffff, v4  }
0x368: {  	v6 =	vor.u32 s11, v3;
	v4 =	vld.idx.msk [tilespmem:v63+s18+$0x0], $0xffff  }
0x369: {  	v38 =	vor.u32 v62, v1;
	v3 =	vld [tilespmem:$0x1FFF0];
	_ =	sdelay $0x3  }
0x36a: {  	[tilespmem:v6+s23+$0x0] =	vst.idx.msk $0xffff, v4  }
0x36b: {  	v6 =	vor.u32 s11, v3;
	v4 =	vld.idx.msk [tilespmem:v38+s18+$0x0], $0xffff  }
0x36c: {  	v39 =	vor.u32 v44, v1;
	_ =	sdelay $0x3  }
0x36d: {  	[tilespmem:v6+s23+$0x0] =	vst.idx.msk $0xffff, v4  }
0x36e: {  	v6 =	vor.u32 s11, v57;
	v4 =	vld.idx.msk [tilespmem:v39+s18+$0x0], $0xffff  }
0x36f: {  	v46 =	vor.u32 v30, v1;
	_ =	sdelay $0x3  }
0x370: {  	[tilespmem:v6+s23+$0x0] =	vst.idx.msk $0xffff, v4  }
0x371: {  	v6 =	vor.u32 s11, v58;
	v4 =	vld.idx.msk [tilespmem:v46+s18+$0x0], $0xffff  }
0x372: {  	v53 =	vor.u32 v0, v1;
	_ =	sdelay $0x3  }
0x373: {  	[tilespmem:v6+s23+$0x0] =	vst.idx.msk $0xffff, v4  }
0x374: {  	v6 =	vor.u32 s11, v59;
	v4 =	vld.idx.msk [tilespmem:v53+s18+$0x0], $0xffff  }
0x375: {  	v61 =	vor.u32 v31, v1;
	v63 =	vld [tilespmem:$0x1FF70];
	_ =	sdelay $0x3  }
0x376: {  	[tilespmem:v6+s23+$0x0] =	vst.idx.msk $0xffff, v4  }
0x377: {  	v6 =	vor.u32 s11, v63;
	v4 =	vld.idx.msk [tilespmem:v61+s18+$0x0], $0xffff  }
0x378: {  	v1 =	vor.u32 v32, v1;
	v3 =	vld [tilespmem:$0x1FFE0];
	_ =	sdelay $0x3  }
0x379: {  	[tilespmem:v6+s23+$0x0] =	vst.idx.msk $0xffff, v4  }
0x37a: {  	p0 =	sne.s32 s11, $0x70;
	v4 =	vor.u32 s11, v3;
	v1 =	vld.idx.msk [tilespmem:v1+s18+$0x0], $0xffff  }
.Ltmp7:
0x37b: {  	_ = 	snop;
	(pc) =	sbr.rel @p0 .LBB2_8-.Ltmp7, $2  }
0x37c: {  	_ =	sdelay $0x2  }
0x37d: {  	s28 =	sadd.s32 $0x10, s28;
	s11 =	sadd.s32 $0x10, s11;
	[tilespmem:v4+s23+$0x0] =	vst.idx.msk $0xffff, v1  }
0x37e: {  	s1 =	sshll.u32 s1, $0x12  }
0x37f: {  	s1 =	sor.u32 s4, s1  }
0x380: {  	s1 =	sshrl.u32 s1, $0x3  }
0x381: {  	p0 =	sgt.u32 s29, $0xA;
	s1 =	sadd.s32 s2, s1  }
0x382: {  	[hbm4b:s1+s9] =	stream.strided.scatter [tilespmem:s23], [sflag:$0x3], $0x2000, s10, s9, $0x38;
	[tilespmem:$0x17800] =	vst v63  }
.Ltmp8:
0x383: {  	s1 =	sshrl.u32 @!p0 s31, $0x2;
	(pc) =	sbr.rel .LBB2_10-.Ltmp8, $4  }
0x384: {  	s13 =	simm.s32 @!p0 $0x80;
	s15 =	simm.s32 @!p0 $0xB800;
	s11 =	sadd.s32 @!p0 $0x1F00, s1  }
0x385: {  	v1 =	vld [tilespmem:$0x1FD00];
	[tilespmem:s15], [sflag:$0x1] =	stream.indirect.gather @!p0 [hbm4b:s6+s13], $0x80, s11, s13, $0xb8  }
0x386: {  	v38 =	vld [tilespmem:$0x1FED0];
	s1 =	sadd.s32 @!p0 $0x1F80, s1;
	s11 =	simm.s32 @!p0 $0xF800  }
0x387: {  	v52 =	vld [tilespmem:$0x1FFF0];
	v55 =	vmov v28;
	[tilespmem:s11], [sflag:$0x1] =	stream.indirect.gather @!p0 [hbm4b:s6+s13], $0x80, s1, s13, $0xb8  }
.LBB2_12:
0x388: {  	_ =	sfence.sel $0x180000  }
0x389: {  	[bflag:$0x0] =	sbarrier.arrive $0xFFFF  }
0x38a: {  	_ =	strace $0x90000047  }
0x38b: {  	s0 =	stileid.u32;
	[bflag:$0x2] =	sbarrier.arrive $0xFFFF  }
0x38c: {  	p0 =	sne.s32 s0, $0x0;
	s0 =	rddreg [dreg:$0x3]  }
0x38d: {  	s0 =	sadd.s32 @!p0 $0x100000, s0  }
0x38e: {  	[sflag:s0] =	ssyncadd.tile.s32 @!p0 $0x1;
	_ =	shalt  }
.Lfunc_end2:
_tile_overlayer_lowered:
.L_overlay_start_2:
0x38f: {  	(tag) =	ssettag $0x2  }
0x390: {  	s0 =	rddreg [dreg:$0x0];
	s2 =	stileid.u32  }
0x391: {  	s1 =	rddreg [dreg:$0x1];
	p0 =	sne.s32 s2, $0x0  }
0x392: {  	s3 =	rddreg [dreg:$0x2];
	[bflag:$0x3] =	sbarrier.arrive $0xFFFF;
	s2 =	simm.s32 @!p0 $0x1C04  }
0x393: {  	[timem:s3], [sflag:s2] =	dma.local @!p0 [hbm:s0], s1  }
0x394: {  	s0 =	simm.s32 @!p0 $0x4  }
0x395: {  	_ =	swait.ge @!p0 [sflag:s0], s1  }
0x396: {  	s1 =	ssub.s32 @!p0 $0x0, s1;
	[sflag:s0] =	ssyncset.done @!p0 $0x0  }
0x397: {  	[sflag:s0] =	ssyncadd.s32 @!p0 s1  }
0x398: {  	[bflag:$0x3] =	sbarrier.arrive $0xFFFF  }
0x399: {  	_ =	shalt  }

</sc_bundles>
